<compile_context>
chip_gen: v7x
topology: tpu7x:2x2x1
jax: 0.10.2.dev20260603
libtpu: 0.0.44.dev20260713+nightly
codegen_flags: <defaults>
</compile_context>

<pallas_src>
import functools
import math

import jax
import jax.numpy as jnp
from jax import lax
from jax.experimental import pallas as pl
from jax.experimental.pallas import tpu as pltpu
from jax.experimental.pallas import tpu_sc as plsc

D_MODEL = 64
SCALE = math.sqrt(D_MODEL)
NUM_CORES = 2
NUM_SUBCORES = 16
NUM_WORKERS = NUM_CORES * NUM_SUBCORES
LANES = 16
ROWS_PER_CHUNK = 4


def _emb_call(S, T):
    rows_per_w = S // NUM_WORKERS
    CH = ROWS_PER_CHUNK * T
    n_chunks = rows_per_w // ROWS_PER_CHUNK
    assert n_chunks % 2 == 0
    mesh = plsc.VectorSubcoreMesh(core_axis_name="c", subcore_axis_name="s")

    @functools.partial(
        pl.kernel,
        mesh=mesh,
        out_type=jax.ShapeDtypeStruct((S, T, 2 * D_MODEL), jnp.float32),
        scratch_types=[
            pltpu.VMEM((CH,), jnp.int32),
            pltpu.VMEM((CH,), jnp.int32),
            pltpu.VMEM((2, CH, D_MODEL), jnp.float32),
            pltpu.SemaphoreType.DMA,
            pltpu.SemaphoreType.DMA,
            pltpu.SemaphoreType.DMA,
            pltpu.SemaphoreType.DMA,
            pltpu.SemaphoreType.DMA,
            pltpu.SemaphoreType.DMA,
        ],
        compiler_params=pltpu.CompilerParams(use_tc_tiling_on_sc=False),
    )
    def emb_kernel(x_hbm, table_hbm, out_hbm, idx0, idx1, rows_v,
                   si0, si1, sg0, sg1, so0, so1):
        wid = lax.axis_index("s") * NUM_CORES + lax.axis_index("c")
        base_row = wid * rows_per_w
        idxs = (idx0, idx1)
        isems = (si0, si1)
        gsems = (sg0, sg1)
        osems = (so0, so1)

        def i_descs(ci, b):
            r0 = base_row + ci * ROWS_PER_CHUNK
            return [
                pltpu.make_async_copy(
                    x_hbm.at[r0 + j], idxs[b].at[pl.ds(T * j, T)], isems[b]
                )
                for j in range(ROWS_PER_CHUNK)
            ]

        def g_desc(ci, b):
            return pltpu.make_async_copy(
                table_hbm.at[idxs[b]], rows_v.at[b], gsems[b]
            )

        def o_descs(ci, b):
            r0 = base_row + ci * ROWS_PER_CHUNK
            return [
                pltpu.make_async_copy(
                    rows_v.at[b, pl.ds(T * j, T)],
                    out_hbm.at[r0 + j, pl.ds(0, T), pl.ds(0, D_MODEL)],
                    osems[b],
                )
                for j in range(ROWS_PER_CHUNK)
            ]

        def scale(b):
            def body(i, c):
                for u in range(8):
                    r = i * 8 + u
                    for j in range(D_MODEL // LANES):
                        sl = pl.ds(j * LANES, LANES)
                        rows_v[b, r, sl] = rows_v[b, r, sl] * SCALE
                return c

            lax.fori_loop(0, CH // 8, body, 0)

        for d in i_descs(0, 0):
            d.start()
        for d in i_descs(0, 0):
            d.wait()
        g_desc(0, 0).start()
        for d in i_descs(1, 1):
            d.start()

        def outer(g, carry):
            for b in (0, 1):
                ci = 2 * g + b
                nb = 1 - b

                @pl.when(ci >= 1)
                def _():
                    for d in o_descs(ci - 1, nb):
                        d.wait()

                @pl.when(ci + 1 < n_chunks)
                def _():
                    for d in i_descs(ci + 1, nb):
                        d.wait()
                    g_desc(ci + 1, nb).start()

                g_desc(ci, b).wait()

                @pl.when(ci + 2 < n_chunks)
                def _():
                    for d in i_descs(ci + 2, b):
                        d.start()

                scale(b)
                for d in o_descs(ci, b):
                    d.start()
            return carry

        lax.fori_loop(0, n_chunks // 2, outer, 0)
        for d in o_descs(n_chunks - 1, 1):
            d.wait()

    return emb_kernel


def kernel(x, table):
    S, T = x.shape
    out128 = _emb_call(S, T)(x.astype(jnp.int32), table)
    return lax.slice(out128, (0, 0, 0), (S, T, D_MODEL))

# --- scband reference (transcript-rebuilt; emitter-appended) ---
"""Pipeline reference for scband-embeddings-58626303591001 (READ-ONLY COPY).

The authoritative reference and input builder live on the scoring server;
editing this copy changes nothing except your own understanding.
"""

import jax, jax.numpy as jnp
import numpy as np
import math

D_MODEL = 64
NUM_TYPES = 1000000

def setup_inputs(seed: int = 0) -> dict:
    key = jax.random.key(seed)
    k1, k2 = jax.random.split(key)
    x = jax.random.randint(k1, (4096, 200), 0, NUM_TYPES, dtype=jnp.int64 if jax.config.jax_enable_x64 else jnp.int32)
    table = jax.random.normal(k2, (NUM_TYPES, D_MODEL), dtype=jnp.float32)
    return {"x": x, "table": table}

def reference(x, table):
    # Embeddings.forward: self.type_emb(x) * math.sqrt(self.d_model)
    emb = jnp.take(table, x, axis=0)
    return emb * math.sqrt(D_MODEL)

if __name__ == "__main__":
    import jax
    _d = setup_inputs()
    print(jax.jit(kernel)(*tuple(_d.values())))

</pallas_src>

<mosaic_0001>
#map = affine_map<(d0, d1) -> (0, 0)>
#map1 = affine_map<(d0, d1) -> (0, 0, 0)>
module attributes {stable_mosaic.version = 14 : i64} {
  func.func @emb_kernel(%arg0: i32, %arg1: i32, %arg2: memref<4096x200xi32, #tpu.memory_space<hbm>>, %arg3: memref<1000000x64xf32, #tpu.memory_space<hbm>>, %arg4: memref<4096x200x128xf32, #tpu.memory_space<hbm>>, %arg5: memref<800xi32, #tpu.memory_space<vmem>>, %arg6: memref<800xi32, #tpu.memory_space<vmem>>, %arg7: memref<2x800x64xf32, #tpu.memory_space<vmem>>, %arg8: memref<!tpu.dma_semaphore, #tpu.memory_space<semaphore_mem>>, %arg9: memref<!tpu.dma_semaphore, #tpu.memory_space<semaphore_mem>>, %arg10: memref<!tpu.dma_semaphore, #tpu.memory_space<semaphore_mem>>, %arg11: memref<!tpu.dma_semaphore, #tpu.memory_space<semaphore_mem>>, %arg12: memref<!tpu.dma_semaphore, #tpu.memory_space<semaphore_mem>>, %arg13: memref<!tpu.dma_semaphore, #tpu.memory_space<semaphore_mem>>) attributes {dimension_semantics = [#tpu.dimension_semantics<core_parallel>, #tpu.dimension_semantics<subcore_parallel>], iteration_bounds = array<i64: 2, 16>, scalar_prefetch = 0 : i64, scratch_operands = 9 : i64, tpu.core_type = #tpu.core_type<sc_vector_subcore>, window_params = [{transform_indices = #map}, {transform_indices = #map}, {transform_indices = #map1}]} {
    %mul3A = arith.constant 2 : i32
    %mul3A_0 = arith.muli %arg1, %mul3A : i32
    %add3A = arith.addi %mul3A_0, %arg0 : i32
    %mul3A_1 = arith.constant 128 : i32
    %mul3A_2 = arith.muli %add3A, %mul3A_1 : i32
    %add3A_3 = arith.constant 0 : i32
    %add3A_4 = arith.addi %mul3A_2, %add3A_3 : i32
    %add3A_5 = arith.constant 0 : i32
    %add3A_6 = arith.addi %add3A_4, %add3A_5 : i32
    %add3A_7 = arith.constant 1 : i32
    %add3A_8 = arith.addi %add3A_4, %add3A_7 : i32
    %add3A_9 = arith.constant 2 : i32
    %add3A_10 = arith.addi %add3A_4, %add3A_9 : i32
    %add3A_11 = arith.constant 3 : i32
    %add3A_12 = arith.addi %add3A_4, %add3A_11 : i32
    %dma_start3A = arith.constant 0 : i32
    %dma_start3A_13 = tpu.memref_slice %arg5[%dma_start3A] : memref<800xi32, #tpu.memory_space<vmem>> -> memref<200xi32, #tpu.memory_space<vmem>>
    %dma_start3A_14 = arith.constant 0 : i32
    %dma_start3A_15 = tpu.memref_slice %arg2[%add3A_6, %dma_start3A_14] : memref<4096x200xi32, #tpu.memory_space<hbm>> -> memref<1x200xi32, #tpu.memory_space<hbm>>
    %dma_start3A_16 = tpu.memref_squeeze %dma_start3A_15 : memref<1x200xi32, #tpu.memory_space<hbm>> -> memref<200xi32, #tpu.memory_space<hbm>>
    %dma_start3A_17 = arith.constant 0 : i32
    %dma_start3A_18 = tpu.memref_slice %arg5[%dma_start3A_17] : memref<800xi32, #tpu.memory_space<vmem>> -> memref<200xi32, #tpu.memory_space<vmem>>
    %dma_start3A_19 = arith.constant 0 : i32
    %dma_start3A_20 = tpu.memref_slice %arg2[%add3A_6, %dma_start3A_19] : memref<4096x200xi32, #tpu.memory_space<hbm>> -> memref<1x200xi32, #tpu.memory_space<hbm>>
    %dma_start3A_21 = tpu.memref_squeeze %dma_start3A_20 : memref<1x200xi32, #tpu.memory_space<hbm>> -> memref<200xi32, #tpu.memory_space<hbm>>
    tpu.enqueue_dma source(%dma_start3A_21 : memref<200xi32, #tpu.memory_space<hbm>>) target(%dma_start3A_18 : memref<200xi32, #tpu.memory_space<vmem>>) target_semaphore(%arg8 : memref<!tpu.dma_semaphore, #tpu.memory_space<semaphore_mem>>)
    %dma_start3A_22 = arith.constant 200 : i32
    %dma_start3A_23 = tpu.memref_slice %arg5[%dma_start3A_22] : memref<800xi32, #tpu.memory_space<vmem>> -> memref<200xi32, #tpu.memory_space<vmem>>
    %dma_start3A_24 = arith.constant 0 : i32
    %dma_start3A_25 = tpu.memref_slice %arg2[%add3A_8, %dma_start3A_24] : memref<4096x200xi32, #tpu.memory_space<hbm>> -> memref<1x200xi32, #tpu.memory_space<hbm>>
    %dma_start3A_26 = tpu.memref_squeeze %dma_start3A_25 : memref<1x200xi32, #tpu.memory_space<hbm>> -> memref<200xi32, #tpu.memory_space<hbm>>
    %dma_start3A_27 = arith.constant 200 : i32
    %dma_start3A_28 = tpu.memref_slice %arg5[%dma_start3A_27] : memref<800xi32, #tpu.memory_space<vmem>> -> memref<200xi32, #tpu.memory_space<vmem>>
    %dma_start3A_29 = arith.constant 0 : i32
    %dma_start3A_30 = tpu.memref_slice %arg2[%add3A_8, %dma_start3A_29] : memref<4096x200xi32, #tpu.memory_space<hbm>> -> memref<1x200xi32, #tpu.memory_space<hbm>>
    %dma_start3A_31 = tpu.memref_squeeze %dma_start3A_30 : memref<1x200xi32, #tpu.memory_space<hbm>> -> memref<200xi32, #tpu.memory_space<hbm>>
    tpu.enqueue_dma source(%dma_start3A_31 : memref<200xi32, #tpu.memory_space<hbm>>) target(%dma_start3A_28 : memref<200xi32, #tpu.memory_space<vmem>>) target_semaphore(%arg8 : memref<!tpu.dma_semaphore, #tpu.memory_space<semaphore_mem>>)
    %dma_start3A_32 = arith.constant 400 : i32
    %dma_start3A_33 = tpu.memref_slice %arg5[%dma_start3A_32] : memref<800xi32, #tpu.memory_space<vmem>> -> memref<200xi32, #tpu.memory_space<vmem>>
    %dma_start3A_34 = arith.constant 0 : i32
    %dma_start3A_35 = tpu.memref_slice %arg2[%add3A_10, %dma_start3A_34] : memref<4096x200xi32, #tpu.memory_space<hbm>> -> memref<1x200xi32, #tpu.memory_space<hbm>>
    %dma_start3A_36 = tpu.memref_squeeze %dma_start3A_35 : memref<1x200xi32, #tpu.memory_space<hbm>> -> memref<200xi32, #tpu.memory_space<hbm>>
    %dma_start3A_37 = arith.constant 400 : i32
    %dma_start3A_38 = tpu.memref_slice %arg5[%dma_start3A_37] : memref<800xi32, #tpu.memory_space<vmem>> -> memref<200xi32, #tpu.memory_space<vmem>>
    %dma_start3A_39 = arith.constant 0 : i32
    %dma_start3A_40 = tpu.memref_slice %arg2[%add3A_10, %dma_start3A_39] : memref<4096x200xi32, #tpu.memory_space<hbm>> -> memref<1x200xi32, #tpu.memory_space<hbm>>
    %dma_start3A_41 = tpu.memref_squeeze %dma_start3A_40 : memref<1x200xi32, #tpu.memory_space<hbm>> -> memref<200xi32, #tpu.memory_space<hbm>>
    tpu.enqueue_dma source(%dma_start3A_41 : memref<200xi32, #tpu.memory_space<hbm>>) target(%dma_start3A_38 : memref<200xi32, #tpu.memory_space<vmem>>) target_semaphore(%arg8 : memref<!tpu.dma_semaphore, #tpu.memory_space<semaphore_mem>>)
    %dma_start3A_42 = arith.constant 600 : i32
    %dma_start3A_43 = tpu.memref_slice %arg5[%dma_start3A_42] : memref<800xi32, #tpu.memory_space<vmem>> -> memref<200xi32, #tpu.memory_space<vmem>>
    %dma_start3A_44 = arith.constant 0 : i32
    %dma_start3A_45 = tpu.memref_slice %arg2[%add3A_12, %dma_start3A_44] : memref<4096x200xi32, #tpu.memory_space<hbm>> -> memref<1x200xi32, #tpu.memory_space<hbm>>
    %dma_start3A_46 = tpu.memref_squeeze %dma_start3A_45 : memref<1x200xi32, #tpu.memory_space<hbm>> -> memref<200xi32, #tpu.memory_space<hbm>>
    %dma_start3A_47 = arith.constant 600 : i32
    %dma_start3A_48 = tpu.memref_slice %arg5[%dma_start3A_47] : memref<800xi32, #tpu.memory_space<vmem>> -> memref<200xi32, #tpu.memory_space<vmem>>
    %dma_start3A_49 = arith.constant 0 : i32
    %dma_start3A_50 = tpu.memref_slice %arg2[%add3A_12, %dma_start3A_49] : memref<4096x200xi32, #tpu.memory_space<hbm>> -> memref<1x200xi32, #tpu.memory_space<hbm>>
    %dma_start3A_51 = tpu.memref_squeeze %dma_start3A_50 : memref<1x200xi32, #tpu.memory_space<hbm>> -> memref<200xi32, #tpu.memory_space<hbm>>
    tpu.enqueue_dma source(%dma_start3A_51 : memref<200xi32, #tpu.memory_space<hbm>>) target(%dma_start3A_48 : memref<200xi32, #tpu.memory_space<vmem>>) target_semaphore(%arg8 : memref<!tpu.dma_semaphore, #tpu.memory_space<semaphore_mem>>)
    %add3A_52 = arith.constant 0 : i32
    %add3A_53 = arith.addi %mul3A_2, %add3A_52 : i32
    %add3A_54 = arith.constant 0 : i32
    %add3A_55 = arith.addi %add3A_53, %add3A_54 : i32
    %add3A_56 = arith.constant 1 : i32
    %add3A_57 = arith.addi %add3A_53, %add3A_56 : i32
    %add3A_58 = arith.constant 2 : i32
    %add3A_59 = arith.addi %add3A_53, %add3A_58 : i32
    %add3A_60 = arith.constant 3 : i32
    %add3A_61 = arith.addi %add3A_53, %add3A_60 : i32
    %dma_wait3A = arith.constant 0 : i32
    %dma_wait3A_62 = tpu.memref_slice %arg5[%dma_wait3A] : memref<800xi32, #tpu.memory_space<vmem>> -> memref<200xi32, #tpu.memory_space<vmem>>
    %dma_wait3A_63 = arith.constant 0 : i32
    %dma_wait3A_64 = tpu.memref_slice %arg2[%add3A_55, %dma_wait3A_63] : memref<4096x200xi32, #tpu.memory_space<hbm>> -> memref<1x200xi32, #tpu.memory_space<hbm>>
    %dma_wait3A_65 = tpu.memref_squeeze %dma_wait3A_64 : memref<1x200xi32, #tpu.memory_space<hbm>> -> memref<200xi32, #tpu.memory_space<hbm>>
    %dma_wait3A_66 = arith.constant 0 : i32
    %dma_wait3A_67 = tpu.memref_slice %arg5[%dma_wait3A_66] : memref<800xi32, #tpu.memory_space<vmem>> -> memref<200xi32, #tpu.memory_space<vmem>>
    %dma_wait3A_68 = arith.constant 0 : i32
    %dma_wait3A_69 = tpu.memref_slice %arg2[%add3A_55, %dma_wait3A_68] : memref<4096x200xi32, #tpu.memory_space<hbm>> -> memref<1x200xi32, #tpu.memory_space<hbm>>
    %dma_wait3A_70 = tpu.memref_squeeze %dma_wait3A_69 : memref<1x200xi32, #tpu.memory_space<hbm>> -> memref<200xi32, #tpu.memory_space<hbm>>
    tpu.wait_dma2 semaphore(%arg8 : memref<!tpu.dma_semaphore, #tpu.memory_space<semaphore_mem>>) src(%dma_wait3A_70 : memref<200xi32, #tpu.memory_space<hbm>>) dst(%dma_wait3A_67 : memref<200xi32, #tpu.memory_space<vmem>>)
    %dma_wait3A_71 = arith.constant 200 : i32
    %dma_wait3A_72 = tpu.memref_slice %arg5[%dma_wait3A_71] : memref<800xi32, #tpu.memory_space<vmem>> -> memref<200xi32, #tpu.memory_space<vmem>>
    %dma_wait3A_73 = arith.constant 0 : i32
    %dma_wait3A_74 = tpu.memref_slice %arg2[%add3A_57, %dma_wait3A_73] : memref<4096x200xi32, #tpu.memory_space<hbm>> -> memref<1x200xi32, #tpu.memory_space<hbm>>
    %dma_wait3A_75 = tpu.memref_squeeze %dma_wait3A_74 : memref<1x200xi32, #tpu.memory_space<hbm>> -> memref<200xi32, #tpu.memory_space<hbm>>
    %dma_wait3A_76 = arith.constant 200 : i32
    %dma_wait3A_77 = tpu.memref_slice %arg5[%dma_wait3A_76] : memref<800xi32, #tpu.memory_space<vmem>> -> memref<200xi32, #tpu.memory_space<vmem>>
    %dma_wait3A_78 = arith.constant 0 : i32
    %dma_wait3A_79 = tpu.memref_slice %arg2[%add3A_57, %dma_wait3A_78] : memref<4096x200xi32, #tpu.memory_space<hbm>> -> memref<1x200xi32, #tpu.memory_space<hbm>>
    %dma_wait3A_80 = tpu.memref_squeeze %dma_wait3A_79 : memref<1x200xi32, #tpu.memory_space<hbm>> -> memref<200xi32, #tpu.memory_space<hbm>>
    tpu.wait_dma2 semaphore(%arg8 : memref<!tpu.dma_semaphore, #tpu.memory_space<semaphore_mem>>) src(%dma_wait3A_80 : memref<200xi32, #tpu.memory_space<hbm>>) dst(%dma_wait3A_77 : memref<200xi32, #tpu.memory_space<vmem>>)
    %dma_wait3A_81 = arith.constant 400 : i32
    %dma_wait3A_82 = tpu.memref_slice %arg5[%dma_wait3A_81] : memref<800xi32, #tpu.memory_space<vmem>> -> memref<200xi32, #tpu.memory_space<vmem>>
    %dma_wait3A_83 = arith.constant 0 : i32
    %dma_wait3A_84 = tpu.memref_slice %arg2[%add3A_59, %dma_wait3A_83] : memref<4096x200xi32, #tpu.memory_space<hbm>> -> memref<1x200xi32, #tpu.memory_space<hbm>>
    %dma_wait3A_85 = tpu.memref_squeeze %dma_wait3A_84 : memref<1x200xi32, #tpu.memory_space<hbm>> -> memref<200xi32, #tpu.memory_space<hbm>>
    %dma_wait3A_86 = arith.constant 400 : i32
    %dma_wait3A_87 = tpu.memref_slice %arg5[%dma_wait3A_86] : memref<800xi32, #tpu.memory_space<vmem>> -> memref<200xi32, #tpu.memory_space<vmem>>
    %dma_wait3A_88 = arith.constant 0 : i32
    %dma_wait3A_89 = tpu.memref_slice %arg2[%add3A_59, %dma_wait3A_88] : memref<4096x200xi32, #tpu.memory_space<hbm>> -> memref<1x200xi32, #tpu.memory_space<hbm>>
    %dma_wait3A_90 = tpu.memref_squeeze %dma_wait3A_89 : memref<1x200xi32, #tpu.memory_space<hbm>> -> memref<200xi32, #tpu.memory_space<hbm>>
    tpu.wait_dma2 semaphore(%arg8 : memref<!tpu.dma_semaphore, #tpu.memory_space<semaphore_mem>>) src(%dma_wait3A_90 : memref<200xi32, #tpu.memory_space<hbm>>) dst(%dma_wait3A_87 : memref<200xi32, #tpu.memory_space<vmem>>)
    %dma_wait3A_91 = arith.constant 600 : i32
    %dma_wait3A_92 = tpu.memref_slice %arg5[%dma_wait3A_91] : memref<800xi32, #tpu.memory_space<vmem>> -> memref<200xi32, #tpu.memory_space<vmem>>
    %dma_wait3A_93 = arith.constant 0 : i32
    %dma_wait3A_94 = tpu.memref_slice %arg2[%add3A_61, %dma_wait3A_93] : memref<4096x200xi32, #tpu.memory_space<hbm>> -> memref<1x200xi32, #tpu.memory_space<hbm>>
    %dma_wait3A_95 = tpu.memref_squeeze %dma_wait3A_94 : memref<1x200xi32, #tpu.memory_space<hbm>> -> memref<200xi32, #tpu.memory_space<hbm>>
    %dma_wait3A_96 = arith.constant 600 : i32
    %dma_wait3A_97 = tpu.memref_slice %arg5[%dma_wait3A_96] : memref<800xi32, #tpu.memory_space<vmem>> -> memref<200xi32, #tpu.memory_space<vmem>>
    %dma_wait3A_98 = arith.constant 0 : i32
    %dma_wait3A_99 = tpu.memref_slice %arg2[%add3A_61, %dma_wait3A_98] : memref<4096x200xi32, #tpu.memory_space<hbm>> -> memref<1x200xi32, #tpu.memory_space<hbm>>
    %dma_wait3A_100 = tpu.memref_squeeze %dma_wait3A_99 : memref<1x200xi32, #tpu.memory_space<hbm>> -> memref<200xi32, #tpu.memory_space<hbm>>
    tpu.wait_dma2 semaphore(%arg8 : memref<!tpu.dma_semaphore, #tpu.memory_space<semaphore_mem>>) src(%dma_wait3A_100 : memref<200xi32, #tpu.memory_space<hbm>>) dst(%dma_wait3A_97 : memref<200xi32, #tpu.memory_space<vmem>>)
    %dma_start3A_101 = arith.constant 0 : i32
    %dma_start3A_102 = arith.constant 0 : i32
    %dma_start3A_103 = arith.constant 0 : i32
    %dma_start3A_104 = tpu.memref_slice %arg7[%dma_start3A_101, %dma_start3A_102, %dma_start3A_103] : memref<2x800x64xf32, #tpu.memory_space<vmem>> -> memref<1x800x64xf32, #tpu.memory_space<vmem>>
    %dma_start3A_105 = tpu.memref_squeeze %dma_start3A_104 : memref<1x800x64xf32, #tpu.memory_space<vmem>> -> memref<800x64xf32, #tpu.memory_space<vmem>>
    %dma_start3A_106 = arith.constant 0 : i32
    %dma_start3A_107 = arith.constant 0 : i32
    %dma_start3A_108 = tpu.memref_slice %arg3[%dma_start3A_106, %dma_start3A_107] : memref<1000000x64xf32, #tpu.memory_space<hbm>> -> memref<1000000x64xf32, #tpu.memory_space<hbm>>
    tpu.enqueue_indirect_dma source(%dma_start3A_108 : memref<1000000x64xf32, #tpu.memory_space<hbm>>) target(%dma_start3A_105 : memref<800x64xf32, #tpu.memory_space<vmem>>) offsets(%arg5 : memref<800xi32, #tpu.memory_space<vmem>>) semaphore(%arg10 : memref<!tpu.dma_semaphore, #tpu.memory_space<semaphore_mem>>)
    %add3A_109 = arith.constant 4 : i32
    %add3A_110 = arith.addi %mul3A_2, %add3A_109 : i32
    %add3A_111 = arith.constant 0 : i32
    %add3A_112 = arith.addi %add3A_110, %add3A_111 : i32
    %add3A_113 = arith.constant 1 : i32
    %add3A_114 = arith.addi %add3A_110, %add3A_113 : i32
    %add3A_115 = arith.constant 2 : i32
    %add3A_116 = arith.addi %add3A_110, %add3A_115 : i32
    %add3A_117 = arith.constant 3 : i32
    %add3A_118 = arith.addi %add3A_110, %add3A_117 : i32
    %dma_start3A_119 = arith.constant 0 : i32
    %dma_start3A_120 = tpu.memref_slice %arg6[%dma_start3A_119] : memref<800xi32, #tpu.memory_space<vmem>> -> memref<200xi32, #tpu.memory_space<vmem>>
    %dma_start3A_121 = arith.constant 0 : i32
    %dma_start3A_122 = tpu.memref_slice %arg2[%add3A_112, %dma_start3A_121] : memref<4096x200xi32, #tpu.memory_space<hbm>> -> memref<1x200xi32, #tpu.memory_space<hbm>>
    %dma_start3A_123 = tpu.memref_squeeze %dma_start3A_122 : memref<1x200xi32, #tpu.memory_space<hbm>> -> memref<200xi32, #tpu.memory_space<hbm>>
    %dma_start3A_124 = arith.constant 0 : i32
    %dma_start3A_125 = tpu.memref_slice %arg6[%dma_start3A_124] : memref<800xi32, #tpu.memory_space<vmem>> -> memref<200xi32, #tpu.memory_space<vmem>>
    %dma_start3A_126 = arith.constant 0 : i32
    %dma_start3A_127 = tpu.memref_slice %arg2[%add3A_112, %dma_start3A_126] : memref<4096x200xi32, #tpu.memory_space<hbm>> -> memref<1x200xi32, #tpu.memory_space<hbm>>
    %dma_start3A_128 = tpu.memref_squeeze %dma_start3A_127 : memref<1x200xi32, #tpu.memory_space<hbm>> -> memref<200xi32, #tpu.memory_space<hbm>>
    tpu.enqueue_dma source(%dma_start3A_128 : memref<200xi32, #tpu.memory_space<hbm>>) target(%dma_start3A_125 : memref<200xi32, #tpu.memory_space<vmem>>) target_semaphore(%arg9 : memref<!tpu.dma_semaphore, #tpu.memory_space<semaphore_mem>>)
    %dma_start3A_129 = arith.constant 200 : i32
    %dma_start3A_130 = tpu.memref_slice %arg6[%dma_start3A_129] : memref<800xi32, #tpu.memory_space<vmem>> -> memref<200xi32, #tpu.memory_space<vmem>>
    %dma_start3A_131 = arith.constant 0 : i32
    %dma_start3A_132 = tpu.memref_slice %arg2[%add3A_114, %dma_start3A_131] : memref<4096x200xi32, #tpu.memory_space<hbm>> -> memref<1x200xi32, #tpu.memory_space<hbm>>
    %dma_start3A_133 = tpu.memref_squeeze %dma_start3A_132 : memref<1x200xi32, #tpu.memory_space<hbm>> -> memref<200xi32, #tpu.memory_space<hbm>>
    %dma_start3A_134 = arith.constant 200 : i32
    %dma_start3A_135 = tpu.memref_slice %arg6[%dma_start3A_134] : memref<800xi32, #tpu.memory_space<vmem>> -> memref<200xi32, #tpu.memory_space<vmem>>
    %dma_start3A_136 = arith.constant 0 : i32
    %dma_start3A_137 = tpu.memref_slice %arg2[%add3A_114, %dma_start3A_136] : memref<4096x200xi32, #tpu.memory_space<hbm>> -> memref<1x200xi32, #tpu.memory_space<hbm>>
    %dma_start3A_138 = tpu.memref_squeeze %dma_start3A_137 : memref<1x200xi32, #tpu.memory_space<hbm>> -> memref<200xi32, #tpu.memory_space<hbm>>
    tpu.enqueue_dma source(%dma_start3A_138 : memref<200xi32, #tpu.memory_space<hbm>>) target(%dma_start3A_135 : memref<200xi32, #tpu.memory_space<vmem>>) target_semaphore(%arg9 : memref<!tpu.dma_semaphore, #tpu.memory_space<semaphore_mem>>)
    %dma_start3A_139 = arith.constant 400 : i32
    %dma_start3A_140 = tpu.memref_slice %arg6[%dma_start3A_139] : memref<800xi32, #tpu.memory_space<vmem>> -> memref<200xi32, #tpu.memory_space<vmem>>
    %dma_start3A_141 = arith.constant 0 : i32
    %dma_start3A_142 = tpu.memref_slice %arg2[%add3A_116, %dma_start3A_141] : memref<4096x200xi32, #tpu.memory_space<hbm>> -> memref<1x200xi32, #tpu.memory_space<hbm>>
    %dma_start3A_143 = tpu.memref_squeeze %dma_start3A_142 : memref<1x200xi32, #tpu.memory_space<hbm>> -> memref<200xi32, #tpu.memory_space<hbm>>
    %dma_start3A_144 = arith.constant 400 : i32
    %dma_start3A_145 = tpu.memref_slice %arg6[%dma_start3A_144] : memref<800xi32, #tpu.memory_space<vmem>> -> memref<200xi32, #tpu.memory_space<vmem>>
    %dma_start3A_146 = arith.constant 0 : i32
    %dma_start3A_147 = tpu.memref_slice %arg2[%add3A_116, %dma_start3A_146] : memref<4096x200xi32, #tpu.memory_space<hbm>> -> memref<1x200xi32, #tpu.memory_space<hbm>>
    %dma_start3A_148 = tpu.memref_squeeze %dma_start3A_147 : memref<1x200xi32, #tpu.memory_space<hbm>> -> memref<200xi32, #tpu.memory_space<hbm>>
    tpu.enqueue_dma source(%dma_start3A_148 : memref<200xi32, #tpu.memory_space<hbm>>) target(%dma_start3A_145 : memref<200xi32, #tpu.memory_space<vmem>>) target_semaphore(%arg9 : memref<!tpu.dma_semaphore, #tpu.memory_space<semaphore_mem>>)
    %dma_start3A_149 = arith.constant 600 : i32
    %dma_start3A_150 = tpu.memref_slice %arg6[%dma_start3A_149] : memref<800xi32, #tpu.memory_space<vmem>> -> memref<200xi32, #tpu.memory_space<vmem>>
    %dma_start3A_151 = arith.constant 0 : i32
    %dma_start3A_152 = tpu.memref_slice %arg2[%add3A_118, %dma_start3A_151] : memref<4096x200xi32, #tpu.memory_space<hbm>> -> memref<1x200xi32, #tpu.memory_space<hbm>>
    %dma_start3A_153 = tpu.memref_squeeze %dma_start3A_152 : memref<1x200xi32, #tpu.memory_space<hbm>> -> memref<200xi32, #tpu.memory_space<hbm>>
    %dma_start3A_154 = arith.constant 600 : i32
    %dma_start3A_155 = tpu.memref_slice %arg6[%dma_start3A_154] : memref<800xi32, #tpu.memory_space<vmem>> -> memref<200xi32, #tpu.memory_space<vmem>>
    %dma_start3A_156 = arith.constant 0 : i32
    %dma_start3A_157 = tpu.memref_slice %arg2[%add3A_118, %dma_start3A_156] : memref<4096x200xi32, #tpu.memory_space<hbm>> -> memref<1x200xi32, #tpu.memory_space<hbm>>
    %dma_start3A_158 = tpu.memref_squeeze %dma_start3A_157 : memref<1x200xi32, #tpu.memory_space<hbm>> -> memref<200xi32, #tpu.memory_space<hbm>>
    tpu.enqueue_dma source(%dma_start3A_158 : memref<200xi32, #tpu.memory_space<hbm>>) target(%dma_start3A_155 : memref<200xi32, #tpu.memory_space<vmem>>) target_semaphore(%arg9 : memref<!tpu.dma_semaphore, #tpu.memory_space<semaphore_mem>>)
    %scan3A = arith.constant 0 : i32
    %scan3A_159 = arith.constant 0 : i32
    %scan3A_160 = arith.constant 16 : i32
    %scan3A_161 = arith.addi %scan3A_159, %scan3A_160 : i32
    %scan3A_162 = arith.constant 1 : i32
    scf.for %scan3A_242 = %scan3A_159 to %scan3A_161 step %scan3A_162  : i32 {
      %mul3A_243 = arith.constant 2 : i32
      %mul3A_244 = arith.muli %mul3A_243, %scan3A_242 : i32
      %add3A_245 = arith.constant 0 : i32
      %add3A_246 = arith.addi %mul3A_244, %add3A_245 : i32
      %ge3A = arith.constant 1 : i32
      %ge3A_247 = arith.cmpi sge, %add3A_246, %ge3A : i32
      %convert_element_type3A = arith.extui %ge3A_247 : i1 to i32
      %cond3A = arith.constant 0 : i32
      %cond3A_248 = arith.cmpi ne, %convert_element_type3A, %cond3A : i32
      scf.if %cond3A_248 {
        %sub3A = arith.constant 1 : i32
        %sub3A_471 = arith.subi %add3A_246, %sub3A : i32
        %mul3A_472 = arith.constant 4 : i32
        %mul3A_473 = arith.muli %sub3A_471, %mul3A_472 : i32
        %add3A_474 = arith.addi %mul3A_2, %mul3A_473 : i32
        %add3A_475 = arith.constant 0 : i32
        %add3A_476 = arith.addi %add3A_474, %add3A_475 : i32
        %add3A_477 = arith.constant 1 : i32
        %add3A_478 = arith.addi %add3A_474, %add3A_477 : i32
        %add3A_479 = arith.constant 2 : i32
        %add3A_480 = arith.addi %add3A_474, %add3A_479 : i32
        %add3A_481 = arith.constant 3 : i32
        %add3A_482 = arith.addi %add3A_474, %add3A_481 : i32
        %dma_wait3A_483 = arith.constant 1 : i32
        %dma_wait3A_484 = arith.constant 0 : i32
        %dma_wait3A_485 = arith.constant 0 : i32
        %dma_wait3A_486 = tpu.memref_slice %arg7[%dma_wait3A_483, %dma_wait3A_484, %dma_wait3A_485] : memref<2x800x64xf32, #tpu.memory_space<vmem>> -> memref<1x200x64xf32, #tpu.memory_space<vmem>>
        %dma_wait3A_487 = tpu.memref_squeeze %dma_wait3A_486 : memref<1x200x64xf32, #tpu.memory_space<vmem>> -> memref<200x64xf32, #tpu.memory_space<vmem>>
        %dma_wait3A_488 = arith.constant 0 : i32
        %dma_wait3A_489 = arith.constant 0 : i32
        %dma_wait3A_490 = tpu.memref_slice %arg4[%add3A_476, %dma_wait3A_488, %dma_wait3A_489] : memref<4096x200x128xf32, #tpu.memory_space<hbm>> -> memref<1x200x64xf32, #tpu.memory_space<hbm>>
        %dma_wait3A_491 = tpu.memref_squeeze %dma_wait3A_490 : memref<1x200x64xf32, #tpu.memory_space<hbm>> -> memref<200x64xf32, #tpu.memory_space<hbm>>
        %dma_wait3A_492 = arith.constant 0 : i32
        %dma_wait3A_493 = arith.constant 0 : i32
        %dma_wait3A_494 = tpu.memref_slice %arg4[%add3A_476, %dma_wait3A_492, %dma_wait3A_493] : memref<4096x200x128xf32, #tpu.memory_space<hbm>> -> memref<1x200x64xf32, #tpu.memory_space<hbm>>
        %dma_wait3A_495 = tpu.memref_squeeze %dma_wait3A_494 : memref<1x200x64xf32, #tpu.memory_space<hbm>> -> memref<200x64xf32, #tpu.memory_space<hbm>>
        %dma_wait3A_496 = arith.constant 0 : i32
        %dma_wait3A_497 = arith.constant 0 : i32
        %dma_wait3A_498 = tpu.memref_slice %arg7[%dma_wait3A_483, %dma_wait3A_496, %dma_wait3A_497] : memref<2x800x64xf32, #tpu.memory_space<vmem>> -> memref<1x200x64xf32, #tpu.memory_space<vmem>>
        %dma_wait3A_499 = tpu.memref_squeeze %dma_wait3A_498 : memref<1x200x64xf32, #tpu.memory_space<vmem>> -> memref<200x64xf32, #tpu.memory_space<vmem>>
        tpu.wait_dma2 semaphore(%arg13 : memref<!tpu.dma_semaphore, #tpu.memory_space<semaphore_mem>>) src(%dma_wait3A_499 : memref<200x64xf32, #tpu.memory_space<vmem>>) dst(%dma_wait3A_495 : memref<200x64xf32, #tpu.memory_space<hbm>>)
        %dma_wait3A_500 = arith.constant 1 : i32
        %dma_wait3A_501 = arith.constant 200 : i32
        %dma_wait3A_502 = arith.constant 0 : i32
        %dma_wait3A_503 = tpu.memref_slice %arg7[%dma_wait3A_500, %dma_wait3A_501, %dma_wait3A_502] : memref<2x800x64xf32, #tpu.memory_space<vmem>> -> memref<1x200x64xf32, #tpu.memory_space<vmem>>
        %dma_wait3A_504 = tpu.memref_squeeze %dma_wait3A_503 : memref<1x200x64xf32, #tpu.memory_space<vmem>> -> memref<200x64xf32, #tpu.memory_space<vmem>>
        %dma_wait3A_505 = arith.constant 0 : i32
        %dma_wait3A_506 = arith.constant 0 : i32
        %dma_wait3A_507 = tpu.memref_slice %arg4[%add3A_478, %dma_wait3A_505, %dma_wait3A_506] : memref<4096x200x128xf32, #tpu.memory_space<hbm>> -> memref<1x200x64xf32, #tpu.memory_space<hbm>>
        %dma_wait3A_508 = tpu.memref_squeeze %dma_wait3A_507 : memref<1x200x64xf32, #tpu.memory_space<hbm>> -> memref<200x64xf32, #tpu.memory_space<hbm>>
        %dma_wait3A_509 = arith.constant 0 : i32
        %dma_wait3A_510 = arith.constant 0 : i32
        %dma_wait3A_511 = tpu.memref_slice %arg4[%add3A_478, %dma_wait3A_509, %dma_wait3A_510] : memref<4096x200x128xf32, #tpu.memory_space<hbm>> -> memref<1x200x64xf32, #tpu.memory_space<hbm>>
        %dma_wait3A_512 = tpu.memref_squeeze %dma_wait3A_511 : memref<1x200x64xf32, #tpu.memory_space<hbm>> -> memref<200x64xf32, #tpu.memory_space<hbm>>
        %dma_wait3A_513 = arith.constant 200 : i32
        %dma_wait3A_514 = arith.constant 0 : i32
        %dma_wait3A_515 = tpu.memref_slice %arg7[%dma_wait3A_500, %dma_wait3A_513, %dma_wait3A_514] : memref<2x800x64xf32, #tpu.memory_space<vmem>> -> memref<1x200x64xf32, #tpu.memory_space<vmem>>
        %dma_wait3A_516 = tpu.memref_squeeze %dma_wait3A_515 : memref<1x200x64xf32, #tpu.memory_space<vmem>> -> memref<200x64xf32, #tpu.memory_space<vmem>>
        tpu.wait_dma2 semaphore(%arg13 : memref<!tpu.dma_semaphore, #tpu.memory_space<semaphore_mem>>) src(%dma_wait3A_516 : memref<200x64xf32, #tpu.memory_space<vmem>>) dst(%dma_wait3A_512 : memref<200x64xf32, #tpu.memory_space<hbm>>)
        %dma_wait3A_517 = arith.constant 1 : i32
        %dma_wait3A_518 = arith.constant 400 : i32
        %dma_wait3A_519 = arith.constant 0 : i32
        %dma_wait3A_520 = tpu.memref_slice %arg7[%dma_wait3A_517, %dma_wait3A_518, %dma_wait3A_519] : memref<2x800x64xf32, #tpu.memory_space<vmem>> -> memref<1x200x64xf32, #tpu.memory_space<vmem>>
        %dma_wait3A_521 = tpu.memref_squeeze %dma_wait3A_520 : memref<1x200x64xf32, #tpu.memory_space<vmem>> -> memref<200x64xf32, #tpu.memory_space<vmem>>
        %dma_wait3A_522 = arith.constant 0 : i32
        %dma_wait3A_523 = arith.constant 0 : i32
        %dma_wait3A_524 = tpu.memref_slice %arg4[%add3A_480, %dma_wait3A_522, %dma_wait3A_523] : memref<4096x200x128xf32, #tpu.memory_space<hbm>> -> memref<1x200x64xf32, #tpu.memory_space<hbm>>
        %dma_wait3A_525 = tpu.memref_squeeze %dma_wait3A_524 : memref<1x200x64xf32, #tpu.memory_space<hbm>> -> memref<200x64xf32, #tpu.memory_space<hbm>>
        %dma_wait3A_526 = arith.constant 0 : i32
        %dma_wait3A_527 = arith.constant 0 : i32
        %dma_wait3A_528 = tpu.memref_slice %arg4[%add3A_480, %dma_wait3A_526, %dma_wait3A_527] : memref<4096x200x128xf32, #tpu.memory_space<hbm>> -> memref<1x200x64xf32, #tpu.memory_space<hbm>>
        %dma_wait3A_529 = tpu.memref_squeeze %dma_wait3A_528 : memref<1x200x64xf32, #tpu.memory_space<hbm>> -> memref<200x64xf32, #tpu.memory_space<hbm>>
        %dma_wait3A_530 = arith.constant 400 : i32
        %dma_wait3A_531 = arith.constant 0 : i32
        %dma_wait3A_532 = tpu.memref_slice %arg7[%dma_wait3A_517, %dma_wait3A_530, %dma_wait3A_531] : memref<2x800x64xf32, #tpu.memory_space<vmem>> -> memref<1x200x64xf32, #tpu.memory_space<vmem>>
        %dma_wait3A_533 = tpu.memref_squeeze %dma_wait3A_532 : memref<1x200x64xf32, #tpu.memory_space<vmem>> -> memref<200x64xf32, #tpu.memory_space<vmem>>
        tpu.wait_dma2 semaphore(%arg13 : memref<!tpu.dma_semaphore, #tpu.memory_space<semaphore_mem>>) src(%dma_wait3A_533 : memref<200x64xf32, #tpu.memory_space<vmem>>) dst(%dma_wait3A_529 : memref<200x64xf32, #tpu.memory_space<hbm>>)
        %dma_wait3A_534 = arith.constant 1 : i32
        %dma_wait3A_535 = arith.constant 600 : i32
        %dma_wait3A_536 = arith.constant 0 : i32
        %dma_wait3A_537 = tpu.memref_slice %arg7[%dma_wait3A_534, %dma_wait3A_535, %dma_wait3A_536] : memref<2x800x64xf32, #tpu.memory_space<vmem>> -> memref<1x200x64xf32, #tpu.memory_space<vmem>>
        %dma_wait3A_538 = tpu.memref_squeeze %dma_wait3A_537 : memref<1x200x64xf32, #tpu.memory_space<vmem>> -> memref<200x64xf32, #tpu.memory_space<vmem>>
        %dma_wait3A_539 = arith.constant 0 : i32
        %dma_wait3A_540 = arith.constant 0 : i32
        %dma_wait3A_541 = tpu.memref_slice %arg4[%add3A_482, %dma_wait3A_539, %dma_wait3A_540] : memref<4096x200x128xf32, #tpu.memory_space<hbm>> -> memref<1x200x64xf32, #tpu.memory_space<hbm>>
        %dma_wait3A_542 = tpu.memref_squeeze %dma_wait3A_541 : memref<1x200x64xf32, #tpu.memory_space<hbm>> -> memref<200x64xf32, #tpu.memory_space<hbm>>
        %dma_wait3A_543 = arith.constant 0 : i32
        %dma_wait3A_544 = arith.constant 0 : i32
        %dma_wait3A_545 = tpu.memref_slice %arg4[%add3A_482, %dma_wait3A_543, %dma_wait3A_544] : memref<4096x200x128xf32, #tpu.memory_space<hbm>> -> memref<1x200x64xf32, #tpu.memory_space<hbm>>
        %dma_wait3A_546 = tpu.memref_squeeze %dma_wait3A_545 : memref<1x200x64xf32, #tpu.memory_space<hbm>> -> memref<200x64xf32, #tpu.memory_space<hbm>>
        %dma_wait3A_547 = arith.constant 600 : i32
        %dma_wait3A_548 = arith.constant 0 : i32
        %dma_wait3A_549 = tpu.memref_slice %arg7[%dma_wait3A_534, %dma_wait3A_547, %dma_wait3A_548] : memref<2x800x64xf32, #tpu.memory_space<vmem>> -> memref<1x200x64xf32, #tpu.memory_space<vmem>>
        %dma_wait3A_550 = tpu.memref_squeeze %dma_wait3A_549 : memref<1x200x64xf32, #tpu.memory_space<vmem>> -> memref<200x64xf32, #tpu.memory_space<vmem>>
        tpu.wait_dma2 semaphore(%arg13 : memref<!tpu.dma_semaphore, #tpu.memory_space<semaphore_mem>>) src(%dma_wait3A_550 : memref<200x64xf32, #tpu.memory_space<vmem>>) dst(%dma_wait3A_546 : memref<200x64xf32, #tpu.memory_space<hbm>>)
      } else {
      }
      %add3A_249 = arith.constant 1 : i32
      %add3A_250 = arith.addi %add3A_246, %add3A_249 : i32
      %lt3A = arith.constant 32 : i32
      %lt3A_251 = arith.cmpi slt, %add3A_250, %lt3A : i32
      %convert_element_type3A_252 = arith.extui %lt3A_251 : i1 to i32
      %cond3A_253 = arith.constant 0 : i32
      %cond3A_254 = arith.cmpi ne, %convert_element_type3A_252, %cond3A_253 : i32
      scf.if %cond3A_254 {
        %add3A_471 = arith.constant 1 : i32
        %add3A_472 = arith.addi %add3A_246, %add3A_471 : i32
        %mul3A_473 = arith.constant 4 : i32
        %mul3A_474 = arith.muli %add3A_472, %mul3A_473 : i32
        %add3A_475 = arith.addi %mul3A_2, %mul3A_474 : i32
        %add3A_476 = arith.constant 0 : i32
        %add3A_477 = arith.addi %add3A_475, %add3A_476 : i32
        %add3A_478 = arith.constant 1 : i32
        %add3A_479 = arith.addi %add3A_475, %add3A_478 : i32
        %add3A_480 = arith.constant 2 : i32
        %add3A_481 = arith.addi %add3A_475, %add3A_480 : i32
        %add3A_482 = arith.constant 3 : i32
        %add3A_483 = arith.addi %add3A_475, %add3A_482 : i32
        %dma_wait3A_484 = arith.constant 0 : i32
        %dma_wait3A_485 = tpu.memref_slice %arg6[%dma_wait3A_484] : memref<800xi32, #tpu.memory_space<vmem>> -> memref<200xi32, #tpu.memory_space<vmem>>
        %dma_wait3A_486 = arith.constant 0 : i32
        %dma_wait3A_487 = tpu.memref_slice %arg2[%add3A_477, %dma_wait3A_486] : memref<4096x200xi32, #tpu.memory_space<hbm>> -> memref<1x200xi32, #tpu.memory_space<hbm>>
        %dma_wait3A_488 = tpu.memref_squeeze %dma_wait3A_487 : memref<1x200xi32, #tpu.memory_space<hbm>> -> memref<200xi32, #tpu.memory_space<hbm>>
        %dma_wait3A_489 = arith.constant 0 : i32
        %dma_wait3A_490 = tpu.memref_slice %arg6[%dma_wait3A_489] : memref<800xi32, #tpu.memory_space<vmem>> -> memref<200xi32, #tpu.memory_space<vmem>>
        %dma_wait3A_491 = arith.constant 0 : i32
        %dma_wait3A_492 = tpu.memref_slice %arg2[%add3A_477, %dma_wait3A_491] : memref<4096x200xi32, #tpu.memory_space<hbm>> -> memref<1x200xi32, #tpu.memory_space<hbm>>
        %dma_wait3A_493 = tpu.memref_squeeze %dma_wait3A_492 : memref<1x200xi32, #tpu.memory_space<hbm>> -> memref<200xi32, #tpu.memory_space<hbm>>
        tpu.wait_dma2 semaphore(%arg9 : memref<!tpu.dma_semaphore, #tpu.memory_space<semaphore_mem>>) src(%dma_wait3A_493 : memref<200xi32, #tpu.memory_space<hbm>>) dst(%dma_wait3A_490 : memref<200xi32, #tpu.memory_space<vmem>>)
        %dma_wait3A_494 = arith.constant 200 : i32
        %dma_wait3A_495 = tpu.memref_slice %arg6[%dma_wait3A_494] : memref<800xi32, #tpu.memory_space<vmem>> -> memref<200xi32, #tpu.memory_space<vmem>>
        %dma_wait3A_496 = arith.constant 0 : i32
        %dma_wait3A_497 = tpu.memref_slice %arg2[%add3A_479, %dma_wait3A_496] : memref<4096x200xi32, #tpu.memory_space<hbm>> -> memref<1x200xi32, #tpu.memory_space<hbm>>
        %dma_wait3A_498 = tpu.memref_squeeze %dma_wait3A_497 : memref<1x200xi32, #tpu.memory_space<hbm>> -> memref<200xi32, #tpu.memory_space<hbm>>
        %dma_wait3A_499 = arith.constant 200 : i32
        %dma_wait3A_500 = tpu.memref_slice %arg6[%dma_wait3A_499] : memref<800xi32, #tpu.memory_space<vmem>> -> memref<200xi32, #tpu.memory_space<vmem>>
        %dma_wait3A_501 = arith.constant 0 : i32
        %dma_wait3A_502 = tpu.memref_slice %arg2[%add3A_479, %dma_wait3A_501] : memref<4096x200xi32, #tpu.memory_space<hbm>> -> memref<1x200xi32, #tpu.memory_space<hbm>>
        %dma_wait3A_503 = tpu.memref_squeeze %dma_wait3A_502 : memref<1x200xi32, #tpu.memory_space<hbm>> -> memref<200xi32, #tpu.memory_space<hbm>>
        tpu.wait_dma2 semaphore(%arg9 : memref<!tpu.dma_semaphore, #tpu.memory_space<semaphore_mem>>) src(%dma_wait3A_503 : memref<200xi32, #tpu.memory_space<hbm>>) dst(%dma_wait3A_500 : memref<200xi32, #tpu.memory_space<vmem>>)
        %dma_wait3A_504 = arith.constant 400 : i32
        %dma_wait3A_505 = tpu.memref_slice %arg6[%dma_wait3A_504] : memref<800xi32, #tpu.memory_space<vmem>> -> memref<200xi32, #tpu.memory_space<vmem>>
        %dma_wait3A_506 = arith.constant 0 : i32
        %dma_wait3A_507 = tpu.memref_slice %arg2[%add3A_481, %dma_wait3A_506] : memref<4096x200xi32, #tpu.memory_space<hbm>> -> memref<1x200xi32, #tpu.memory_space<hbm>>
        %dma_wait3A_508 = tpu.memref_squeeze %dma_wait3A_507 : memref<1x200xi32, #tpu.memory_space<hbm>> -> memref<200xi32, #tpu.memory_space<hbm>>
        %dma_wait3A_509 = arith.constant 400 : i32
        %dma_wait3A_510 = tpu.memref_slice %arg6[%dma_wait3A_509] : memref<800xi32, #tpu.memory_space<vmem>> -> memref<200xi32, #tpu.memory_space<vmem>>
        %dma_wait3A_511 = arith.constant 0 : i32
        %dma_wait3A_512 = tpu.memref_slice %arg2[%add3A_481, %dma_wait3A_511] : memref<4096x200xi32, #tpu.memory_space<hbm>> -> memref<1x200xi32, #tpu.memory_space<hbm>>
        %dma_wait3A_513 = tpu.memref_squeeze %dma_wait3A_512 : memref<1x200xi32, #tpu.memory_space<hbm>> -> memref<200xi32, #tpu.memory_space<hbm>>
        tpu.wait_dma2 semaphore(%arg9 : memref<!tpu.dma_semaphore, #tpu.memory_space<semaphore_mem>>) src(%dma_wait3A_513 : memref<200xi32, #tpu.memory_space<hbm>>) dst(%dma_wait3A_510 : memref<200xi32, #tpu.memory_space<vmem>>)
        %dma_wait3A_514 = arith.constant 600 : i32
        %dma_wait3A_515 = tpu.memref_slice %arg6[%dma_wait3A_514] : memref<800xi32, #tpu.memory_space<vmem>> -> memref<200xi32, #tpu.memory_space<vmem>>
        %dma_wait3A_516 = arith.constant 0 : i32
        %dma_wait3A_517 = tpu.memref_slice %arg2[%add3A_483, %dma_wait3A_516] : memref<4096x200xi32, #tpu.memory_space<hbm>> -> memref<1x200xi32, #tpu.memory_space<hbm>>
        %dma_wait3A_518 = tpu.memref_squeeze %dma_wait3A_517 : memref<1x200xi32, #tpu.memory_space<hbm>> -> memref<200xi32, #tpu.memory_space<hbm>>
        %dma_wait3A_519 = arith.constant 600 : i32
        %dma_wait3A_520 = tpu.memref_slice %arg6[%dma_wait3A_519] : memref<800xi32, #tpu.memory_space<vmem>> -> memref<200xi32, #tpu.memory_space<vmem>>
        %dma_wait3A_521 = arith.constant 0 : i32
        %dma_wait3A_522 = tpu.memref_slice %arg2[%add3A_483, %dma_wait3A_521] : memref<4096x200xi32, #tpu.memory_space<hbm>> -> memref<1x200xi32, #tpu.memory_space<hbm>>
        %dma_wait3A_523 = tpu.memref_squeeze %dma_wait3A_522 : memref<1x200xi32, #tpu.memory_space<hbm>> -> memref<200xi32, #tpu.memory_space<hbm>>
        tpu.wait_dma2 semaphore(%arg9 : memref<!tpu.dma_semaphore, #tpu.memory_space<semaphore_mem>>) src(%dma_wait3A_523 : memref<200xi32, #tpu.memory_space<hbm>>) dst(%dma_wait3A_520 : memref<200xi32, #tpu.memory_space<vmem>>)
        %add3A_524 = arith.constant 1 : i32
        %add3A_525 = arith.addi %add3A_246, %add3A_524 : i32
        %dma_start3A_526 = arith.constant 1 : i32
        %dma_start3A_527 = arith.constant 0 : i32
        %dma_start3A_528 = arith.constant 0 : i32
        %dma_start3A_529 = tpu.memref_slice %arg7[%dma_start3A_526, %dma_start3A_527, %dma_start3A_528] : memref<2x800x64xf32, #tpu.memory_space<vmem>> -> memref<1x800x64xf32, #tpu.memory_space<vmem>>
        %dma_start3A_530 = tpu.memref_squeeze %dma_start3A_529 : memref<1x800x64xf32, #tpu.memory_space<vmem>> -> memref<800x64xf32, #tpu.memory_space<vmem>>
        %dma_start3A_531 = arith.constant 0 : i32
        %dma_start3A_532 = arith.constant 0 : i32
        %dma_start3A_533 = tpu.memref_slice %arg3[%dma_start3A_531, %dma_start3A_532] : memref<1000000x64xf32, #tpu.memory_space<hbm>> -> memref<1000000x64xf32, #tpu.memory_space<hbm>>
        tpu.enqueue_indirect_dma source(%dma_start3A_533 : memref<1000000x64xf32, #tpu.memory_space<hbm>>) target(%dma_start3A_530 : memref<800x64xf32, #tpu.memory_space<vmem>>) offsets(%arg6 : memref<800xi32, #tpu.memory_space<vmem>>) semaphore(%arg11 : memref<!tpu.dma_semaphore, #tpu.memory_space<semaphore_mem>>)
      } else {
      }
      %dma_wait3A_255 = arith.constant 0 : i32
      %dma_wait3A_256 = arith.constant 0 : i32
      %dma_wait3A_257 = arith.constant 0 : i32
      %dma_wait3A_258 = tpu.memref_slice %arg7[%dma_wait3A_255, %dma_wait3A_256, %dma_wait3A_257] : memref<2x800x64xf32, #tpu.memory_space<vmem>> -> memref<1x800x64xf32, #tpu.memory_space<vmem>>
      %dma_wait3A_259 = tpu.memref_squeeze %dma_wait3A_258 : memref<1x800x64xf32, #tpu.memory_space<vmem>> -> memref<800x64xf32, #tpu.memory_space<vmem>>
      %dma_wait3A_260 = arith.constant 0 : i32
      %dma_wait3A_261 = arith.constant 0 : i32
      %dma_wait3A_262 = tpu.memref_slice %arg3[%dma_wait3A_260, %dma_wait3A_261] : memref<1000000x64xf32, #tpu.memory_space<hbm>> -> memref<1000000x64xf32, #tpu.memory_space<hbm>>
      tpu.wait_indirect_dma semaphore(%arg10 : memref<!tpu.dma_semaphore, #tpu.memory_space<semaphore_mem>>) src(%dma_wait3A_262 : memref<1000000x64xf32, #tpu.memory_space<hbm>>) dst(%dma_wait3A_259 : memref<800x64xf32, #tpu.memory_space<vmem>>)
      %add3A_263 = arith.constant 2 : i32
      %add3A_264 = arith.addi %add3A_246, %add3A_263 : i32
      %lt3A_265 = arith.constant 32 : i32
      %lt3A_266 = arith.cmpi slt, %add3A_264, %lt3A_265 : i32
      %convert_element_type3A_267 = arith.extui %lt3A_266 : i1 to i32
      %cond3A_268 = arith.constant 0 : i32
      %cond3A_269 = arith.cmpi ne, %convert_element_type3A_267, %cond3A_268 : i32
      scf.if %cond3A_269 {
        %add3A_471 = arith.constant 2 : i32
        %add3A_472 = arith.addi %add3A_246, %add3A_471 : i32
        %mul3A_473 = arith.constant 4 : i32
        %mul3A_474 = arith.muli %add3A_472, %mul3A_473 : i32
        %add3A_475 = arith.addi %mul3A_2, %mul3A_474 : i32
        %add3A_476 = arith.constant 0 : i32
        %add3A_477 = arith.addi %add3A_475, %add3A_476 : i32
        %add3A_478 = arith.constant 1 : i32
        %add3A_479 = arith.addi %add3A_475, %add3A_478 : i32
        %add3A_480 = arith.constant 2 : i32
        %add3A_481 = arith.addi %add3A_475, %add3A_480 : i32
        %add3A_482 = arith.constant 3 : i32
        %add3A_483 = arith.addi %add3A_475, %add3A_482 : i32
        %dma_start3A_484 = arith.constant 0 : i32
        %dma_start3A_485 = tpu.memref_slice %arg5[%dma_start3A_484] : memref<800xi32, #tpu.memory_space<vmem>> -> memref<200xi32, #tpu.memory_space<vmem>>
        %dma_start3A_486 = arith.constant 0 : i32
        %dma_start3A_487 = tpu.memref_slice %arg2[%add3A_477, %dma_start3A_486] : memref<4096x200xi32, #tpu.memory_space<hbm>> -> memref<1x200xi32, #tpu.memory_space<hbm>>
        %dma_start3A_488 = tpu.memref_squeeze %dma_start3A_487 : memref<1x200xi32, #tpu.memory_space<hbm>> -> memref<200xi32, #tpu.memory_space<hbm>>
        %dma_start3A_489 = arith.constant 0 : i32
        %dma_start3A_490 = tpu.memref_slice %arg5[%dma_start3A_489] : memref<800xi32, #tpu.memory_space<vmem>> -> memref<200xi32, #tpu.memory_space<vmem>>
        %dma_start3A_491 = arith.constant 0 : i32
        %dma_start3A_492 = tpu.memref_slice %arg2[%add3A_477, %dma_start3A_491] : memref<4096x200xi32, #tpu.memory_space<hbm>> -> memref<1x200xi32, #tpu.memory_space<hbm>>
        %dma_start3A_493 = tpu.memref_squeeze %dma_start3A_492 : memref<1x200xi32, #tpu.memory_space<hbm>> -> memref<200xi32, #tpu.memory_space<hbm>>
        tpu.enqueue_dma source(%dma_start3A_493 : memref<200xi32, #tpu.memory_space<hbm>>) target(%dma_start3A_490 : memref<200xi32, #tpu.memory_space<vmem>>) target_semaphore(%arg8 : memref<!tpu.dma_semaphore, #tpu.memory_space<semaphore_mem>>)
        %dma_start3A_494 = arith.constant 200 : i32
        %dma_start3A_495 = tpu.memref_slice %arg5[%dma_start3A_494] : memref<800xi32, #tpu.memory_space<vmem>> -> memref<200xi32, #tpu.memory_space<vmem>>
        %dma_start3A_496 = arith.constant 0 : i32
        %dma_start3A_497 = tpu.memref_slice %arg2[%add3A_479, %dma_start3A_496] : memref<4096x200xi32, #tpu.memory_space<hbm>> -> memref<1x200xi32, #tpu.memory_space<hbm>>
        %dma_start3A_498 = tpu.memref_squeeze %dma_start3A_497 : memref<1x200xi32, #tpu.memory_space<hbm>> -> memref<200xi32, #tpu.memory_space<hbm>>
        %dma_start3A_499 = arith.constant 200 : i32
        %dma_start3A_500 = tpu.memref_slice %arg5[%dma_start3A_499] : memref<800xi32, #tpu.memory_space<vmem>> -> memref<200xi32, #tpu.memory_space<vmem>>
        %dma_start3A_501 = arith.constant 0 : i32
        %dma_start3A_502 = tpu.memref_slice %arg2[%add3A_479, %dma_start3A_501] : memref<4096x200xi32, #tpu.memory_space<hbm>> -> memref<1x200xi32, #tpu.memory_space<hbm>>
        %dma_start3A_503 = tpu.memref_squeeze %dma_start3A_502 : memref<1x200xi32, #tpu.memory_space<hbm>> -> memref<200xi32, #tpu.memory_space<hbm>>
        tpu.enqueue_dma source(%dma_start3A_503 : memref<200xi32, #tpu.memory_space<hbm>>) target(%dma_start3A_500 : memref<200xi32, #tpu.memory_space<vmem>>) target_semaphore(%arg8 : memref<!tpu.dma_semaphore, #tpu.memory_space<semaphore_mem>>)
        %dma_start3A_504 = arith.constant 400 : i32
        %dma_start3A_505 = tpu.memref_slice %arg5[%dma_start3A_504] : memref<800xi32, #tpu.memory_space<vmem>> -> memref<200xi32, #tpu.memory_space<vmem>>
        %dma_start3A_506 = arith.constant 0 : i32
        %dma_start3A_507 = tpu.memref_slice %arg2[%add3A_481, %dma_start3A_506] : memref<4096x200xi32, #tpu.memory_space<hbm>> -> memref<1x200xi32, #tpu.memory_space<hbm>>
        %dma_start3A_508 = tpu.memref_squeeze %dma_start3A_507 : memref<1x200xi32, #tpu.memory_space<hbm>> -> memref<200xi32, #tpu.memory_space<hbm>>
        %dma_start3A_509 = arith.constant 400 : i32
        %dma_start3A_510 = tpu.memref_slice %arg5[%dma_start3A_509] : memref<800xi32, #tpu.memory_space<vmem>> -> memref<200xi32, #tpu.memory_space<vmem>>
        %dma_start3A_511 = arith.constant 0 : i32
        %dma_start3A_512 = tpu.memref_slice %arg2[%add3A_481, %dma_start3A_511] : memref<4096x200xi32, #tpu.memory_space<hbm>> -> memref<1x200xi32, #tpu.memory_space<hbm>>
        %dma_start3A_513 = tpu.memref_squeeze %dma_start3A_512 : memref<1x200xi32, #tpu.memory_space<hbm>> -> memref<200xi32, #tpu.memory_space<hbm>>
        tpu.enqueue_dma source(%dma_start3A_513 : memref<200xi32, #tpu.memory_space<hbm>>) target(%dma_start3A_510 : memref<200xi32, #tpu.memory_space<vmem>>) target_semaphore(%arg8 : memref<!tpu.dma_semaphore, #tpu.memory_space<semaphore_mem>>)
        %dma_start3A_514 = arith.constant 600 : i32
        %dma_start3A_515 = tpu.memref_slice %arg5[%dma_start3A_514] : memref<800xi32, #tpu.memory_space<vmem>> -> memref<200xi32, #tpu.memory_space<vmem>>
        %dma_start3A_516 = arith.constant 0 : i32
        %dma_start3A_517 = tpu.memref_slice %arg2[%add3A_483, %dma_start3A_516] : memref<4096x200xi32, #tpu.memory_space<hbm>> -> memref<1x200xi32, #tpu.memory_space<hbm>>
        %dma_start3A_518 = tpu.memref_squeeze %dma_start3A_517 : memref<1x200xi32, #tpu.memory_space<hbm>> -> memref<200xi32, #tpu.memory_space<hbm>>
        %dma_start3A_519 = arith.constant 600 : i32
        %dma_start3A_520 = tpu.memref_slice %arg5[%dma_start3A_519] : memref<800xi32, #tpu.memory_space<vmem>> -> memref<200xi32, #tpu.memory_space<vmem>>
        %dma_start3A_521 = arith.constant 0 : i32
        %dma_start3A_522 = tpu.memref_slice %arg2[%add3A_483, %dma_start3A_521] : memref<4096x200xi32, #tpu.memory_space<hbm>> -> memref<1x200xi32, #tpu.memory_space<hbm>>
        %dma_start3A_523 = tpu.memref_squeeze %dma_start3A_522 : memref<1x200xi32, #tpu.memory_space<hbm>> -> memref<200xi32, #tpu.memory_space<hbm>>
        tpu.enqueue_dma source(%dma_start3A_523 : memref<200xi32, #tpu.memory_space<hbm>>) target(%dma_start3A_520 : memref<200xi32, #tpu.memory_space<vmem>>) target_semaphore(%arg8 : memref<!tpu.dma_semaphore, #tpu.memory_space<semaphore_mem>>)
      } else {
      }
      %scan3A_270 = arith.constant 0 : i32
      %scan3A_271 = arith.constant 0 : i32
      %scan3A_272 = arith.constant 100 : i32
      %scan3A_273 = arith.addi %scan3A_271, %scan3A_272 : i32
      %scan3A_274 = arith.constant 1 : i32
      scf.for %scan3A_471 = %scan3A_271 to %scan3A_273 step %scan3A_274  : i32 {
        %mul3A_472 = arith.constant 8 : i32
        %mul3A_473 = arith.muli %scan3A_471, %mul3A_472 : i32
        %add3A_474 = arith.constant 0 : i32
        %add3A_475 = arith.addi %mul3A_473, %add3A_474 : i32
        %get3A = arith.constant 0 : i32
        %get3A_476 = arith.index_cast %get3A : i32 to index
        %get3A_477 = arith.index_cast %add3A_475 : i32 to index
        %get3A_478 = arith.constant 0 : index
        %get3A_479 = tpu.vector_load %arg7[%get3A_476, %get3A_477, %get3A_478] {strides = array<i32>} : memref<2x800x64xf32, #tpu.memory_space<vmem>>, vector<1x1x16xf32>,
        %get3A_480 = vector.shape_cast %get3A_479 : vector<1x1x16xf32> to vector<16xf32>
        %mul3A_481 = arith.constant 8.000000e+00 : f32
        %mul3A_482 = vector.broadcast %mul3A_481 : f32 to vector<16xf32>
        %mul3A_483 = arith.mulf %get3A_480, %mul3A_482 : vector<16xf32>
        %swap3A = arith.constant 0 : i32
        %swap3A_484 = arith.index_cast %swap3A : i32 to index
        %swap3A_485 = arith.index_cast %add3A_475 : i32 to index
        %swap3A_486 = arith.constant 0 : index
        %swap3A_487 = tpu.vector_load %arg7[%swap3A_484, %swap3A_485, %swap3A_486] {strides = array<i32>} : memref<2x800x64xf32, #tpu.memory_space<vmem>>, vector<1x1x16xf32>,
        %swap3A_488 = vector.shape_cast %swap3A_487 : vector<1x1x16xf32> to vector<16xf32>
        %swap3A_489 = vector.shape_cast %mul3A_483 : vector<16xf32> to vector<1x1x16xf32>
        tpu.vector_store %arg7[%swap3A_484, %swap3A_485, %swap3A_486], %swap3A_489 {strides = array<i32>} : memref<2x800x64xf32, #tpu.memory_space<vmem>>, vector<1x1x16xf32>,
        %get3A_490 = arith.constant 0 : i32
        %get3A_491 = arith.index_cast %get3A_490 : i32 to index
        %get3A_492 = arith.index_cast %add3A_475 : i32 to index
        %get3A_493 = arith.constant 16 : index
        %get3A_494 = tpu.vector_load %arg7[%get3A_491, %get3A_492, %get3A_493] {strides = array<i32>} : memref<2x800x64xf32, #tpu.memory_space<vmem>>, vector<1x1x16xf32>,
        %get3A_495 = vector.shape_cast %get3A_494 : vector<1x1x16xf32> to vector<16xf32>
        %mul3A_496 = arith.constant 8.000000e+00 : f32
        %mul3A_497 = vector.broadcast %mul3A_496 : f32 to vector<16xf32>
        %mul3A_498 = arith.mulf %get3A_495, %mul3A_497 : vector<16xf32>
        %swap3A_499 = arith.constant 0 : i32
        %swap3A_500 = arith.index_cast %swap3A_499 : i32 to index
        %swap3A_501 = arith.index_cast %add3A_475 : i32 to index
        %swap3A_502 = arith.constant 16 : index
        %swap3A_503 = tpu.vector_load %arg7[%swap3A_500, %swap3A_501, %swap3A_502] {strides = array<i32>} : memref<2x800x64xf32, #tpu.memory_space<vmem>>, vector<1x1x16xf32>,
        %swap3A_504 = vector.shape_cast %swap3A_503 : vector<1x1x16xf32> to vector<16xf32>
        %swap3A_505 = vector.shape_cast %mul3A_498 : vector<16xf32> to vector<1x1x16xf32>
        tpu.vector_store %arg7[%swap3A_500, %swap3A_501, %swap3A_502], %swap3A_505 {strides = array<i32>} : memref<2x800x64xf32, #tpu.memory_space<vmem>>, vector<1x1x16xf32>,
        %get3A_506 = arith.constant 0 : i32
        %get3A_507 = arith.index_cast %get3A_506 : i32 to index
        %get3A_508 = arith.index_cast %add3A_475 : i32 to index
        %get3A_509 = arith.constant 32 : index
        %get3A_510 = tpu.vector_load %arg7[%get3A_507, %get3A_508, %get3A_509] {strides = array<i32>} : memref<2x800x64xf32, #tpu.memory_space<vmem>>, vector<1x1x16xf32>,
        %get3A_511 = vector.shape_cast %get3A_510 : vector<1x1x16xf32> to vector<16xf32>
        %mul3A_512 = arith.constant 8.000000e+00 : f32
        %mul3A_513 = vector.broadcast %mul3A_512 : f32 to vector<16xf32>
        %mul3A_514 = arith.mulf %get3A_511, %mul3A_513 : vector<16xf32>
        %swap3A_515 = arith.constant 0 : i32
        %swap3A_516 = arith.index_cast %swap3A_515 : i32 to index
        %swap3A_517 = arith.index_cast %add3A_475 : i32 to index
        %swap3A_518 = arith.constant 32 : index
        %swap3A_519 = tpu.vector_load %arg7[%swap3A_516, %swap3A_517, %swap3A_518] {strides = array<i32>} : memref<2x800x64xf32, #tpu.memory_space<vmem>>, vector<1x1x16xf32>,
        %swap3A_520 = vector.shape_cast %swap3A_519 : vector<1x1x16xf32> to vector<16xf32>
        %swap3A_521 = vector.shape_cast %mul3A_514 : vector<16xf32> to vector<1x1x16xf32>
        tpu.vector_store %arg7[%swap3A_516, %swap3A_517, %swap3A_518], %swap3A_521 {strides = array<i32>} : memref<2x800x64xf32, #tpu.memory_space<vmem>>, vector<1x1x16xf32>,
        %get3A_522 = arith.constant 0 : i32
        %get3A_523 = arith.index_cast %get3A_522 : i32 to index
        %get3A_524 = arith.index_cast %add3A_475 : i32 to index
        %get3A_525 = arith.constant 48 : index
        %get3A_526 = tpu.vector_load %arg7[%get3A_523, %get3A_524, %get3A_525] {strides = array<i32>} : memref<2x800x64xf32, #tpu.memory_space<vmem>>, vector<1x1x16xf32>,
        %get3A_527 = vector.shape_cast %get3A_526 : vector<1x1x16xf32> to vector<16xf32>
        %mul3A_528 = arith.constant 8.000000e+00 : f32
        %mul3A_529 = vector.broadcast %mul3A_528 : f32 to vector<16xf32>
        %mul3A_530 = arith.mulf %get3A_527, %mul3A_529 : vector<16xf32>
        %swap3A_531 = arith.constant 0 : i32
        %swap3A_532 = arith.index_cast %swap3A_531 : i32 to index
        %swap3A_533 = arith.index_cast %add3A_475 : i32 to index
        %swap3A_534 = arith.constant 48 : index
        %swap3A_535 = tpu.vector_load %arg7[%swap3A_532, %swap3A_533, %swap3A_534] {strides = array<i32>} : memref<2x800x64xf32, #tpu.memory_space<vmem>>, vector<1x1x16xf32>,
        %swap3A_536 = vector.shape_cast %swap3A_535 : vector<1x1x16xf32> to vector<16xf32>
        %swap3A_537 = vector.shape_cast %mul3A_530 : vector<16xf32> to vector<1x1x16xf32>
        tpu.vector_store %arg7[%swap3A_532, %swap3A_533, %swap3A_534], %swap3A_537 {strides = array<i32>} : memref<2x800x64xf32, #tpu.memory_space<vmem>>, vector<1x1x16xf32>,
        %mul3A_538 = arith.constant 8 : i32
        %mul3A_539 = arith.muli %scan3A_471, %mul3A_538 : i32
        %add3A_540 = arith.constant 1 : i32
        %add3A_541 = arith.addi %mul3A_539, %add3A_540 : i32
        %get3A_542 = arith.constant 0 : i32
        %get3A_543 = arith.index_cast %get3A_542 : i32 to index
        %get3A_544 = arith.index_cast %add3A_541 : i32 to index
        %get3A_545 = arith.constant 0 : index
        %get3A_546 = tpu.vector_load %arg7[%get3A_543, %get3A_544, %get3A_545] {strides = array<i32>} : memref<2x800x64xf32, #tpu.memory_space<vmem>>, vector<1x1x16xf32>,
        %get3A_547 = vector.shape_cast %get3A_546 : vector<1x1x16xf32> to vector<16xf32>
        %mul3A_548 = arith.constant 8.000000e+00 : f32
        %mul3A_549 = vector.broadcast %mul3A_548 : f32 to vector<16xf32>
        %mul3A_550 = arith.mulf %get3A_547, %mul3A_549 : vector<16xf32>
        %swap3A_551 = arith.constant 0 : i32
        %swap3A_552 = arith.index_cast %swap3A_551 : i32 to index
        %swap3A_553 = arith.index_cast %add3A_541 : i32 to index
        %swap3A_554 = arith.constant 0 : index
        %swap3A_555 = tpu.vector_load %arg7[%swap3A_552, %swap3A_553, %swap3A_554] {strides = array<i32>} : memref<2x800x64xf32, #tpu.memory_space<vmem>>, vector<1x1x16xf32>,
        %swap3A_556 = vector.shape_cast %swap3A_555 : vector<1x1x16xf32> to vector<16xf32>
        %swap3A_557 = vector.shape_cast %mul3A_550 : vector<16xf32> to vector<1x1x16xf32>
        tpu.vector_store %arg7[%swap3A_552, %swap3A_553, %swap3A_554], %swap3A_557 {strides = array<i32>} : memref<2x800x64xf32, #tpu.memory_space<vmem>>, vector<1x1x16xf32>,
        %get3A_558 = arith.constant 0 : i32
        %get3A_559 = arith.index_cast %get3A_558 : i32 to index
        %get3A_560 = arith.index_cast %add3A_541 : i32 to index
        %get3A_561 = arith.constant 16 : index
        %get3A_562 = tpu.vector_load %arg7[%get3A_559, %get3A_560, %get3A_561] {strides = array<i32>} : memref<2x800x64xf32, #tpu.memory_space<vmem>>, vector<1x1x16xf32>,
        %get3A_563 = vector.shape_cast %get3A_562 : vector<1x1x16xf32> to vector<16xf32>
        %mul3A_564 = arith.constant 8.000000e+00 : f32
        %mul3A_565 = vector.broadcast %mul3A_564 : f32 to vector<16xf32>
        %mul3A_566 = arith.mulf %get3A_563, %mul3A_565 : vector<16xf32>
        %swap3A_567 = arith.constant 0 : i32
        %swap3A_568 = arith.index_cast %swap3A_567 : i32 to index
        %swap3A_569 = arith.index_cast %add3A_541 : i32 to index
        %swap3A_570 = arith.constant 16 : index
        %swap3A_571 = tpu.vector_load %arg7[%swap3A_568, %swap3A_569, %swap3A_570] {strides = array<i32>} : memref<2x800x64xf32, #tpu.memory_space<vmem>>, vector<1x1x16xf32>,
        %swap3A_572 = vector.shape_cast %swap3A_571 : vector<1x1x16xf32> to vector<16xf32>
        %swap3A_573 = vector.shape_cast %mul3A_566 : vector<16xf32> to vector<1x1x16xf32>
        tpu.vector_store %arg7[%swap3A_568, %swap3A_569, %swap3A_570], %swap3A_573 {strides = array<i32>} : memref<2x800x64xf32, #tpu.memory_space<vmem>>, vector<1x1x16xf32>,
        %get3A_574 = arith.constant 0 : i32
        %get3A_575 = arith.index_cast %get3A_574 : i32 to index
        %get3A_576 = arith.index_cast %add3A_541 : i32 to index
        %get3A_577 = arith.constant 32 : index
        %get3A_578 = tpu.vector_load %arg7[%get3A_575, %get3A_576, %get3A_577] {strides = array<i32>} : memref<2x800x64xf32, #tpu.memory_space<vmem>>, vector<1x1x16xf32>,
        %get3A_579 = vector.shape_cast %get3A_578 : vector<1x1x16xf32> to vector<16xf32>
        %mul3A_580 = arith.constant 8.000000e+00 : f32
        %mul3A_581 = vector.broadcast %mul3A_580 : f32 to vector<16xf32>
        %mul3A_582 = arith.mulf %get3A_579, %mul3A_581 : vector<16xf32>
        %swap3A_583 = arith.constant 0 : i32
        %swap3A_584 = arith.index_cast %swap3A_583 : i32 to index
        %swap3A_585 = arith.index_cast %add3A_541 : i32 to index
        %swap3A_586 = arith.constant 32 : index
        %swap3A_587 = tpu.vector_load %arg7[%swap3A_584, %swap3A_585, %swap3A_586] {strides = array<i32>} : memref<2x800x64xf32, #tpu.memory_space<vmem>>, vector<1x1x16xf32>,
        %swap3A_588 = vector.shape_cast %swap3A_587 : vector<1x1x16xf32> to vector<16xf32>
        %swap3A_589 = vector.shape_cast %mul3A_582 : vector<16xf32> to vector<1x1x16xf32>
        tpu.vector_store %arg7[%swap3A_584, %swap3A_585, %swap3A_586], %swap3A_589 {strides = array<i32>} : memref<2x800x64xf32, #tpu.memory_space<vmem>>, vector<1x1x16xf32>,
        %get3A_590 = arith.constant 0 : i32
        %get3A_591 = arith.index_cast %get3A_590 : i32 to index
        %get3A_592 = arith.index_cast %add3A_541 : i32 to index
        %get3A_593 = arith.constant 48 : index
        %get3A_594 = tpu.vector_load %arg7[%get3A_591, %get3A_592, %get3A_593] {strides = array<i32>} : memref<2x800x64xf32, #tpu.memory_space<vmem>>, vector<1x1x16xf32>,
        %get3A_595 = vector.shape_cast %get3A_594 : vector<1x1x16xf32> to vector<16xf32>
        %mul3A_596 = arith.constant 8.000000e+00 : f32
        %mul3A_597 = vector.broadcast %mul3A_596 : f32 to vector<16xf32>
        %mul3A_598 = arith.mulf %get3A_595, %mul3A_597 : vector<16xf32>
        %swap3A_599 = arith.constant 0 : i32
        %swap3A_600 = arith.index_cast %swap3A_599 : i32 to index
        %swap3A_601 = arith.index_cast %add3A_541 : i32 to index
        %swap3A_602 = arith.constant 48 : index
        %swap3A_603 = tpu.vector_load %arg7[%swap3A_600, %swap3A_601, %swap3A_602] {strides = array<i32>} : memref<2x800x64xf32, #tpu.memory_space<vmem>>, vector<1x1x16xf32>,
        %swap3A_604 = vector.shape_cast %swap3A_603 : vector<1x1x16xf32> to vector<16xf32>
        %swap3A_605 = vector.shape_cast %mul3A_598 : vector<16xf32> to vector<1x1x16xf32>
        tpu.vector_store %arg7[%swap3A_600, %swap3A_601, %swap3A_602], %swap3A_605 {strides = array<i32>} : memref<2x800x64xf32, #tpu.memory_space<vmem>>, vector<1x1x16xf32>,
        %mul3A_606 = arith.constant 8 : i32
        %mul3A_607 = arith.muli %scan3A_471, %mul3A_606 : i32
        %add3A_608 = arith.constant 2 : i32
        %add3A_609 = arith.addi %mul3A_607, %add3A_608 : i32
        %get3A_610 = arith.constant 0 : i32
        %get3A_611 = arith.index_cast %get3A_610 : i32 to index
        %get3A_612 = arith.index_cast %add3A_609 : i32 to index
        %get3A_613 = arith.constant 0 : index
        %get3A_614 = tpu.vector_load %arg7[%get3A_611, %get3A_612, %get3A_613] {strides = array<i32>} : memref<2x800x64xf32, #tpu.memory_space<vmem>>, vector<1x1x16xf32>,
        %get3A_615 = vector.shape_cast %get3A_614 : vector<1x1x16xf32> to vector<16xf32>
        %mul3A_616 = arith.constant 8.000000e+00 : f32
        %mul3A_617 = vector.broadcast %mul3A_616 : f32 to vector<16xf32>
        %mul3A_618 = arith.mulf %get3A_615, %mul3A_617 : vector<16xf32>
        %swap3A_619 = arith.constant 0 : i32
        %swap3A_620 = arith.index_cast %swap3A_619 : i32 to index
        %swap3A_621 = arith.index_cast %add3A_609 : i32 to index
        %swap3A_622 = arith.constant 0 : index
        %swap3A_623 = tpu.vector_load %arg7[%swap3A_620, %swap3A_621, %swap3A_622] {strides = array<i32>} : memref<2x800x64xf32, #tpu.memory_space<vmem>>, vector<1x1x16xf32>,
        %swap3A_624 = vector.shape_cast %swap3A_623 : vector<1x1x16xf32> to vector<16xf32>
        %swap3A_625 = vector.shape_cast %mul3A_618 : vector<16xf32> to vector<1x1x16xf32>
        tpu.vector_store %arg7[%swap3A_620, %swap3A_621, %swap3A_622], %swap3A_625 {strides = array<i32>} : memref<2x800x64xf32, #tpu.memory_space<vmem>>, vector<1x1x16xf32>,
        %get3A_626 = arith.constant 0 : i32
        %get3A_627 = arith.index_cast %get3A_626 : i32 to index
        %get3A_628 = arith.index_cast %add3A_609 : i32 to index
        %get3A_629 = arith.constant 16 : index
        %get3A_630 = tpu.vector_load %arg7[%get3A_627, %get3A_628, %get3A_629] {strides = array<i32>} : memref<2x800x64xf32, #tpu.memory_space<vmem>>, vector<1x1x16xf32>,
        %get3A_631 = vector.shape_cast %get3A_630 : vector<1x1x16xf32> to vector<16xf32>
        %mul3A_632 = arith.constant 8.000000e+00 : f32
        %mul3A_633 = vector.broadcast %mul3A_632 : f32 to vector<16xf32>
        %mul3A_634 = arith.mulf %get3A_631, %mul3A_633 : vector<16xf32>
        %swap3A_635 = arith.constant 0 : i32
        %swap3A_636 = arith.index_cast %swap3A_635 : i32 to index
        %swap3A_637 = arith.index_cast %add3A_609 : i32 to index
        %swap3A_638 = arith.constant 16 : index
        %swap3A_639 = tpu.vector_load %arg7[%swap3A_636, %swap3A_637, %swap3A_638] {strides = array<i32>} : memref<2x800x64xf32, #tpu.memory_space<vmem>>, vector<1x1x16xf32>,
        %swap3A_640 = vector.shape_cast %swap3A_639 : vector<1x1x16xf32> to vector<16xf32>
        %swap3A_641 = vector.shape_cast %mul3A_634 : vector<16xf32> to vector<1x1x16xf32>
        tpu.vector_store %arg7[%swap3A_636, %swap3A_637, %swap3A_638], %swap3A_641 {strides = array<i32>} : memref<2x800x64xf32, #tpu.memory_space<vmem>>, vector<1x1x16xf32>,
        %get3A_642 = arith.constant 0 : i32
        %get3A_643 = arith.index_cast %get3A_642 : i32 to index
        %get3A_644 = arith.index_cast %add3A_609 : i32 to index
        %get3A_645 = arith.constant 32 : index
        %get3A_646 = tpu.vector_load %arg7[%get3A_643, %get3A_644, %get3A_645] {strides = array<i32>} : memref<2x800x64xf32, #tpu.memory_space<vmem>>, vector<1x1x16xf32>,
        %get3A_647 = vector.shape_cast %get3A_646 : vector<1x1x16xf32> to vector<16xf32>
        %mul3A_648 = arith.constant 8.000000e+00 : f32
        %mul3A_649 = vector.broadcast %mul3A_648 : f32 to vector<16xf32>
        %mul3A_650 = arith.mulf %get3A_647, %mul3A_649 : vector<16xf32>
        %swap3A_651 = arith.constant 0 : i32
        %swap3A_652 = arith.index_cast %swap3A_651 : i32 to index
        %swap3A_653 = arith.index_cast %add3A_609 : i32 to index
        %swap3A_654 = arith.constant 32 : index
        %swap3A_655 = tpu.vector_load %arg7[%swap3A_652, %swap3A_653, %swap3A_654] {strides = array<i32>} : memref<2x800x64xf32, #tpu.memory_space<vmem>>, vector<1x1x16xf32>,
        %swap3A_656 = vector.shape_cast %swap3A_655 : vector<1x1x16xf32> to vector<16xf32>
        %swap3A_657 = vector.shape_cast %mul3A_650 : vector<16xf32> to vector<1x1x16xf32>
        tpu.vector_store %arg7[%swap3A_652, %swap3A_653, %swap3A_654], %swap3A_657 {strides = array<i32>} : memref<2x800x64xf32, #tpu.memory_space<vmem>>, vector<1x1x16xf32>,
        %get3A_658 = arith.constant 0 : i32
        %get3A_659 = arith.index_cast %get3A_658 : i32 to index
        %get3A_660 = arith.index_cast %add3A_609 : i32 to index
        %get3A_661 = arith.constant 48 : index
        %get3A_662 = tpu.vector_load %arg7[%get3A_659, %get3A_660, %get3A_661] {strides = array<i32>} : memref<2x800x64xf32, #tpu.memory_space<vmem>>, vector<1x1x16xf32>,
        %get3A_663 = vector.shape_cast %get3A_662 : vector<1x1x16xf32> to vector<16xf32>
        %mul3A_664 = arith.constant 8.000000e+00 : f32
        %mul3A_665 = vector.broadcast %mul3A_664 : f32 to vector<16xf32>
        %mul3A_666 = arith.mulf %get3A_663, %mul3A_665 : vector<16xf32>
        %swap3A_667 = arith.constant 0 : i32
        %swap3A_668 = arith.index_cast %swap3A_667 : i32 to index
        %swap3A_669 = arith.index_cast %add3A_609 : i32 to index
        %swap3A_670 = arith.constant 48 : index
        %swap3A_671 = tpu.vector_load %arg7[%swap3A_668, %swap3A_669, %swap3A_670] {strides = array<i32>} : memref<2x800x64xf32, #tpu.memory_space<vmem>>, vector<1x1x16xf32>,
        %swap3A_672 = vector.shape_cast %swap3A_671 : vector<1x1x16xf32> to vector<16xf32>
        %swap3A_673 = vector.shape_cast %mul3A_666 : vector<16xf32> to vector<1x1x16xf32>
        tpu.vector_store %arg7[%swap3A_668, %swap3A_669, %swap3A_670], %swap3A_673 {strides = array<i32>} : memref<2x800x64xf32, #tpu.memory_space<vmem>>, vector<1x1x16xf32>,
        %mul3A_674 = arith.constant 8 : i32
        %mul3A_675 = arith.muli %scan3A_471, %mul3A_674 : i32
        %add3A_676 = arith.constant 3 : i32
        %add3A_677 = arith.addi %mul3A_675, %add3A_676 : i32
        %get3A_678 = arith.constant 0 : i32
        %get3A_679 = arith.index_cast %get3A_678 : i32 to index
        %get3A_680 = arith.index_cast %add3A_677 : i32 to index
        %get3A_681 = arith.constant 0 : index
        %get3A_682 = tpu.vector_load %arg7[%get3A_679, %get3A_680, %get3A_681] {strides = array<i32>} : memref<2x800x64xf32, #tpu.memory_space<vmem>>, vector<1x1x16xf32>,
        %get3A_683 = vector.shape_cast %get3A_682 : vector<1x1x16xf32> to vector<16xf32>
        %mul3A_684 = arith.constant 8.000000e+00 : f32
        %mul3A_685 = vector.broadcast %mul3A_684 : f32 to vector<16xf32>
        %mul3A_686 = arith.mulf %get3A_683, %mul3A_685 : vector<16xf32>
        %swap3A_687 = arith.constant 0 : i32
        %swap3A_688 = arith.index_cast %swap3A_687 : i32 to index
        %swap3A_689 = arith.index_cast %add3A_677 : i32 to index
        %swap3A_690 = arith.constant 0 : index
        %swap3A_691 = tpu.vector_load %arg7[%swap3A_688, %swap3A_689, %swap3A_690] {strides = array<i32>} : memref<2x800x64xf32, #tpu.memory_space<vmem>>, vector<1x1x16xf32>,
        %swap3A_692 = vector.shape_cast %swap3A_691 : vector<1x1x16xf32> to vector<16xf32>
        %swap3A_693 = vector.shape_cast %mul3A_686 : vector<16xf32> to vector<1x1x16xf32>
        tpu.vector_store %arg7[%swap3A_688, %swap3A_689, %swap3A_690], %swap3A_693 {strides = array<i32>} : memref<2x800x64xf32, #tpu.memory_space<vmem>>, vector<1x1x16xf32>,
        %get3A_694 = arith.constant 0 : i32
        %get3A_695 = arith.index_cast %get3A_694 : i32 to index
        %get3A_696 = arith.index_cast %add3A_677 : i32 to index
        %get3A_697 = arith.constant 16 : index
        %get3A_698 = tpu.vector_load %arg7[%get3A_695, %get3A_696, %get3A_697] {strides = array<i32>} : memref<2x800x64xf32, #tpu.memory_space<vmem>>, vector<1x1x16xf32>,
        %get3A_699 = vector.shape_cast %get3A_698 : vector<1x1x16xf32> to vector<16xf32>
        %mul3A_700 = arith.constant 8.000000e+00 : f32
        %mul3A_701 = vector.broadcast %mul3A_700 : f32 to vector<16xf32>
        %mul3A_702 = arith.mulf %get3A_699, %mul3A_701 : vector<16xf32>
        %swap3A_703 = arith.constant 0 : i32
        %swap3A_704 = arith.index_cast %swap3A_703 : i32 to index
        %swap3A_705 = arith.index_cast %add3A_677 : i32 to index
        %swap3A_706 = arith.constant 16 : index
        %swap3A_707 = tpu.vector_load %arg7[%swap3A_704, %swap3A_705, %swap3A_706] {strides = array<i32>} : memref<2x800x64xf32, #tpu.memory_space<vmem>>, vector<1x1x16xf32>,
        %swap3A_708 = vector.shape_cast %swap3A_707 : vector<1x1x16xf32> to vector<16xf32>
        %swap3A_709 = vector.shape_cast %mul3A_702 : vector<16xf32> to vector<1x1x16xf32>
        tpu.vector_store %arg7[%swap3A_704, %swap3A_705, %swap3A_706], %swap3A_709 {strides = array<i32>} : memref<2x800x64xf32, #tpu.memory_space<vmem>>, vector<1x1x16xf32>,
        %get3A_710 = arith.constant 0 : i32
        %get3A_711 = arith.index_cast %get3A_710 : i32 to index
        %get3A_712 = arith.index_cast %add3A_677 : i32 to index
        %get3A_713 = arith.constant 32 : index
        %get3A_714 = tpu.vector_load %arg7[%get3A_711, %get3A_712, %get3A_713] {strides = array<i32>} : memref<2x800x64xf32, #tpu.memory_space<vmem>>, vector<1x1x16xf32>,
        %get3A_715 = vector.shape_cast %get3A_714 : vector<1x1x16xf32> to vector<16xf32>
        %mul3A_716 = arith.constant 8.000000e+00 : f32
        %mul3A_717 = vector.broadcast %mul3A_716 : f32 to vector<16xf32>
        %mul3A_718 = arith.mulf %get3A_715, %mul3A_717 : vector<16xf32>
        %swap3A_719 = arith.constant 0 : i32
        %swap3A_720 = arith.index_cast %swap3A_719 : i32 to index
        %swap3A_721 = arith.index_cast %add3A_677 : i32 to index
        %swap3A_722 = arith.constant 32 : index
        %swap3A_723 = tpu.vector_load %arg7[%swap3A_720, %swap3A_721, %swap3A_722] {strides = array<i32>} : memref<2x800x64xf32, #tpu.memory_space<vmem>>, vector<1x1x16xf32>,
        %swap3A_724 = vector.shape_cast %swap3A_723 : vector<1x1x16xf32> to vector<16xf32>
        %swap3A_725 = vector.shape_cast %mul3A_718 : vector<16xf32> to vector<1x1x16xf32>
        tpu.vector_store %arg7[%swap3A_720, %swap3A_721, %swap3A_722], %swap3A_725 {strides = array<i32>} : memref<2x800x64xf32, #tpu.memory_space<vmem>>, vector<1x1x16xf32>,
        %get3A_726 = arith.constant 0 : i32
        %get3A_727 = arith.index_cast %get3A_726 : i32 to index
        %get3A_728 = arith.index_cast %add3A_677 : i32 to index
        %get3A_729 = arith.constant 48 : index
        %get3A_730 = tpu.vector_load %arg7[%get3A_727, %get3A_728, %get3A_729] {strides = array<i32>} : memref<2x800x64xf32, #tpu.memory_space<vmem>>, vector<1x1x16xf32>,
        %get3A_731 = vector.shape_cast %get3A_730 : vector<1x1x16xf32> to vector<16xf32>
        %mul3A_732 = arith.constant 8.000000e+00 : f32
        %mul3A_733 = vector.broadcast %mul3A_732 : f32 to vector<16xf32>
        %mul3A_734 = arith.mulf %get3A_731, %mul3A_733 : vector<16xf32>
        %swap3A_735 = arith.constant 0 : i32
        %swap3A_736 = arith.index_cast %swap3A_735 : i32 to index
        %swap3A_737 = arith.index_cast %add3A_677 : i32 to index
        %swap3A_738 = arith.constant 48 : index
        %swap3A_739 = tpu.vector_load %arg7[%swap3A_736, %swap3A_737, %swap3A_738] {strides = array<i32>} : memref<2x800x64xf32, #tpu.memory_space<vmem>>, vector<1x1x16xf32>,
        %swap3A_740 = vector.shape_cast %swap3A_739 : vector<1x1x16xf32> to vector<16xf32>
        %swap3A_741 = vector.shape_cast %mul3A_734 : vector<16xf32> to vector<1x1x16xf32>
        tpu.vector_store %arg7[%swap3A_736, %swap3A_737, %swap3A_738], %swap3A_741 {strides = array<i32>} : memref<2x800x64xf32, #tpu.memory_space<vmem>>, vector<1x1x16xf32>,
        %mul3A_742 = arith.constant 8 : i32
        %mul3A_743 = arith.muli %scan3A_471, %mul3A_742 : i32
        %add3A_744 = arith.constant 4 : i32
        %add3A_745 = arith.addi %mul3A_743, %add3A_744 : i32
        %get3A_746 = arith.constant 0 : i32
        %get3A_747 = arith.index_cast %get3A_746 : i32 to index
        %get3A_748 = arith.index_cast %add3A_745 : i32 to index
        %get3A_749 = arith.constant 0 : index
        %get3A_750 = tpu.vector_load %arg7[%get3A_747, %get3A_748, %get3A_749] {strides = array<i32>} : memref<2x800x64xf32, #tpu.memory_space<vmem>>, vector<1x1x16xf32>,
        %get3A_751 = vector.shape_cast %get3A_750 : vector<1x1x16xf32> to vector<16xf32>
        %mul3A_752 = arith.constant 8.000000e+00 : f32
        %mul3A_753 = vector.broadcast %mul3A_752 : f32 to vector<16xf32>
        %mul3A_754 = arith.mulf %get3A_751, %mul3A_753 : vector<16xf32>
        %swap3A_755 = arith.constant 0 : i32
        %swap3A_756 = arith.index_cast %swap3A_755 : i32 to index
        %swap3A_757 = arith.index_cast %add3A_745 : i32 to index
        %swap3A_758 = arith.constant 0 : index
        %swap3A_759 = tpu.vector_load %arg7[%swap3A_756, %swap3A_757, %swap3A_758] {strides = array<i32>} : memref<2x800x64xf32, #tpu.memory_space<vmem>>, vector<1x1x16xf32>,
        %swap3A_760 = vector.shape_cast %swap3A_759 : vector<1x1x16xf32> to vector<16xf32>
        %swap3A_761 = vector.shape_cast %mul3A_754 : vector<16xf32> to vector<1x1x16xf32>
        tpu.vector_store %arg7[%swap3A_756, %swap3A_757, %swap3A_758], %swap3A_761 {strides = array<i32>} : memref<2x800x64xf32, #tpu.memory_space<vmem>>, vector<1x1x16xf32>,
        %get3A_762 = arith.constant 0 : i32
        %get3A_763 = arith.index_cast %get3A_762 : i32 to index
        %get3A_764 = arith.index_cast %add3A_745 : i32 to index
        %get3A_765 = arith.constant 16 : index
        %get3A_766 = tpu.vector_load %arg7[%get3A_763, %get3A_764, %get3A_765] {strides = array<i32>} : memref<2x800x64xf32, #tpu.memory_space<vmem>>, vector<1x1x16xf32>,
        %get3A_767 = vector.shape_cast %get3A_766 : vector<1x1x16xf32> to vector<16xf32>
        %mul3A_768 = arith.constant 8.000000e+00 : f32
        %mul3A_769 = vector.broadcast %mul3A_768 : f32 to vector<16xf32>
        %mul3A_770 = arith.mulf %get3A_767, %mul3A_769 : vector<16xf32>
        %swap3A_771 = arith.constant 0 : i32
        %swap3A_772 = arith.index_cast %swap3A_771 : i32 to index
        %swap3A_773 = arith.index_cast %add3A_745 : i32 to index
        %swap3A_774 = arith.constant 16 : index
        %swap3A_775 = tpu.vector_load %arg7[%swap3A_772, %swap3A_773, %swap3A_774] {strides = array<i32>} : memref<2x800x64xf32, #tpu.memory_space<vmem>>, vector<1x1x16xf32>,
        %swap3A_776 = vector.shape_cast %swap3A_775 : vector<1x1x16xf32> to vector<16xf32>
        %swap3A_777 = vector.shape_cast %mul3A_770 : vector<16xf32> to vector<1x1x16xf32>
        tpu.vector_store %arg7[%swap3A_772, %swap3A_773, %swap3A_774], %swap3A_777 {strides = array<i32>} : memref<2x800x64xf32, #tpu.memory_space<vmem>>, vector<1x1x16xf32>,
        %get3A_778 = arith.constant 0 : i32
        %get3A_779 = arith.index_cast %get3A_778 : i32 to index
        %get3A_780 = arith.index_cast %add3A_745 : i32 to index
        %get3A_781 = arith.constant 32 : index
        %get3A_782 = tpu.vector_load %arg7[%get3A_779, %get3A_780, %get3A_781] {strides = array<i32>} : memref<2x800x64xf32, #tpu.memory_space<vmem>>, vector<1x1x16xf32>,
        %get3A_783 = vector.shape_cast %get3A_782 : vector<1x1x16xf32> to vector<16xf32>
        %mul3A_784 = arith.constant 8.000000e+00 : f32
        %mul3A_785 = vector.broadcast %mul3A_784 : f32 to vector<16xf32>
        %mul3A_786 = arith.mulf %get3A_783, %mul3A_785 : vector<16xf32>
        %swap3A_787 = arith.constant 0 : i32
        %swap3A_788 = arith.index_cast %swap3A_787 : i32 to index
        %swap3A_789 = arith.index_cast %add3A_745 : i32 to index
        %swap3A_790 = arith.constant 32 : index
        %swap3A_791 = tpu.vector_load %arg7[%swap3A_788, %swap3A_789, %swap3A_790] {strides = array<i32>} : memref<2x800x64xf32, #tpu.memory_space<vmem>>, vector<1x1x16xf32>,
        %swap3A_792 = vector.shape_cast %swap3A_791 : vector<1x1x16xf32> to vector<16xf32>
        %swap3A_793 = vector.shape_cast %mul3A_786 : vector<16xf32> to vector<1x1x16xf32>
        tpu.vector_store %arg7[%swap3A_788, %swap3A_789, %swap3A_790], %swap3A_793 {strides = array<i32>} : memref<2x800x64xf32, #tpu.memory_space<vmem>>, vector<1x1x16xf32>,
        %get3A_794 = arith.constant 0 : i32
        %get3A_795 = arith.index_cast %get3A_794 : i32 to index
        %get3A_796 = arith.index_cast %add3A_745 : i32 to index
        %get3A_797 = arith.constant 48 : index
        %get3A_798 = tpu.vector_load %arg7[%get3A_795, %get3A_796, %get3A_797] {strides = array<i32>} : memref<2x800x64xf32, #tpu.memory_space<vmem>>, vector<1x1x16xf32>,
        %get3A_799 = vector.shape_cast %get3A_798 : vector<1x1x16xf32> to vector<16xf32>
        %mul3A_800 = arith.constant 8.000000e+00 : f32
        %mul3A_801 = vector.broadcast %mul3A_800 : f32 to vector<16xf32>
        %mul3A_802 = arith.mulf %get3A_799, %mul3A_801 : vector<16xf32>
        %swap3A_803 = arith.constant 0 : i32
        %swap3A_804 = arith.index_cast %swap3A_803 : i32 to index
        %swap3A_805 = arith.index_cast %add3A_745 : i32 to index
        %swap3A_806 = arith.constant 48 : index
        %swap3A_807 = tpu.vector_load %arg7[%swap3A_804, %swap3A_805, %swap3A_806] {strides = array<i32>} : memref<2x800x64xf32, #tpu.memory_space<vmem>>, vector<1x1x16xf32>,
        %swap3A_808 = vector.shape_cast %swap3A_807 : vector<1x1x16xf32> to vector<16xf32>
        %swap3A_809 = vector.shape_cast %mul3A_802 : vector<16xf32> to vector<1x1x16xf32>
        tpu.vector_store %arg7[%swap3A_804, %swap3A_805, %swap3A_806], %swap3A_809 {strides = array<i32>} : memref<2x800x64xf32, #tpu.memory_space<vmem>>, vector<1x1x16xf32>,
        %mul3A_810 = arith.constant 8 : i32
        %mul3A_811 = arith.muli %scan3A_471, %mul3A_810 : i32
        %add3A_812 = arith.constant 5 : i32
        %add3A_813 = arith.addi %mul3A_811, %add3A_812 : i32
        %get3A_814 = arith.constant 0 : i32
        %get3A_815 = arith.index_cast %get3A_814 : i32 to index
        %get3A_816 = arith.index_cast %add3A_813 : i32 to index
        %get3A_817 = arith.constant 0 : index
        %get3A_818 = tpu.vector_load %arg7[%get3A_815, %get3A_816, %get3A_817] {strides = array<i32>} : memref<2x800x64xf32, #tpu.memory_space<vmem>>, vector<1x1x16xf32>,
        %get3A_819 = vector.shape_cast %get3A_818 : vector<1x1x16xf32> to vector<16xf32>
        %mul3A_820 = arith.constant 8.000000e+00 : f32
        %mul3A_821 = vector.broadcast %mul3A_820 : f32 to vector<16xf32>
        %mul3A_822 = arith.mulf %get3A_819, %mul3A_821 : vector<16xf32>
        %swap3A_823 = arith.constant 0 : i32
        %swap3A_824 = arith.index_cast %swap3A_823 : i32 to index
        %swap3A_825 = arith.index_cast %add3A_813 : i32 to index
        %swap3A_826 = arith.constant 0 : index
        %swap3A_827 = tpu.vector_load %arg7[%swap3A_824, %swap3A_825, %swap3A_826] {strides = array<i32>} : memref<2x800x64xf32, #tpu.memory_space<vmem>>, vector<1x1x16xf32>,
        %swap3A_828 = vector.shape_cast %swap3A_827 : vector<1x1x16xf32> to vector<16xf32>
        %swap3A_829 = vector.shape_cast %mul3A_822 : vector<16xf32> to vector<1x1x16xf32>
        tpu.vector_store %arg7[%swap3A_824, %swap3A_825, %swap3A_826], %swap3A_829 {strides = array<i32>} : memref<2x800x64xf32, #tpu.memory_space<vmem>>, vector<1x1x16xf32>,
        %get3A_830 = arith.constant 0 : i32
        %get3A_831 = arith.index_cast %get3A_830 : i32 to index
        %get3A_832 = arith.index_cast %add3A_813 : i32 to index
        %get3A_833 = arith.constant 16 : index
        %get3A_834 = tpu.vector_load %arg7[%get3A_831, %get3A_832, %get3A_833] {strides = array<i32>} : memref<2x800x64xf32, #tpu.memory_space<vmem>>, vector<1x1x16xf32>,
        %get3A_835 = vector.shape_cast %get3A_834 : vector<1x1x16xf32> to vector<16xf32>
        %mul3A_836 = arith.constant 8.000000e+00 : f32
        %mul3A_837 = vector.broadcast %mul3A_836 : f32 to vector<16xf32>
        %mul3A_838 = arith.mulf %get3A_835, %mul3A_837 : vector<16xf32>
        %swap3A_839 = arith.constant 0 : i32
        %swap3A_840 = arith.index_cast %swap3A_839 : i32 to index
        %swap3A_841 = arith.index_cast %add3A_813 : i32 to index
        %swap3A_842 = arith.constant 16 : index
        %swap3A_843 = tpu.vector_load %arg7[%swap3A_840, %swap3A_841, %swap3A_842] {strides = array<i32>} : memref<2x800x64xf32, #tpu.memory_space<vmem>>, vector<1x1x16xf32>,
        %swap3A_844 = vector.shape_cast %swap3A_843 : vector<1x1x16xf32> to vector<16xf32>
        %swap3A_845 = vector.shape_cast %mul3A_838 : vector<16xf32> to vector<1x1x16xf32>
        tpu.vector_store %arg7[%swap3A_840, %swap3A_841, %swap3A_842], %swap3A_845 {strides = array<i32>} : memref<2x800x64xf32, #tpu.memory_space<vmem>>, vector<1x1x16xf32>,
        %get3A_846 = arith.constant 0 : i32
        %get3A_847 = arith.index_cast %get3A_846 : i32 to index
        %get3A_848 = arith.index_cast %add3A_813 : i32 to index
        %get3A_849 = arith.constant 32 : index
        %get3A_850 = tpu.vector_load %arg7[%get3A_847, %get3A_848, %get3A_849] {strides = array<i32>} : memref<2x800x64xf32, #tpu.memory_space<vmem>>, vector<1x1x16xf32>,
        %get3A_851 = vector.shape_cast %get3A_850 : vector<1x1x16xf32> to vector<16xf32>
        %mul3A_852 = arith.constant 8.000000e+00 : f32
        %mul3A_853 = vector.broadcast %mul3A_852 : f32 to vector<16xf32>
        %mul3A_854 = arith.mulf %get3A_851, %mul3A_853 : vector<16xf32>
        %swap3A_855 = arith.constant 0 : i32
        %swap3A_856 = arith.index_cast %swap3A_855 : i32 to index
        %swap3A_857 = arith.index_cast %add3A_813 : i32 to index
        %swap3A_858 = arith.constant 32 : index
        %swap3A_859 = tpu.vector_load %arg7[%swap3A_856, %swap3A_857, %swap3A_858] {strides = array<i32>} : memref<2x800x64xf32, #tpu.memory_space<vmem>>, vector<1x1x16xf32>,
        %swap3A_860 = vector.shape_cast %swap3A_859 : vector<1x1x16xf32> to vector<16xf32>
        %swap3A_861 = vector.shape_cast %mul3A_854 : vector<16xf32> to vector<1x1x16xf32>
        tpu.vector_store %arg7[%swap3A_856, %swap3A_857, %swap3A_858], %swap3A_861 {strides = array<i32>} : memref<2x800x64xf32, #tpu.memory_space<vmem>>, vector<1x1x16xf32>,
        %get3A_862 = arith.constant 0 : i32
        %get3A_863 = arith.index_cast %get3A_862 : i32 to index
        %get3A_864 = arith.index_cast %add3A_813 : i32 to index
        %get3A_865 = arith.constant 48 : index
        %get3A_866 = tpu.vector_load %arg7[%get3A_863, %get3A_864, %get3A_865] {strides = array<i32>} : memref<2x800x64xf32, #tpu.memory_space<vmem>>, vector<1x1x16xf32>,
        %get3A_867 = vector.shape_cast %get3A_866 : vector<1x1x16xf32> to vector<16xf32>
        %mul3A_868 = arith.constant 8.000000e+00 : f32
        %mul3A_869 = vector.broadcast %mul3A_868 : f32 to vector<16xf32>
        %mul3A_870 = arith.mulf %get3A_867, %mul3A_869 : vector<16xf32>
        %swap3A_871 = arith.constant 0 : i32
        %swap3A_872 = arith.index_cast %swap3A_871 : i32 to index
        %swap3A_873 = arith.index_cast %add3A_813 : i32 to index
        %swap3A_874 = arith.constant 48 : index
        %swap3A_875 = tpu.vector_load %arg7[%swap3A_872, %swap3A_873, %swap3A_874] {strides = array<i32>} : memref<2x800x64xf32, #tpu.memory_space<vmem>>, vector<1x1x16xf32>,
        %swap3A_876 = vector.shape_cast %swap3A_875 : vector<1x1x16xf32> to vector<16xf32>
        %swap3A_877 = vector.shape_cast %mul3A_870 : vector<16xf32> to vector<1x1x16xf32>
        tpu.vector_store %arg7[%swap3A_872, %swap3A_873, %swap3A_874], %swap3A_877 {strides = array<i32>} : memref<2x800x64xf32, #tpu.memory_space<vmem>>, vector<1x1x16xf32>,
        %mul3A_878 = arith.constant 8 : i32
        %mul3A_879 = arith.muli %scan3A_471, %mul3A_878 : i32
        %add3A_880 = arith.constant 6 : i32
        %add3A_881 = arith.addi %mul3A_879, %add3A_880 : i32
        %get3A_882 = arith.constant 0 : i32
        %get3A_883 = arith.index_cast %get3A_882 : i32 to index
        %get3A_884 = arith.index_cast %add3A_881 : i32 to index
        %get3A_885 = arith.constant 0 : index
        %get3A_886 = tpu.vector_load %arg7[%get3A_883, %get3A_884, %get3A_885] {strides = array<i32>} : memref<2x800x64xf32, #tpu.memory_space<vmem>>, vector<1x1x16xf32>,
        %get3A_887 = vector.shape_cast %get3A_886 : vector<1x1x16xf32> to vector<16xf32>
        %mul3A_888 = arith.constant 8.000000e+00 : f32
        %mul3A_889 = vector.broadcast %mul3A_888 : f32 to vector<16xf32>
        %mul3A_890 = arith.mulf %get3A_887, %mul3A_889 : vector<16xf32>
        %swap3A_891 = arith.constant 0 : i32
        %swap3A_892 = arith.index_cast %swap3A_891 : i32 to index
        %swap3A_893 = arith.index_cast %add3A_881 : i32 to index
        %swap3A_894 = arith.constant 0 : index
        %swap3A_895 = tpu.vector_load %arg7[%swap3A_892, %swap3A_893, %swap3A_894] {strides = array<i32>} : memref<2x800x64xf32, #tpu.memory_space<vmem>>, vector<1x1x16xf32>,
        %swap3A_896 = vector.shape_cast %swap3A_895 : vector<1x1x16xf32> to vector<16xf32>
        %swap3A_897 = vector.shape_cast %mul3A_890 : vector<16xf32> to vector<1x1x16xf32>
        tpu.vector_store %arg7[%swap3A_892, %swap3A_893, %swap3A_894], %swap3A_897 {strides = array<i32>} : memref<2x800x64xf32, #tpu.memory_space<vmem>>, vector<1x1x16xf32>,
        %get3A_898 = arith.constant 0 : i32
        %get3A_899 = arith.index_cast %get3A_898 : i32 to index
        %get3A_900 = arith.index_cast %add3A_881 : i32 to index
        %get3A_901 = arith.constant 16 : index
        %get3A_902 = tpu.vector_load %arg7[%get3A_899, %get3A_900, %get3A_901] {strides = array<i32>} : memref<2x800x64xf32, #tpu.memory_space<vmem>>, vector<1x1x16xf32>,
        %get3A_903 = vector.shape_cast %get3A_902 : vector<1x1x16xf32> to vector<16xf32>
        %mul3A_904 = arith.constant 8.000000e+00 : f32
        %mul3A_905 = vector.broadcast %mul3A_904 : f32 to vector<16xf32>
        %mul3A_906 = arith.mulf %get3A_903, %mul3A_905 : vector<16xf32>
        %swap3A_907 = arith.constant 0 : i32
        %swap3A_908 = arith.index_cast %swap3A_907 : i32 to index
        %swap3A_909 = arith.index_cast %add3A_881 : i32 to index
        %swap3A_910 = arith.constant 16 : index
        %swap3A_911 = tpu.vector_load %arg7[%swap3A_908, %swap3A_909, %swap3A_910] {strides = array<i32>} : memref<2x800x64xf32, #tpu.memory_space<vmem>>, vector<1x1x16xf32>,
        %swap3A_912 = vector.shape_cast %swap3A_911 : vector<1x1x16xf32> to vector<16xf32>
        %swap3A_913 = vector.shape_cast %mul3A_906 : vector<16xf32> to vector<1x1x16xf32>
        tpu.vector_store %arg7[%swap3A_908, %swap3A_909, %swap3A_910], %swap3A_913 {strides = array<i32>} : memref<2x800x64xf32, #tpu.memory_space<vmem>>, vector<1x1x16xf32>,
        %get3A_914 = arith.constant 0 : i32
        %get3A_915 = arith.index_cast %get3A_914 : i32 to index
        %get3A_916 = arith.index_cast %add3A_881 : i32 to index
        %get3A_917 = arith.constant 32 : index
        %get3A_918 = tpu.vector_load %arg7[%get3A_915, %get3A_916, %get3A_917] {strides = array<i32>} : memref<2x800x64xf32, #tpu.memory_space<vmem>>, vector<1x1x16xf32>,
        %get3A_919 = vector.shape_cast %get3A_918 : vector<1x1x16xf32> to vector<16xf32>
        %mul3A_920 = arith.constant 8.000000e+00 : f32
        %mul3A_921 = vector.broadcast %mul3A_920 : f32 to vector<16xf32>
        %mul3A_922 = arith.mulf %get3A_919, %mul3A_921 : vector<16xf32>
        %swap3A_923 = arith.constant 0 : i32
        %swap3A_924 = arith.index_cast %swap3A_923 : i32 to index
        %swap3A_925 = arith.index_cast %add3A_881 : i32 to index
        %swap3A_926 = arith.constant 32 : index
        %swap3A_927 = tpu.vector_load %arg7[%swap3A_924, %swap3A_925, %swap3A_926] {strides = array<i32>} : memref<2x800x64xf32, #tpu.memory_space<vmem>>, vector<1x1x16xf32>,
        %swap3A_928 = vector.shape_cast %swap3A_927 : vector<1x1x16xf32> to vector<16xf32>
        %swap3A_929 = vector.shape_cast %mul3A_922 : vector<16xf32> to vector<1x1x16xf32>
        tpu.vector_store %arg7[%swap3A_924, %swap3A_925, %swap3A_926], %swap3A_929 {strides = array<i32>} : memref<2x800x64xf32, #tpu.memory_space<vmem>>, vector<1x1x16xf32>,
        %get3A_930 = arith.constant 0 : i32
        %get3A_931 = arith.index_cast %get3A_930 : i32 to index
        %get3A_932 = arith.index_cast %add3A_881 : i32 to index
        %get3A_933 = arith.constant 48 : index
        %get3A_934 = tpu.vector_load %arg7[%get3A_931, %get3A_932, %get3A_933] {strides = array<i32>} : memref<2x800x64xf32, #tpu.memory_space<vmem>>, vector<1x1x16xf32>,
        %get3A_935 = vector.shape_cast %get3A_934 : vector<1x1x16xf32> to vector<16xf32>
        %mul3A_936 = arith.constant 8.000000e+00 : f32
        %mul3A_937 = vector.broadcast %mul3A_936 : f32 to vector<16xf32>
        %mul3A_938 = arith.mulf %get3A_935, %mul3A_937 : vector<16xf32>
        %swap3A_939 = arith.constant 0 : i32
        %swap3A_940 = arith.index_cast %swap3A_939 : i32 to index
        %swap3A_941 = arith.index_cast %add3A_881 : i32 to index
        %swap3A_942 = arith.constant 48 : index
        %swap3A_943 = tpu.vector_load %arg7[%swap3A_940, %swap3A_941, %swap3A_942] {strides = array<i32>} : memref<2x800x64xf32, #tpu.memory_space<vmem>>, vector<1x1x16xf32>,
        %swap3A_944 = vector.shape_cast %swap3A_943 : vector<1x1x16xf32> to vector<16xf32>
        %swap3A_945 = vector.shape_cast %mul3A_938 : vector<16xf32> to vector<1x1x16xf32>
        tpu.vector_store %arg7[%swap3A_940, %swap3A_941, %swap3A_942], %swap3A_945 {strides = array<i32>} : memref<2x800x64xf32, #tpu.memory_space<vmem>>, vector<1x1x16xf32>,
        %mul3A_946 = arith.constant 8 : i32
        %mul3A_947 = arith.muli %scan3A_471, %mul3A_946 : i32
        %add3A_948 = arith.constant 7 : i32
        %add3A_949 = arith.addi %mul3A_947, %add3A_948 : i32
        %get3A_950 = arith.constant 0 : i32
        %get3A_951 = arith.index_cast %get3A_950 : i32 to index
        %get3A_952 = arith.index_cast %add3A_949 : i32 to index
        %get3A_953 = arith.constant 0 : index
        %get3A_954 = tpu.vector_load %arg7[%get3A_951, %get3A_952, %get3A_953] {strides = array<i32>} : memref<2x800x64xf32, #tpu.memory_space<vmem>>, vector<1x1x16xf32>,
        %get3A_955 = vector.shape_cast %get3A_954 : vector<1x1x16xf32> to vector<16xf32>
        %mul3A_956 = arith.constant 8.000000e+00 : f32
        %mul3A_957 = vector.broadcast %mul3A_956 : f32 to vector<16xf32>
        %mul3A_958 = arith.mulf %get3A_955, %mul3A_957 : vector<16xf32>
        %swap3A_959 = arith.constant 0 : i32
        %swap3A_960 = arith.index_cast %swap3A_959 : i32 to index
        %swap3A_961 = arith.index_cast %add3A_949 : i32 to index
        %swap3A_962 = arith.constant 0 : index
        %swap3A_963 = tpu.vector_load %arg7[%swap3A_960, %swap3A_961, %swap3A_962] {strides = array<i32>} : memref<2x800x64xf32, #tpu.memory_space<vmem>>, vector<1x1x16xf32>,
        %swap3A_964 = vector.shape_cast %swap3A_963 : vector<1x1x16xf32> to vector<16xf32>
        %swap3A_965 = vector.shape_cast %mul3A_958 : vector<16xf32> to vector<1x1x16xf32>
        tpu.vector_store %arg7[%swap3A_960, %swap3A_961, %swap3A_962], %swap3A_965 {strides = array<i32>} : memref<2x800x64xf32, #tpu.memory_space<vmem>>, vector<1x1x16xf32>,
        %get3A_966 = arith.constant 0 : i32
        %get3A_967 = arith.index_cast %get3A_966 : i32 to index
        %get3A_968 = arith.index_cast %add3A_949 : i32 to index
        %get3A_969 = arith.constant 16 : index
        %get3A_970 = tpu.vector_load %arg7[%get3A_967, %get3A_968, %get3A_969] {strides = array<i32>} : memref<2x800x64xf32, #tpu.memory_space<vmem>>, vector<1x1x16xf32>,
        %get3A_971 = vector.shape_cast %get3A_970 : vector<1x1x16xf32> to vector<16xf32>
        %mul3A_972 = arith.constant 8.000000e+00 : f32
        %mul3A_973 = vector.broadcast %mul3A_972 : f32 to vector<16xf32>
        %mul3A_974 = arith.mulf %get3A_971, %mul3A_973 : vector<16xf32>
        %swap3A_975 = arith.constant 0 : i32
        %swap3A_976 = arith.index_cast %swap3A_975 : i32 to index
        %swap3A_977 = arith.index_cast %add3A_949 : i32 to index
        %swap3A_978 = arith.constant 16 : index
        %swap3A_979 = tpu.vector_load %arg7[%swap3A_976, %swap3A_977, %swap3A_978] {strides = array<i32>} : memref<2x800x64xf32, #tpu.memory_space<vmem>>, vector<1x1x16xf32>,
        %swap3A_980 = vector.shape_cast %swap3A_979 : vector<1x1x16xf32> to vector<16xf32>
        %swap3A_981 = vector.shape_cast %mul3A_974 : vector<16xf32> to vector<1x1x16xf32>
        tpu.vector_store %arg7[%swap3A_976, %swap3A_977, %swap3A_978], %swap3A_981 {strides = array<i32>} : memref<2x800x64xf32, #tpu.memory_space<vmem>>, vector<1x1x16xf32>,
        %get3A_982 = arith.constant 0 : i32
        %get3A_983 = arith.index_cast %get3A_982 : i32 to index
        %get3A_984 = arith.index_cast %add3A_949 : i32 to index
        %get3A_985 = arith.constant 32 : index
        %get3A_986 = tpu.vector_load %arg7[%get3A_983, %get3A_984, %get3A_985] {strides = array<i32>} : memref<2x800x64xf32, #tpu.memory_space<vmem>>, vector<1x1x16xf32>,
        %get3A_987 = vector.shape_cast %get3A_986 : vector<1x1x16xf32> to vector<16xf32>
        %mul3A_988 = arith.constant 8.000000e+00 : f32
        %mul3A_989 = vector.broadcast %mul3A_988 : f32 to vector<16xf32>
        %mul3A_990 = arith.mulf %get3A_987, %mul3A_989 : vector<16xf32>
        %swap3A_991 = arith.constant 0 : i32
        %swap3A_992 = arith.index_cast %swap3A_991 : i32 to index
        %swap3A_993 = arith.index_cast %add3A_949 : i32 to index
        %swap3A_994 = arith.constant 32 : index
        %swap3A_995 = tpu.vector_load %arg7[%swap3A_992, %swap3A_993, %swap3A_994] {strides = array<i32>} : memref<2x800x64xf32, #tpu.memory_space<vmem>>, vector<1x1x16xf32>,
        %swap3A_996 = vector.shape_cast %swap3A_995 : vector<1x1x16xf32> to vector<16xf32>
        %swap3A_997 = vector.shape_cast %mul3A_990 : vector<16xf32> to vector<1x1x16xf32>
        tpu.vector_store %arg7[%swap3A_992, %swap3A_993, %swap3A_994], %swap3A_997 {strides = array<i32>} : memref<2x800x64xf32, #tpu.memory_space<vmem>>, vector<1x1x16xf32>,
        %get3A_998 = arith.constant 0 : i32
        %get3A_999 = arith.index_cast %get3A_998 : i32 to index
        %get3A_1000 = arith.index_cast %add3A_949 : i32 to index
        %get3A_1001 = arith.constant 48 : index
        %get3A_1002 = tpu.vector_load %arg7[%get3A_999, %get3A_1000, %get3A_1001] {strides = array<i32>} : memref<2x800x64xf32, #tpu.memory_space<vmem>>, vector<1x1x16xf32>,
        %get3A_1003 = vector.shape_cast %get3A_1002 : vector<1x1x16xf32> to vector<16xf32>
        %mul3A_1004 = arith.constant 8.000000e+00 : f32
        %mul3A_1005 = vector.broadcast %mul3A_1004 : f32 to vector<16xf32>
        %mul3A_1006 = arith.mulf %get3A_1003, %mul3A_1005 : vector<16xf32>
        %swap3A_1007 = arith.constant 0 : i32
        %swap3A_1008 = arith.index_cast %swap3A_1007 : i32 to index
        %swap3A_1009 = arith.index_cast %add3A_949 : i32 to index
        %swap3A_1010 = arith.constant 48 : index
        %swap3A_1011 = tpu.vector_load %arg7[%swap3A_1008, %swap3A_1009, %swap3A_1010] {strides = array<i32>} : memref<2x800x64xf32, #tpu.memory_space<vmem>>, vector<1x1x16xf32>,
        %swap3A_1012 = vector.shape_cast %swap3A_1011 : vector<1x1x16xf32> to vector<16xf32>
        %swap3A_1013 = vector.shape_cast %mul3A_1006 : vector<16xf32> to vector<1x1x16xf32>
        tpu.vector_store %arg7[%swap3A_1008, %swap3A_1009, %swap3A_1010], %swap3A_1013 {strides = array<i32>} : memref<2x800x64xf32, #tpu.memory_space<vmem>>, vector<1x1x16xf32>,
      }
      %scan3A_275 = arith.constant 100 : i32
      %mul3A_276 = arith.constant 4 : i32
      %mul3A_277 = arith.muli %add3A_246, %mul3A_276 : i32
      %add3A_278 = arith.addi %mul3A_2, %mul3A_277 : i32
      %add3A_279 = arith.constant 0 : i32
      %add3A_280 = arith.addi %add3A_278, %add3A_279 : i32
      %add3A_281 = arith.constant 1 : i32
      %add3A_282 = arith.addi %add3A_278, %add3A_281 : i32
      %add3A_283 = arith.constant 2 : i32
      %add3A_284 = arith.addi %add3A_278, %add3A_283 : i32
      %add3A_285 = arith.constant 3 : i32
      %add3A_286 = arith.addi %add3A_278, %add3A_285 : i32
      %dma_start3A_287 = arith.constant 0 : i32
      %dma_start3A_288 = arith.constant 0 : i32
      %dma_start3A_289 = arith.constant 0 : i32
      %dma_start3A_290 = tpu.memref_slice %arg7[%dma_start3A_287, %dma_start3A_288, %dma_start3A_289] : memref<2x800x64xf32, #tpu.memory_space<vmem>> -> memref<1x200x64xf32, #tpu.memory_space<vmem>>
      %dma_start3A_291 = tpu.memref_squeeze %dma_start3A_290 : memref<1x200x64xf32, #tpu.memory_space<vmem>> -> memref<200x64xf32, #tpu.memory_space<vmem>>
      %dma_start3A_292 = arith.constant 0 : i32
      %dma_start3A_293 = arith.constant 0 : i32
      %dma_start3A_294 = tpu.memref_slice %arg4[%add3A_280, %dma_start3A_292, %dma_start3A_293] : memref<4096x200x128xf32, #tpu.memory_space<hbm>> -> memref<1x200x64xf32, #tpu.memory_space<hbm>>
      %dma_start3A_295 = tpu.memref_squeeze %dma_start3A_294 : memref<1x200x64xf32, #tpu.memory_space<hbm>> -> memref<200x64xf32, #tpu.memory_space<hbm>>
      %dma_start3A_296 = arith.constant 0 : i32
      %dma_start3A_297 = arith.constant 0 : i32
      %dma_start3A_298 = tpu.memref_slice %arg4[%add3A_280, %dma_start3A_296, %dma_start3A_297] : memref<4096x200x128xf32, #tpu.memory_space<hbm>> -> memref<1x200x64xf32, #tpu.memory_space<hbm>>
      %dma_start3A_299 = tpu.memref_squeeze %dma_start3A_298 : memref<1x200x64xf32, #tpu.memory_space<hbm>> -> memref<200x64xf32, #tpu.memory_space<hbm>>
      %dma_start3A_300 = arith.constant 0 : i32
      %dma_start3A_301 = arith.constant 0 : i32
      %dma_start3A_302 = tpu.memref_slice %arg7[%dma_start3A_287, %dma_start3A_300, %dma_start3A_301] : memref<2x800x64xf32, #tpu.memory_space<vmem>> -> memref<1x200x64xf32, #tpu.memory_space<vmem>>
      %dma_start3A_303 = tpu.memref_squeeze %dma_start3A_302 : memref<1x200x64xf32, #tpu.memory_space<vmem>> -> memref<200x64xf32, #tpu.memory_space<vmem>>
      tpu.enqueue_dma source(%dma_start3A_303 : memref<200x64xf32, #tpu.memory_space<vmem>>) target(%dma_start3A_299 : memref<200x64xf32, #tpu.memory_space<hbm>>) target_semaphore(%arg12 : memref<!tpu.dma_semaphore, #tpu.memory_space<semaphore_mem>>)
      %dma_start3A_304 = arith.constant 0 : i32
      %dma_start3A_305 = arith.constant 200 : i32
      %dma_start3A_306 = arith.constant 0 : i32
      %dma_start3A_307 = tpu.memref_slice %arg7[%dma_start3A_304, %dma_start3A_305, %dma_start3A_306] : memref<2x800x64xf32, #tpu.memory_space<vmem>> -> memref<1x200x64xf32, #tpu.memory_space<vmem>>
      %dma_start3A_308 = tpu.memref_squeeze %dma_start3A_307 : memref<1x200x64xf32, #tpu.memory_space<vmem>> -> memref<200x64xf32, #tpu.memory_space<vmem>>
      %dma_start3A_309 = arith.constant 0 : i32
      %dma_start3A_310 = arith.constant 0 : i32
      %dma_start3A_311 = tpu.memref_slice %arg4[%add3A_282, %dma_start3A_309, %dma_start3A_310] : memref<4096x200x128xf32, #tpu.memory_space<hbm>> -> memref<1x200x64xf32, #tpu.memory_space<hbm>>
      %dma_start3A_312 = tpu.memref_squeeze %dma_start3A_311 : memref<1x200x64xf32, #tpu.memory_space<hbm>> -> memref<200x64xf32, #tpu.memory_space<hbm>>
      %dma_start3A_313 = arith.constant 0 : i32
      %dma_start3A_314 = arith.constant 0 : i32
      %dma_start3A_315 = tpu.memref_slice %arg4[%add3A_282, %dma_start3A_313, %dma_start3A_314] : memref<4096x200x128xf32, #tpu.memory_space<hbm>> -> memref<1x200x64xf32, #tpu.memory_space<hbm>>
      %dma_start3A_316 = tpu.memref_squeeze %dma_start3A_315 : memref<1x200x64xf32, #tpu.memory_space<hbm>> -> memref<200x64xf32, #tpu.memory_space<hbm>>
      %dma_start3A_317 = arith.constant 200 : i32
      %dma_start3A_318 = arith.constant 0 : i32
      %dma_start3A_319 = tpu.memref_slice %arg7[%dma_start3A_304, %dma_start3A_317, %dma_start3A_318] : memref<2x800x64xf32, #tpu.memory_space<vmem>> -> memref<1x200x64xf32, #tpu.memory_space<vmem>>
      %dma_start3A_320 = tpu.memref_squeeze %dma_start3A_319 : memref<1x200x64xf32, #tpu.memory_space<vmem>> -> memref<200x64xf32, #tpu.memory_space<vmem>>
      tpu.enqueue_dma source(%dma_start3A_320 : memref<200x64xf32, #tpu.memory_space<vmem>>) target(%dma_start3A_316 : memref<200x64xf32, #tpu.memory_space<hbm>>) target_semaphore(%arg12 : memref<!tpu.dma_semaphore, #tpu.memory_space<semaphore_mem>>)
      %dma_start3A_321 = arith.constant 0 : i32
      %dma_start3A_322 = arith.constant 400 : i32
      %dma_start3A_323 = arith.constant 0 : i32
      %dma_start3A_324 = tpu.memref_slice %arg7[%dma_start3A_321, %dma_start3A_322, %dma_start3A_323] : memref<2x800x64xf32, #tpu.memory_space<vmem>> -> memref<1x200x64xf32, #tpu.memory_space<vmem>>
      %dma_start3A_325 = tpu.memref_squeeze %dma_start3A_324 : memref<1x200x64xf32, #tpu.memory_space<vmem>> -> memref<200x64xf32, #tpu.memory_space<vmem>>
      %dma_start3A_326 = arith.constant 0 : i32
      %dma_start3A_327 = arith.constant 0 : i32
      %dma_start3A_328 = tpu.memref_slice %arg4[%add3A_284, %dma_start3A_326, %dma_start3A_327] : memref<4096x200x128xf32, #tpu.memory_space<hbm>> -> memref<1x200x64xf32, #tpu.memory_space<hbm>>
      %dma_start3A_329 = tpu.memref_squeeze %dma_start3A_328 : memref<1x200x64xf32, #tpu.memory_space<hbm>> -> memref<200x64xf32, #tpu.memory_space<hbm>>
      %dma_start3A_330 = arith.constant 0 : i32
      %dma_start3A_331 = arith.constant 0 : i32
      %dma_start3A_332 = tpu.memref_slice %arg4[%add3A_284, %dma_start3A_330, %dma_start3A_331] : memref<4096x200x128xf32, #tpu.memory_space<hbm>> -> memref<1x200x64xf32, #tpu.memory_space<hbm>>
      %dma_start3A_333 = tpu.memref_squeeze %dma_start3A_332 : memref<1x200x64xf32, #tpu.memory_space<hbm>> -> memref<200x64xf32, #tpu.memory_space<hbm>>
      %dma_start3A_334 = arith.constant 400 : i32
      %dma_start3A_335 = arith.constant 0 : i32
      %dma_start3A_336 = tpu.memref_slice %arg7[%dma_start3A_321, %dma_start3A_334, %dma_start3A_335] : memref<2x800x64xf32, #tpu.memory_space<vmem>> -> memref<1x200x64xf32, #tpu.memory_space<vmem>>
      %dma_start3A_337 = tpu.memref_squeeze %dma_start3A_336 : memref<1x200x64xf32, #tpu.memory_space<vmem>> -> memref<200x64xf32, #tpu.memory_space<vmem>>
      tpu.enqueue_dma source(%dma_start3A_337 : memref<200x64xf32, #tpu.memory_space<vmem>>) target(%dma_start3A_333 : memref<200x64xf32, #tpu.memory_space<hbm>>) target_semaphore(%arg12 : memref<!tpu.dma_semaphore, #tpu.memory_space<semaphore_mem>>)
      %dma_start3A_338 = arith.constant 0 : i32
      %dma_start3A_339 = arith.constant 600 : i32
      %dma_start3A_340 = arith.constant 0 : i32
      %dma_start3A_341 = tpu.memref_slice %arg7[%dma_start3A_338, %dma_start3A_339, %dma_start3A_340] : memref<2x800x64xf32, #tpu.memory_space<vmem>> -> memref<1x200x64xf32, #tpu.memory_space<vmem>>
      %dma_start3A_342 = tpu.memref_squeeze %dma_start3A_341 : memref<1x200x64xf32, #tpu.memory_space<vmem>> -> memref<200x64xf32, #tpu.memory_space<vmem>>
      %dma_start3A_343 = arith.constant 0 : i32
      %dma_start3A_344 = arith.constant 0 : i32
      %dma_start3A_345 = tpu.memref_slice %arg4[%add3A_286, %dma_start3A_343, %dma_start3A_344] : memref<4096x200x128xf32, #tpu.memory_space<hbm>> -> memref<1x200x64xf32, #tpu.memory_space<hbm>>
      %dma_start3A_346 = tpu.memref_squeeze %dma_start3A_345 : memref<1x200x64xf32, #tpu.memory_space<hbm>> -> memref<200x64xf32, #tpu.memory_space<hbm>>
      %dma_start3A_347 = arith.constant 0 : i32
      %dma_start3A_348 = arith.constant 0 : i32
      %dma_start3A_349 = tpu.memref_slice %arg4[%add3A_286, %dma_start3A_347, %dma_start3A_348] : memref<4096x200x128xf32, #tpu.memory_space<hbm>> -> memref<1x200x64xf32, #tpu.memory_space<hbm>>
      %dma_start3A_350 = tpu.memref_squeeze %dma_start3A_349 : memref<1x200x64xf32, #tpu.memory_space<hbm>> -> memref<200x64xf32, #tpu.memory_space<hbm>>
      %dma_start3A_351 = arith.constant 600 : i32
      %dma_start3A_352 = arith.constant 0 : i32
      %dma_start3A_353 = tpu.memref_slice %arg7[%dma_start3A_338, %dma_start3A_351, %dma_start3A_352] : memref<2x800x64xf32, #tpu.memory_space<vmem>> -> memref<1x200x64xf32, #tpu.memory_space<vmem>>
      %dma_start3A_354 = tpu.memref_squeeze %dma_start3A_353 : memref<1x200x64xf32, #tpu.memory_space<vmem>> -> memref<200x64xf32, #tpu.memory_space<vmem>>
      tpu.enqueue_dma source(%dma_start3A_354 : memref<200x64xf32, #tpu.memory_space<vmem>>) target(%dma_start3A_350 : memref<200x64xf32, #tpu.memory_space<hbm>>) target_semaphore(%arg12 : memref<!tpu.dma_semaphore, #tpu.memory_space<semaphore_mem>>)
      %mul3A_355 = arith.constant 2 : i32
      %mul3A_356 = arith.muli %mul3A_355, %scan3A_242 : i32
      %add3A_357 = arith.constant 1 : i32
      %add3A_358 = arith.addi %mul3A_356, %add3A_357 : i32
      %ge3A_359 = arith.constant 1 : i32
      %ge3A_360 = arith.cmpi sge, %add3A_358, %ge3A_359 : i32
      %convert_element_type3A_361 = arith.extui %ge3A_360 : i1 to i32
      %cond3A_362 = arith.constant 0 : i32
      %cond3A_363 = arith.cmpi ne, %convert_element_type3A_361, %cond3A_362 : i32
      scf.if %cond3A_363 {
        %sub3A = arith.constant 1 : i32
        %sub3A_471 = arith.subi %add3A_358, %sub3A : i32
        %mul3A_472 = arith.constant 4 : i32
        %mul3A_473 = arith.muli %sub3A_471, %mul3A_472 : i32
        %add3A_474 = arith.addi %mul3A_2, %mul3A_473 : i32
        %add3A_475 = arith.constant 0 : i32
        %add3A_476 = arith.addi %add3A_474, %add3A_475 : i32
        %add3A_477 = arith.constant 1 : i32
        %add3A_478 = arith.addi %add3A_474, %add3A_477 : i32
        %add3A_479 = arith.constant 2 : i32
        %add3A_480 = arith.addi %add3A_474, %add3A_479 : i32
        %add3A_481 = arith.constant 3 : i32
        %add3A_482 = arith.addi %add3A_474, %add3A_481 : i32
        %dma_wait3A_483 = arith.constant 0 : i32
        %dma_wait3A_484 = arith.constant 0 : i32
        %dma_wait3A_485 = arith.constant 0 : i32
        %dma_wait3A_486 = tpu.memref_slice %arg7[%dma_wait3A_483, %dma_wait3A_484, %dma_wait3A_485] : memref<2x800x64xf32, #tpu.memory_space<vmem>> -> memref<1x200x64xf32, #tpu.memory_space<vmem>>
        %dma_wait3A_487 = tpu.memref_squeeze %dma_wait3A_486 : memref<1x200x64xf32, #tpu.memory_space<vmem>> -> memref<200x64xf32, #tpu.memory_space<vmem>>
        %dma_wait3A_488 = arith.constant 0 : i32
        %dma_wait3A_489 = arith.constant 0 : i32
        %dma_wait3A_490 = tpu.memref_slice %arg4[%add3A_476, %dma_wait3A_488, %dma_wait3A_489] : memref<4096x200x128xf32, #tpu.memory_space<hbm>> -> memref<1x200x64xf32, #tpu.memory_space<hbm>>
        %dma_wait3A_491 = tpu.memref_squeeze %dma_wait3A_490 : memref<1x200x64xf32, #tpu.memory_space<hbm>> -> memref<200x64xf32, #tpu.memory_space<hbm>>
        %dma_wait3A_492 = arith.constant 0 : i32
        %dma_wait3A_493 = arith.constant 0 : i32
        %dma_wait3A_494 = tpu.memref_slice %arg4[%add3A_476, %dma_wait3A_492, %dma_wait3A_493] : memref<4096x200x128xf32, #tpu.memory_space<hbm>> -> memref<1x200x64xf32, #tpu.memory_space<hbm>>
        %dma_wait3A_495 = tpu.memref_squeeze %dma_wait3A_494 : memref<1x200x64xf32, #tpu.memory_space<hbm>> -> memref<200x64xf32, #tpu.memory_space<hbm>>
        %dma_wait3A_496 = arith.constant 0 : i32
        %dma_wait3A_497 = arith.constant 0 : i32
        %dma_wait3A_498 = tpu.memref_slice %arg7[%dma_wait3A_483, %dma_wait3A_496, %dma_wait3A_497] : memref<2x800x64xf32, #tpu.memory_space<vmem>> -> memref<1x200x64xf32, #tpu.memory_space<vmem>>
        %dma_wait3A_499 = tpu.memref_squeeze %dma_wait3A_498 : memref<1x200x64xf32, #tpu.memory_space<vmem>> -> memref<200x64xf32, #tpu.memory_space<vmem>>
        tpu.wait_dma2 semaphore(%arg12 : memref<!tpu.dma_semaphore, #tpu.memory_space<semaphore_mem>>) src(%dma_wait3A_499 : memref<200x64xf32, #tpu.memory_space<vmem>>) dst(%dma_wait3A_495 : memref<200x64xf32, #tpu.memory_space<hbm>>)
        %dma_wait3A_500 = arith.constant 0 : i32
        %dma_wait3A_501 = arith.constant 200 : i32
        %dma_wait3A_502 = arith.constant 0 : i32
        %dma_wait3A_503 = tpu.memref_slice %arg7[%dma_wait3A_500, %dma_wait3A_501, %dma_wait3A_502] : memref<2x800x64xf32, #tpu.memory_space<vmem>> -> memref<1x200x64xf32, #tpu.memory_space<vmem>>
        %dma_wait3A_504 = tpu.memref_squeeze %dma_wait3A_503 : memref<1x200x64xf32, #tpu.memory_space<vmem>> -> memref<200x64xf32, #tpu.memory_space<vmem>>
        %dma_wait3A_505 = arith.constant 0 : i32
        %dma_wait3A_506 = arith.constant 0 : i32
        %dma_wait3A_507 = tpu.memref_slice %arg4[%add3A_478, %dma_wait3A_505, %dma_wait3A_506] : memref<4096x200x128xf32, #tpu.memory_space<hbm>> -> memref<1x200x64xf32, #tpu.memory_space<hbm>>
        %dma_wait3A_508 = tpu.memref_squeeze %dma_wait3A_507 : memref<1x200x64xf32, #tpu.memory_space<hbm>> -> memref<200x64xf32, #tpu.memory_space<hbm>>
        %dma_wait3A_509 = arith.constant 0 : i32
        %dma_wait3A_510 = arith.constant 0 : i32
        %dma_wait3A_511 = tpu.memref_slice %arg4[%add3A_478, %dma_wait3A_509, %dma_wait3A_510] : memref<4096x200x128xf32, #tpu.memory_space<hbm>> -> memref<1x200x64xf32, #tpu.memory_space<hbm>>
        %dma_wait3A_512 = tpu.memref_squeeze %dma_wait3A_511 : memref<1x200x64xf32, #tpu.memory_space<hbm>> -> memref<200x64xf32, #tpu.memory_space<hbm>>
        %dma_wait3A_513 = arith.constant 200 : i32
        %dma_wait3A_514 = arith.constant 0 : i32
        %dma_wait3A_515 = tpu.memref_slice %arg7[%dma_wait3A_500, %dma_wait3A_513, %dma_wait3A_514] : memref<2x800x64xf32, #tpu.memory_space<vmem>> -> memref<1x200x64xf32, #tpu.memory_space<vmem>>
        %dma_wait3A_516 = tpu.memref_squeeze %dma_wait3A_515 : memref<1x200x64xf32, #tpu.memory_space<vmem>> -> memref<200x64xf32, #tpu.memory_space<vmem>>
        tpu.wait_dma2 semaphore(%arg12 : memref<!tpu.dma_semaphore, #tpu.memory_space<semaphore_mem>>) src(%dma_wait3A_516 : memref<200x64xf32, #tpu.memory_space<vmem>>) dst(%dma_wait3A_512 : memref<200x64xf32, #tpu.memory_space<hbm>>)
        %dma_wait3A_517 = arith.constant 0 : i32
        %dma_wait3A_518 = arith.constant 400 : i32
        %dma_wait3A_519 = arith.constant 0 : i32
        %dma_wait3A_520 = tpu.memref_slice %arg7[%dma_wait3A_517, %dma_wait3A_518, %dma_wait3A_519] : memref<2x800x64xf32, #tpu.memory_space<vmem>> -> memref<1x200x64xf32, #tpu.memory_space<vmem>>
        %dma_wait3A_521 = tpu.memref_squeeze %dma_wait3A_520 : memref<1x200x64xf32, #tpu.memory_space<vmem>> -> memref<200x64xf32, #tpu.memory_space<vmem>>
        %dma_wait3A_522 = arith.constant 0 : i32
        %dma_wait3A_523 = arith.constant 0 : i32
        %dma_wait3A_524 = tpu.memref_slice %arg4[%add3A_480, %dma_wait3A_522, %dma_wait3A_523] : memref<4096x200x128xf32, #tpu.memory_space<hbm>> -> memref<1x200x64xf32, #tpu.memory_space<hbm>>
        %dma_wait3A_525 = tpu.memref_squeeze %dma_wait3A_524 : memref<1x200x64xf32, #tpu.memory_space<hbm>> -> memref<200x64xf32, #tpu.memory_space<hbm>>
        %dma_wait3A_526 = arith.constant 0 : i32
        %dma_wait3A_527 = arith.constant 0 : i32
        %dma_wait3A_528 = tpu.memref_slice %arg4[%add3A_480, %dma_wait3A_526, %dma_wait3A_527] : memref<4096x200x128xf32, #tpu.memory_space<hbm>> -> memref<1x200x64xf32, #tpu.memory_space<hbm>>
        %dma_wait3A_529 = tpu.memref_squeeze %dma_wait3A_528 : memref<1x200x64xf32, #tpu.memory_space<hbm>> -> memref<200x64xf32, #tpu.memory_space<hbm>>
        %dma_wait3A_530 = arith.constant 400 : i32
        %dma_wait3A_531 = arith.constant 0 : i32
        %dma_wait3A_532 = tpu.memref_slice %arg7[%dma_wait3A_517, %dma_wait3A_530, %dma_wait3A_531] : memref<2x800x64xf32, #tpu.memory_space<vmem>> -> memref<1x200x64xf32, #tpu.memory_space<vmem>>
        %dma_wait3A_533 = tpu.memref_squeeze %dma_wait3A_532 : memref<1x200x64xf32, #tpu.memory_space<vmem>> -> memref<200x64xf32, #tpu.memory_space<vmem>>
        tpu.wait_dma2 semaphore(%arg12 : memref<!tpu.dma_semaphore, #tpu.memory_space<semaphore_mem>>) src(%dma_wait3A_533 : memref<200x64xf32, #tpu.memory_space<vmem>>) dst(%dma_wait3A_529 : memref<200x64xf32, #tpu.memory_space<hbm>>)
        %dma_wait3A_534 = arith.constant 0 : i32
        %dma_wait3A_535 = arith.constant 600 : i32
        %dma_wait3A_536 = arith.constant 0 : i32
        %dma_wait3A_537 = tpu.memref_slice %arg7[%dma_wait3A_534, %dma_wait3A_535, %dma_wait3A_536] : memref<2x800x64xf32, #tpu.memory_space<vmem>> -> memref<1x200x64xf32, #tpu.memory_space<vmem>>
        %dma_wait3A_538 = tpu.memref_squeeze %dma_wait3A_537 : memref<1x200x64xf32, #tpu.memory_space<vmem>> -> memref<200x64xf32, #tpu.memory_space<vmem>>
        %dma_wait3A_539 = arith.constant 0 : i32
        %dma_wait3A_540 = arith.constant 0 : i32
        %dma_wait3A_541 = tpu.memref_slice %arg4[%add3A_482, %dma_wait3A_539, %dma_wait3A_540] : memref<4096x200x128xf32, #tpu.memory_space<hbm>> -> memref<1x200x64xf32, #tpu.memory_space<hbm>>
        %dma_wait3A_542 = tpu.memref_squeeze %dma_wait3A_541 : memref<1x200x64xf32, #tpu.memory_space<hbm>> -> memref<200x64xf32, #tpu.memory_space<hbm>>
        %dma_wait3A_543 = arith.constant 0 : i32
        %dma_wait3A_544 = arith.constant 0 : i32
        %dma_wait3A_545 = tpu.memref_slice %arg4[%add3A_482, %dma_wait3A_543, %dma_wait3A_544] : memref<4096x200x128xf32, #tpu.memory_space<hbm>> -> memref<1x200x64xf32, #tpu.memory_space<hbm>>
        %dma_wait3A_546 = tpu.memref_squeeze %dma_wait3A_545 : memref<1x200x64xf32, #tpu.memory_space<hbm>> -> memref<200x64xf32, #tpu.memory_space<hbm>>
        %dma_wait3A_547 = arith.constant 600 : i32
        %dma_wait3A_548 = arith.constant 0 : i32
        %dma_wait3A_549 = tpu.memref_slice %arg7[%dma_wait3A_534, %dma_wait3A_547, %dma_wait3A_548] : memref<2x800x64xf32, #tpu.memory_space<vmem>> -> memref<1x200x64xf32, #tpu.memory_space<vmem>>
        %dma_wait3A_550 = tpu.memref_squeeze %dma_wait3A_549 : memref<1x200x64xf32, #tpu.memory_space<vmem>> -> memref<200x64xf32, #tpu.memory_space<vmem>>
        tpu.wait_dma2 semaphore(%arg12 : memref<!tpu.dma_semaphore, #tpu.memory_space<semaphore_mem>>) src(%dma_wait3A_550 : memref<200x64xf32, #tpu.memory_space<vmem>>) dst(%dma_wait3A_546 : memref<200x64xf32, #tpu.memory_space<hbm>>)
      } else {
      }
      %add3A_364 = arith.constant 1 : i32
      %add3A_365 = arith.addi %add3A_358, %add3A_364 : i32
      %lt3A_366 = arith.constant 32 : i32
      %lt3A_367 = arith.cmpi slt, %add3A_365, %lt3A_366 : i32
      %convert_element_type3A_368 = arith.extui %lt3A_367 : i1 to i32
      %cond3A_369 = arith.constant 0 : i32
      %cond3A_370 = arith.cmpi ne, %convert_element_type3A_368, %cond3A_369 : i32
      scf.if %cond3A_370 {
        %add3A_471 = arith.constant 1 : i32
        %add3A_472 = arith.addi %add3A_358, %add3A_471 : i32
        %mul3A_473 = arith.constant 4 : i32
        %mul3A_474 = arith.muli %add3A_472, %mul3A_473 : i32
        %add3A_475 = arith.addi %mul3A_2, %mul3A_474 : i32
        %add3A_476 = arith.constant 0 : i32
        %add3A_477 = arith.addi %add3A_475, %add3A_476 : i32
        %add3A_478 = arith.constant 1 : i32
        %add3A_479 = arith.addi %add3A_475, %add3A_478 : i32
        %add3A_480 = arith.constant 2 : i32
        %add3A_481 = arith.addi %add3A_475, %add3A_480 : i32
        %add3A_482 = arith.constant 3 : i32
        %add3A_483 = arith.addi %add3A_475, %add3A_482 : i32
        %dma_wait3A_484 = arith.constant 0 : i32
        %dma_wait3A_485 = tpu.memref_slice %arg5[%dma_wait3A_484] : memref<800xi32, #tpu.memory_space<vmem>> -> memref<200xi32, #tpu.memory_space<vmem>>
        %dma_wait3A_486 = arith.constant 0 : i32
        %dma_wait3A_487 = tpu.memref_slice %arg2[%add3A_477, %dma_wait3A_486] : memref<4096x200xi32, #tpu.memory_space<hbm>> -> memref<1x200xi32, #tpu.memory_space<hbm>>
        %dma_wait3A_488 = tpu.memref_squeeze %dma_wait3A_487 : memref<1x200xi32, #tpu.memory_space<hbm>> -> memref<200xi32, #tpu.memory_space<hbm>>
        %dma_wait3A_489 = arith.constant 0 : i32
        %dma_wait3A_490 = tpu.memref_slice %arg5[%dma_wait3A_489] : memref<800xi32, #tpu.memory_space<vmem>> -> memref<200xi32, #tpu.memory_space<vmem>>
        %dma_wait3A_491 = arith.constant 0 : i32
        %dma_wait3A_492 = tpu.memref_slice %arg2[%add3A_477, %dma_wait3A_491] : memref<4096x200xi32, #tpu.memory_space<hbm>> -> memref<1x200xi32, #tpu.memory_space<hbm>>
        %dma_wait3A_493 = tpu.memref_squeeze %dma_wait3A_492 : memref<1x200xi32, #tpu.memory_space<hbm>> -> memref<200xi32, #tpu.memory_space<hbm>>
        tpu.wait_dma2 semaphore(%arg8 : memref<!tpu.dma_semaphore, #tpu.memory_space<semaphore_mem>>) src(%dma_wait3A_493 : memref<200xi32, #tpu.memory_space<hbm>>) dst(%dma_wait3A_490 : memref<200xi32, #tpu.memory_space<vmem>>)
        %dma_wait3A_494 = arith.constant 200 : i32
        %dma_wait3A_495 = tpu.memref_slice %arg5[%dma_wait3A_494] : memref<800xi32, #tpu.memory_space<vmem>> -> memref<200xi32, #tpu.memory_space<vmem>>
        %dma_wait3A_496 = arith.constant 0 : i32
        %dma_wait3A_497 = tpu.memref_slice %arg2[%add3A_479, %dma_wait3A_496] : memref<4096x200xi32, #tpu.memory_space<hbm>> -> memref<1x200xi32, #tpu.memory_space<hbm>>
        %dma_wait3A_498 = tpu.memref_squeeze %dma_wait3A_497 : memref<1x200xi32, #tpu.memory_space<hbm>> -> memref<200xi32, #tpu.memory_space<hbm>>
        %dma_wait3A_499 = arith.constant 200 : i32
        %dma_wait3A_500 = tpu.memref_slice %arg5[%dma_wait3A_499] : memref<800xi32, #tpu.memory_space<vmem>> -> memref<200xi32, #tpu.memory_space<vmem>>
        %dma_wait3A_501 = arith.constant 0 : i32
        %dma_wait3A_502 = tpu.memref_slice %arg2[%add3A_479, %dma_wait3A_501] : memref<4096x200xi32, #tpu.memory_space<hbm>> -> memref<1x200xi32, #tpu.memory_space<hbm>>
        %dma_wait3A_503 = tpu.memref_squeeze %dma_wait3A_502 : memref<1x200xi32, #tpu.memory_space<hbm>> -> memref<200xi32, #tpu.memory_space<hbm>>
        tpu.wait_dma2 semaphore(%arg8 : memref<!tpu.dma_semaphore, #tpu.memory_space<semaphore_mem>>) src(%dma_wait3A_503 : memref<200xi32, #tpu.memory_space<hbm>>) dst(%dma_wait3A_500 : memref<200xi32, #tpu.memory_space<vmem>>)
        %dma_wait3A_504 = arith.constant 400 : i32
        %dma_wait3A_505 = tpu.memref_slice %arg5[%dma_wait3A_504] : memref<800xi32, #tpu.memory_space<vmem>> -> memref<200xi32, #tpu.memory_space<vmem>>
        %dma_wait3A_506 = arith.constant 0 : i32
        %dma_wait3A_507 = tpu.memref_slice %arg2[%add3A_481, %dma_wait3A_506] : memref<4096x200xi32, #tpu.memory_space<hbm>> -> memref<1x200xi32, #tpu.memory_space<hbm>>
        %dma_wait3A_508 = tpu.memref_squeeze %dma_wait3A_507 : memref<1x200xi32, #tpu.memory_space<hbm>> -> memref<200xi32, #tpu.memory_space<hbm>>
        %dma_wait3A_509 = arith.constant 400 : i32
        %dma_wait3A_510 = tpu.memref_slice %arg5[%dma_wait3A_509] : memref<800xi32, #tpu.memory_space<vmem>> -> memref<200xi32, #tpu.memory_space<vmem>>
        %dma_wait3A_511 = arith.constant 0 : i32
        %dma_wait3A_512 = tpu.memref_slice %arg2[%add3A_481, %dma_wait3A_511] : memref<4096x200xi32, #tpu.memory_space<hbm>> -> memref<1x200xi32, #tpu.memory_space<hbm>>
        %dma_wait3A_513 = tpu.memref_squeeze %dma_wait3A_512 : memref<1x200xi32, #tpu.memory_space<hbm>> -> memref<200xi32, #tpu.memory_space<hbm>>
        tpu.wait_dma2 semaphore(%arg8 : memref<!tpu.dma_semaphore, #tpu.memory_space<semaphore_mem>>) src(%dma_wait3A_513 : memref<200xi32, #tpu.memory_space<hbm>>) dst(%dma_wait3A_510 : memref<200xi32, #tpu.memory_space<vmem>>)
        %dma_wait3A_514 = arith.constant 600 : i32
        %dma_wait3A_515 = tpu.memref_slice %arg5[%dma_wait3A_514] : memref<800xi32, #tpu.memory_space<vmem>> -> memref<200xi32, #tpu.memory_space<vmem>>
        %dma_wait3A_516 = arith.constant 0 : i32
        %dma_wait3A_517 = tpu.memref_slice %arg2[%add3A_483, %dma_wait3A_516] : memref<4096x200xi32, #tpu.memory_space<hbm>> -> memref<1x200xi32, #tpu.memory_space<hbm>>
        %dma_wait3A_518 = tpu.memref_squeeze %dma_wait3A_517 : memref<1x200xi32, #tpu.memory_space<hbm>> -> memref<200xi32, #tpu.memory_space<hbm>>
        %dma_wait3A_519 = arith.constant 600 : i32
        %dma_wait3A_520 = tpu.memref_slice %arg5[%dma_wait3A_519] : memref<800xi32, #tpu.memory_space<vmem>> -> memref<200xi32, #tpu.memory_space<vmem>>
        %dma_wait3A_521 = arith.constant 0 : i32
        %dma_wait3A_522 = tpu.memref_slice %arg2[%add3A_483, %dma_wait3A_521] : memref<4096x200xi32, #tpu.memory_space<hbm>> -> memref<1x200xi32, #tpu.memory_space<hbm>>
        %dma_wait3A_523 = tpu.memref_squeeze %dma_wait3A_522 : memref<1x200xi32, #tpu.memory_space<hbm>> -> memref<200xi32, #tpu.memory_space<hbm>>
        tpu.wait_dma2 semaphore(%arg8 : memref<!tpu.dma_semaphore, #tpu.memory_space<semaphore_mem>>) src(%dma_wait3A_523 : memref<200xi32, #tpu.memory_space<hbm>>) dst(%dma_wait3A_520 : memref<200xi32, #tpu.memory_space<vmem>>)
        %add3A_524 = arith.constant 1 : i32
        %add3A_525 = arith.addi %add3A_358, %add3A_524 : i32
        %dma_start3A_526 = arith.constant 0 : i32
        %dma_start3A_527 = arith.constant 0 : i32
        %dma_start3A_528 = arith.constant 0 : i32
        %dma_start3A_529 = tpu.memref_slice %arg7[%dma_start3A_526, %dma_start3A_527, %dma_start3A_528] : memref<2x800x64xf32, #tpu.memory_space<vmem>> -> memref<1x800x64xf32, #tpu.memory_space<vmem>>
        %dma_start3A_530 = tpu.memref_squeeze %dma_start3A_529 : memref<1x800x64xf32, #tpu.memory_space<vmem>> -> memref<800x64xf32, #tpu.memory_space<vmem>>
        %dma_start3A_531 = arith.constant 0 : i32
        %dma_start3A_532 = arith.constant 0 : i32
        %dma_start3A_533 = tpu.memref_slice %arg3[%dma_start3A_531, %dma_start3A_532] : memref<1000000x64xf32, #tpu.memory_space<hbm>> -> memref<1000000x64xf32, #tpu.memory_space<hbm>>
        tpu.enqueue_indirect_dma source(%dma_start3A_533 : memref<1000000x64xf32, #tpu.memory_space<hbm>>) target(%dma_start3A_530 : memref<800x64xf32, #tpu.memory_space<vmem>>) offsets(%arg5 : memref<800xi32, #tpu.memory_space<vmem>>) semaphore(%arg10 : memref<!tpu.dma_semaphore, #tpu.memory_space<semaphore_mem>>)
      } else {
      }
      %dma_wait3A_371 = arith.constant 1 : i32
      %dma_wait3A_372 = arith.constant 0 : i32
      %dma_wait3A_373 = arith.constant 0 : i32
      %dma_wait3A_374 = tpu.memref_slice %arg7[%dma_wait3A_371, %dma_wait3A_372, %dma_wait3A_373] : memref<2x800x64xf32, #tpu.memory_space<vmem>> -> memref<1x800x64xf32, #tpu.memory_space<vmem>>
      %dma_wait3A_375 = tpu.memref_squeeze %dma_wait3A_374 : memref<1x800x64xf32, #tpu.memory_space<vmem>> -> memref<800x64xf32, #tpu.memory_space<vmem>>
      %dma_wait3A_376 = arith.constant 0 : i32
      %dma_wait3A_377 = arith.constant 0 : i32
      %dma_wait3A_378 = tpu.memref_slice %arg3[%dma_wait3A_376, %dma_wait3A_377] : memref<1000000x64xf32, #tpu.memory_space<hbm>> -> memref<1000000x64xf32, #tpu.memory_space<hbm>>
      tpu.wait_indirect_dma semaphore(%arg11 : memref<!tpu.dma_semaphore, #tpu.memory_space<semaphore_mem>>) src(%dma_wait3A_378 : memref<1000000x64xf32, #tpu.memory_space<hbm>>) dst(%dma_wait3A_375 : memref<800x64xf32, #tpu.memory_space<vmem>>)
      %add3A_379 = arith.constant 2 : i32
      %add3A_380 = arith.addi %add3A_358, %add3A_379 : i32
      %lt3A_381 = arith.constant 32 : i32
      %lt3A_382 = arith.cmpi slt, %add3A_380, %lt3A_381 : i32
      %convert_element_type3A_383 = arith.extui %lt3A_382 : i1 to i32
      %cond3A_384 = arith.constant 0 : i32
      %cond3A_385 = arith.cmpi ne, %convert_element_type3A_383, %cond3A_384 : i32
      scf.if %cond3A_385 {
        %add3A_471 = arith.constant 2 : i32
        %add3A_472 = arith.addi %add3A_358, %add3A_471 : i32
        %mul3A_473 = arith.constant 4 : i32
        %mul3A_474 = arith.muli %add3A_472, %mul3A_473 : i32
        %add3A_475 = arith.addi %mul3A_2, %mul3A_474 : i32
        %add3A_476 = arith.constant 0 : i32
        %add3A_477 = arith.addi %add3A_475, %add3A_476 : i32
        %add3A_478 = arith.constant 1 : i32
        %add3A_479 = arith.addi %add3A_475, %add3A_478 : i32
        %add3A_480 = arith.constant 2 : i32
        %add3A_481 = arith.addi %add3A_475, %add3A_480 : i32
        %add3A_482 = arith.constant 3 : i32
        %add3A_483 = arith.addi %add3A_475, %add3A_482 : i32
        %dma_start3A_484 = arith.constant 0 : i32
        %dma_start3A_485 = tpu.memref_slice %arg6[%dma_start3A_484] : memref<800xi32, #tpu.memory_space<vmem>> -> memref<200xi32, #tpu.memory_space<vmem>>
        %dma_start3A_486 = arith.constant 0 : i32
        %dma_start3A_487 = tpu.memref_slice %arg2[%add3A_477, %dma_start3A_486] : memref<4096x200xi32, #tpu.memory_space<hbm>> -> memref<1x200xi32, #tpu.memory_space<hbm>>
        %dma_start3A_488 = tpu.memref_squeeze %dma_start3A_487 : memref<1x200xi32, #tpu.memory_space<hbm>> -> memref<200xi32, #tpu.memory_space<hbm>>
        %dma_start3A_489 = arith.constant 0 : i32
        %dma_start3A_490 = tpu.memref_slice %arg6[%dma_start3A_489] : memref<800xi32, #tpu.memory_space<vmem>> -> memref<200xi32, #tpu.memory_space<vmem>>
        %dma_start3A_491 = arith.constant 0 : i32
        %dma_start3A_492 = tpu.memref_slice %arg2[%add3A_477, %dma_start3A_491] : memref<4096x200xi32, #tpu.memory_space<hbm>> -> memref<1x200xi32, #tpu.memory_space<hbm>>
        %dma_start3A_493 = tpu.memref_squeeze %dma_start3A_492 : memref<1x200xi32, #tpu.memory_space<hbm>> -> memref<200xi32, #tpu.memory_space<hbm>>
        tpu.enqueue_dma source(%dma_start3A_493 : memref<200xi32, #tpu.memory_space<hbm>>) target(%dma_start3A_490 : memref<200xi32, #tpu.memory_space<vmem>>) target_semaphore(%arg9 : memref<!tpu.dma_semaphore, #tpu.memory_space<semaphore_mem>>)
        %dma_start3A_494 = arith.constant 200 : i32
        %dma_start3A_495 = tpu.memref_slice %arg6[%dma_start3A_494] : memref<800xi32, #tpu.memory_space<vmem>> -> memref<200xi32, #tpu.memory_space<vmem>>
        %dma_start3A_496 = arith.constant 0 : i32
        %dma_start3A_497 = tpu.memref_slice %arg2[%add3A_479, %dma_start3A_496] : memref<4096x200xi32, #tpu.memory_space<hbm>> -> memref<1x200xi32, #tpu.memory_space<hbm>>
        %dma_start3A_498 = tpu.memref_squeeze %dma_start3A_497 : memref<1x200xi32, #tpu.memory_space<hbm>> -> memref<200xi32, #tpu.memory_space<hbm>>
        %dma_start3A_499 = arith.constant 200 : i32
        %dma_start3A_500 = tpu.memref_slice %arg6[%dma_start3A_499] : memref<800xi32, #tpu.memory_space<vmem>> -> memref<200xi32, #tpu.memory_space<vmem>>
        %dma_start3A_501 = arith.constant 0 : i32
        %dma_start3A_502 = tpu.memref_slice %arg2[%add3A_479, %dma_start3A_501] : memref<4096x200xi32, #tpu.memory_space<hbm>> -> memref<1x200xi32, #tpu.memory_space<hbm>>
        %dma_start3A_503 = tpu.memref_squeeze %dma_start3A_502 : memref<1x200xi32, #tpu.memory_space<hbm>> -> memref<200xi32, #tpu.memory_space<hbm>>
        tpu.enqueue_dma source(%dma_start3A_503 : memref<200xi32, #tpu.memory_space<hbm>>) target(%dma_start3A_500 : memref<200xi32, #tpu.memory_space<vmem>>) target_semaphore(%arg9 : memref<!tpu.dma_semaphore, #tpu.memory_space<semaphore_mem>>)
        %dma_start3A_504 = arith.constant 400 : i32
        %dma_start3A_505 = tpu.memref_slice %arg6[%dma_start3A_504] : memref<800xi32, #tpu.memory_space<vmem>> -> memref<200xi32, #tpu.memory_space<vmem>>
        %dma_start3A_506 = arith.constant 0 : i32
        %dma_start3A_507 = tpu.memref_slice %arg2[%add3A_481, %dma_start3A_506] : memref<4096x200xi32, #tpu.memory_space<hbm>> -> memref<1x200xi32, #tpu.memory_space<hbm>>
        %dma_start3A_508 = tpu.memref_squeeze %dma_start3A_507 : memref<1x200xi32, #tpu.memory_space<hbm>> -> memref<200xi32, #tpu.memory_space<hbm>>
        %dma_start3A_509 = arith.constant 400 : i32
        %dma_start3A_510 = tpu.memref_slice %arg6[%dma_start3A_509] : memref<800xi32, #tpu.memory_space<vmem>> -> memref<200xi32, #tpu.memory_space<vmem>>
        %dma_start3A_511 = arith.constant 0 : i32
        %dma_start3A_512 = tpu.memref_slice %arg2[%add3A_481, %dma_start3A_511] : memref<4096x200xi32, #tpu.memory_space<hbm>> -> memref<1x200xi32, #tpu.memory_space<hbm>>
        %dma_start3A_513 = tpu.memref_squeeze %dma_start3A_512 : memref<1x200xi32, #tpu.memory_space<hbm>> -> memref<200xi32, #tpu.memory_space<hbm>>
        tpu.enqueue_dma source(%dma_start3A_513 : memref<200xi32, #tpu.memory_space<hbm>>) target(%dma_start3A_510 : memref<200xi32, #tpu.memory_space<vmem>>) target_semaphore(%arg9 : memref<!tpu.dma_semaphore, #tpu.memory_space<semaphore_mem>>)
        %dma_start3A_514 = arith.constant 600 : i32
        %dma_start3A_515 = tpu.memref_slice %arg6[%dma_start3A_514] : memref<800xi32, #tpu.memory_space<vmem>> -> memref<200xi32, #tpu.memory_space<vmem>>
        %dma_start3A_516 = arith.constant 0 : i32
        %dma_start3A_517 = tpu.memref_slice %arg2[%add3A_483, %dma_start3A_516] : memref<4096x200xi32, #tpu.memory_space<hbm>> -> memref<1x200xi32, #tpu.memory_space<hbm>>
        %dma_start3A_518 = tpu.memref_squeeze %dma_start3A_517 : memref<1x200xi32, #tpu.memory_space<hbm>> -> memref<200xi32, #tpu.memory_space<hbm>>
        %dma_start3A_519 = arith.constant 600 : i32
        %dma_start3A_520 = tpu.memref_slice %arg6[%dma_start3A_519] : memref<800xi32, #tpu.memory_space<vmem>> -> memref<200xi32, #tpu.memory_space<vmem>>
        %dma_start3A_521 = arith.constant 0 : i32
        %dma_start3A_522 = tpu.memref_slice %arg2[%add3A_483, %dma_start3A_521] : memref<4096x200xi32, #tpu.memory_space<hbm>> -> memref<1x200xi32, #tpu.memory_space<hbm>>
        %dma_start3A_523 = tpu.memref_squeeze %dma_start3A_522 : memref<1x200xi32, #tpu.memory_space<hbm>> -> memref<200xi32, #tpu.memory_space<hbm>>
        tpu.enqueue_dma source(%dma_start3A_523 : memref<200xi32, #tpu.memory_space<hbm>>) target(%dma_start3A_520 : memref<200xi32, #tpu.memory_space<vmem>>) target_semaphore(%arg9 : memref<!tpu.dma_semaphore, #tpu.memory_space<semaphore_mem>>)
      } else {
      }
      %scan3A_386 = arith.constant 0 : i32
      %scan3A_387 = arith.constant 0 : i32
      %scan3A_388 = arith.constant 100 : i32
      %scan3A_389 = arith.addi %scan3A_387, %scan3A_388 : i32
      %scan3A_390 = arith.constant 1 : i32
      scf.for %scan3A_471 = %scan3A_387 to %scan3A_389 step %scan3A_390  : i32 {
        %mul3A_472 = arith.constant 8 : i32
        %mul3A_473 = arith.muli %scan3A_471, %mul3A_472 : i32
        %add3A_474 = arith.constant 0 : i32
        %add3A_475 = arith.addi %mul3A_473, %add3A_474 : i32
        %get3A = arith.constant 1 : i32
        %get3A_476 = arith.index_cast %get3A : i32 to index
        %get3A_477 = arith.index_cast %add3A_475 : i32 to index
        %get3A_478 = arith.constant 0 : index
        %get3A_479 = tpu.vector_load %arg7[%get3A_476, %get3A_477, %get3A_478] {strides = array<i32>} : memref<2x800x64xf32, #tpu.memory_space<vmem>>, vector<1x1x16xf32>,
        %get3A_480 = vector.shape_cast %get3A_479 : vector<1x1x16xf32> to vector<16xf32>
        %mul3A_481 = arith.constant 8.000000e+00 : f32
        %mul3A_482 = vector.broadcast %mul3A_481 : f32 to vector<16xf32>
        %mul3A_483 = arith.mulf %get3A_480, %mul3A_482 : vector<16xf32>
        %swap3A = arith.constant 1 : i32
        %swap3A_484 = arith.index_cast %swap3A : i32 to index
        %swap3A_485 = arith.index_cast %add3A_475 : i32 to index
        %swap3A_486 = arith.constant 0 : index
        %swap3A_487 = tpu.vector_load %arg7[%swap3A_484, %swap3A_485, %swap3A_486] {strides = array<i32>} : memref<2x800x64xf32, #tpu.memory_space<vmem>>, vector<1x1x16xf32>,
        %swap3A_488 = vector.shape_cast %swap3A_487 : vector<1x1x16xf32> to vector<16xf32>
        %swap3A_489 = vector.shape_cast %mul3A_483 : vector<16xf32> to vector<1x1x16xf32>
        tpu.vector_store %arg7[%swap3A_484, %swap3A_485, %swap3A_486], %swap3A_489 {strides = array<i32>} : memref<2x800x64xf32, #tpu.memory_space<vmem>>, vector<1x1x16xf32>,
        %get3A_490 = arith.constant 1 : i32
        %get3A_491 = arith.index_cast %get3A_490 : i32 to index
        %get3A_492 = arith.index_cast %add3A_475 : i32 to index
        %get3A_493 = arith.constant 16 : index
        %get3A_494 = tpu.vector_load %arg7[%get3A_491, %get3A_492, %get3A_493] {strides = array<i32>} : memref<2x800x64xf32, #tpu.memory_space<vmem>>, vector<1x1x16xf32>,
        %get3A_495 = vector.shape_cast %get3A_494 : vector<1x1x16xf32> to vector<16xf32>
        %mul3A_496 = arith.constant 8.000000e+00 : f32
        %mul3A_497 = vector.broadcast %mul3A_496 : f32 to vector<16xf32>
        %mul3A_498 = arith.mulf %get3A_495, %mul3A_497 : vector<16xf32>
        %swap3A_499 = arith.constant 1 : i32
        %swap3A_500 = arith.index_cast %swap3A_499 : i32 to index
        %swap3A_501 = arith.index_cast %add3A_475 : i32 to index
        %swap3A_502 = arith.constant 16 : index
        %swap3A_503 = tpu.vector_load %arg7[%swap3A_500, %swap3A_501, %swap3A_502] {strides = array<i32>} : memref<2x800x64xf32, #tpu.memory_space<vmem>>, vector<1x1x16xf32>,
        %swap3A_504 = vector.shape_cast %swap3A_503 : vector<1x1x16xf32> to vector<16xf32>
        %swap3A_505 = vector.shape_cast %mul3A_498 : vector<16xf32> to vector<1x1x16xf32>
        tpu.vector_store %arg7[%swap3A_500, %swap3A_501, %swap3A_502], %swap3A_505 {strides = array<i32>} : memref<2x800x64xf32, #tpu.memory_space<vmem>>, vector<1x1x16xf32>,
        %get3A_506 = arith.constant 1 : i32
        %get3A_507 = arith.index_cast %get3A_506 : i32 to index
        %get3A_508 = arith.index_cast %add3A_475 : i32 to index
        %get3A_509 = arith.constant 32 : index
        %get3A_510 = tpu.vector_load %arg7[%get3A_507, %get3A_508, %get3A_509] {strides = array<i32>} : memref<2x800x64xf32, #tpu.memory_space<vmem>>, vector<1x1x16xf32>,
        %get3A_511 = vector.shape_cast %get3A_510 : vector<1x1x16xf32> to vector<16xf32>
        %mul3A_512 = arith.constant 8.000000e+00 : f32
        %mul3A_513 = vector.broadcast %mul3A_512 : f32 to vector<16xf32>
        %mul3A_514 = arith.mulf %get3A_511, %mul3A_513 : vector<16xf32>
        %swap3A_515 = arith.constant 1 : i32
        %swap3A_516 = arith.index_cast %swap3A_515 : i32 to index
        %swap3A_517 = arith.index_cast %add3A_475 : i32 to index
        %swap3A_518 = arith.constant 32 : index
        %swap3A_519 = tpu.vector_load %arg7[%swap3A_516, %swap3A_517, %swap3A_518] {strides = array<i32>} : memref<2x800x64xf32, #tpu.memory_space<vmem>>, vector<1x1x16xf32>,
        %swap3A_520 = vector.shape_cast %swap3A_519 : vector<1x1x16xf32> to vector<16xf32>
        %swap3A_521 = vector.shape_cast %mul3A_514 : vector<16xf32> to vector<1x1x16xf32>
        tpu.vector_store %arg7[%swap3A_516, %swap3A_517, %swap3A_518], %swap3A_521 {strides = array<i32>} : memref<2x800x64xf32, #tpu.memory_space<vmem>>, vector<1x1x16xf32>,
        %get3A_522 = arith.constant 1 : i32
        %get3A_523 = arith.index_cast %get3A_522 : i32 to index
        %get3A_524 = arith.index_cast %add3A_475 : i32 to index
        %get3A_525 = arith.constant 48 : index
        %get3A_526 = tpu.vector_load %arg7[%get3A_523, %get3A_524, %get3A_525] {strides = array<i32>} : memref<2x800x64xf32, #tpu.memory_space<vmem>>, vector<1x1x16xf32>,
        %get3A_527 = vector.shape_cast %get3A_526 : vector<1x1x16xf32> to vector<16xf32>
        %mul3A_528 = arith.constant 8.000000e+00 : f32
        %mul3A_529 = vector.broadcast %mul3A_528 : f32 to vector<16xf32>
        %mul3A_530 = arith.mulf %get3A_527, %mul3A_529 : vector<16xf32>
        %swap3A_531 = arith.constant 1 : i32
        %swap3A_532 = arith.index_cast %swap3A_531 : i32 to index
        %swap3A_533 = arith.index_cast %add3A_475 : i32 to index
        %swap3A_534 = arith.constant 48 : index
        %swap3A_535 = tpu.vector_load %arg7[%swap3A_532, %swap3A_533, %swap3A_534] {strides = array<i32>} : memref<2x800x64xf32, #tpu.memory_space<vmem>>, vector<1x1x16xf32>,
        %swap3A_536 = vector.shape_cast %swap3A_535 : vector<1x1x16xf32> to vector<16xf32>
        %swap3A_537 = vector.shape_cast %mul3A_530 : vector<16xf32> to vector<1x1x16xf32>
        tpu.vector_store %arg7[%swap3A_532, %swap3A_533, %swap3A_534], %swap3A_537 {strides = array<i32>} : memref<2x800x64xf32, #tpu.memory_space<vmem>>, vector<1x1x16xf32>,
        %mul3A_538 = arith.constant 8 : i32
        %mul3A_539 = arith.muli %scan3A_471, %mul3A_538 : i32
        %add3A_540 = arith.constant 1 : i32
        %add3A_541 = arith.addi %mul3A_539, %add3A_540 : i32
        %get3A_542 = arith.constant 1 : i32
        %get3A_543 = arith.index_cast %get3A_542 : i32 to index
        %get3A_544 = arith.index_cast %add3A_541 : i32 to index
        %get3A_545 = arith.constant 0 : index
        %get3A_546 = tpu.vector_load %arg7[%get3A_543, %get3A_544, %get3A_545] {strides = array<i32>} : memref<2x800x64xf32, #tpu.memory_space<vmem>>, vector<1x1x16xf32>,
        %get3A_547 = vector.shape_cast %get3A_546 : vector<1x1x16xf32> to vector<16xf32>
        %mul3A_548 = arith.constant 8.000000e+00 : f32
        %mul3A_549 = vector.broadcast %mul3A_548 : f32 to vector<16xf32>
        %mul3A_550 = arith.mulf %get3A_547, %mul3A_549 : vector<16xf32>
        %swap3A_551 = arith.constant 1 : i32
        %swap3A_552 = arith.index_cast %swap3A_551 : i32 to index
        %swap3A_553 = arith.index_cast %add3A_541 : i32 to index
        %swap3A_554 = arith.constant 0 : index
        %swap3A_555 = tpu.vector_load %arg7[%swap3A_552, %swap3A_553, %swap3A_554] {strides = array<i32>} : memref<2x800x64xf32, #tpu.memory_space<vmem>>, vector<1x1x16xf32>,
        %swap3A_556 = vector.shape_cast %swap3A_555 : vector<1x1x16xf32> to vector<16xf32>
        %swap3A_557 = vector.shape_cast %mul3A_550 : vector<16xf32> to vector<1x1x16xf32>
        tpu.vector_store %arg7[%swap3A_552, %swap3A_553, %swap3A_554], %swap3A_557 {strides = array<i32>} : memref<2x800x64xf32, #tpu.memory_space<vmem>>, vector<1x1x16xf32>,
        %get3A_558 = arith.constant 1 : i32
        %get3A_559 = arith.index_cast %get3A_558 : i32 to index
        %get3A_560 = arith.index_cast %add3A_541 : i32 to index
        %get3A_561 = arith.constant 16 : index
        %get3A_562 = tpu.vector_load %arg7[%get3A_559, %get3A_560, %get3A_561] {strides = array<i32>} : memref<2x800x64xf32, #tpu.memory_space<vmem>>, vector<1x1x16xf32>,
        %get3A_563 = vector.shape_cast %get3A_562 : vector<1x1x16xf32> to vector<16xf32>
        %mul3A_564 = arith.constant 8.000000e+00 : f32
        %mul3A_565 = vector.broadcast %mul3A_564 : f32 to vector<16xf32>
        %mul3A_566 = arith.mulf %get3A_563, %mul3A_565 : vector<16xf32>
        %swap3A_567 = arith.constant 1 : i32
        %swap3A_568 = arith.index_cast %swap3A_567 : i32 to index
        %swap3A_569 = arith.index_cast %add3A_541 : i32 to index
        %swap3A_570 = arith.constant 16 : index
        %swap3A_571 = tpu.vector_load %arg7[%swap3A_568, %swap3A_569, %swap3A_570] {strides = array<i32>} : memref<2x800x64xf32, #tpu.memory_space<vmem>>, vector<1x1x16xf32>,
        %swap3A_572 = vector.shape_cast %swap3A_571 : vector<1x1x16xf32> to vector<16xf32>
        %swap3A_573 = vector.shape_cast %mul3A_566 : vector<16xf32> to vector<1x1x16xf32>
        tpu.vector_store %arg7[%swap3A_568, %swap3A_569, %swap3A_570], %swap3A_573 {strides = array<i32>} : memref<2x800x64xf32, #tpu.memory_space<vmem>>, vector<1x1x16xf32>,
        %get3A_574 = arith.constant 1 : i32
        %get3A_575 = arith.index_cast %get3A_574 : i32 to index
        %get3A_576 = arith.index_cast %add3A_541 : i32 to index
        %get3A_577 = arith.constant 32 : index
        %get3A_578 = tpu.vector_load %arg7[%get3A_575, %get3A_576, %get3A_577] {strides = array<i32>} : memref<2x800x64xf32, #tpu.memory_space<vmem>>, vector<1x1x16xf32>,
        %get3A_579 = vector.shape_cast %get3A_578 : vector<1x1x16xf32> to vector<16xf32>
        %mul3A_580 = arith.constant 8.000000e+00 : f32
        %mul3A_581 = vector.broadcast %mul3A_580 : f32 to vector<16xf32>
        %mul3A_582 = arith.mulf %get3A_579, %mul3A_581 : vector<16xf32>
        %swap3A_583 = arith.constant 1 : i32
        %swap3A_584 = arith.index_cast %swap3A_583 : i32 to index
        %swap3A_585 = arith.index_cast %add3A_541 : i32 to index
        %swap3A_586 = arith.constant 32 : index
        %swap3A_587 = tpu.vector_load %arg7[%swap3A_584, %swap3A_585, %swap3A_586] {strides = array<i32>} : memref<2x800x64xf32, #tpu.memory_space<vmem>>, vector<1x1x16xf32>,
        %swap3A_588 = vector.shape_cast %swap3A_587 : vector<1x1x16xf32> to vector<16xf32>
        %swap3A_589 = vector.shape_cast %mul3A_582 : vector<16xf32> to vector<1x1x16xf32>
        tpu.vector_store %arg7[%swap3A_584, %swap3A_585, %swap3A_586], %swap3A_589 {strides = array<i32>} : memref<2x800x64xf32, #tpu.memory_space<vmem>>, vector<1x1x16xf32>,
        %get3A_590 = arith.constant 1 : i32
        %get3A_591 = arith.index_cast %get3A_590 : i32 to index
        %get3A_592 = arith.index_cast %add3A_541 : i32 to index
        %get3A_593 = arith.constant 48 : index
        %get3A_594 = tpu.vector_load %arg7[%get3A_591, %get3A_592, %get3A_593] {strides = array<i32>} : memref<2x800x64xf32, #tpu.memory_space<vmem>>, vector<1x1x16xf32>,
        %get3A_595 = vector.shape_cast %get3A_594 : vector<1x1x16xf32> to vector<16xf32>
        %mul3A_596 = arith.constant 8.000000e+00 : f32
        %mul3A_597 = vector.broadcast %mul3A_596 : f32 to vector<16xf32>
        %mul3A_598 = arith.mulf %get3A_595, %mul3A_597 : vector<16xf32>
        %swap3A_599 = arith.constant 1 : i32
        %swap3A_600 = arith.index_cast %swap3A_599 : i32 to index
        %swap3A_601 = arith.index_cast %add3A_541 : i32 to index
        %swap3A_602 = arith.constant 48 : index
        %swap3A_603 = tpu.vector_load %arg7[%swap3A_600, %swap3A_601, %swap3A_602] {strides = array<i32>} : memref<2x800x64xf32, #tpu.memory_space<vmem>>, vector<1x1x16xf32>,
        %swap3A_604 = vector.shape_cast %swap3A_603 : vector<1x1x16xf32> to vector<16xf32>
        %swap3A_605 = vector.shape_cast %mul3A_598 : vector<16xf32> to vector<1x1x16xf32>
        tpu.vector_store %arg7[%swap3A_600, %swap3A_601, %swap3A_602], %swap3A_605 {strides = array<i32>} : memref<2x800x64xf32, #tpu.memory_space<vmem>>, vector<1x1x16xf32>,
        %mul3A_606 = arith.constant 8 : i32
        %mul3A_607 = arith.muli %scan3A_471, %mul3A_606 : i32
        %add3A_608 = arith.constant 2 : i32
        %add3A_609 = arith.addi %mul3A_607, %add3A_608 : i32
        %get3A_610 = arith.constant 1 : i32
        %get3A_611 = arith.index_cast %get3A_610 : i32 to index
        %get3A_612 = arith.index_cast %add3A_609 : i32 to index
        %get3A_613 = arith.constant 0 : index
        %get3A_614 = tpu.vector_load %arg7[%get3A_611, %get3A_612, %get3A_613] {strides = array<i32>} : memref<2x800x64xf32, #tpu.memory_space<vmem>>, vector<1x1x16xf32>,
        %get3A_615 = vector.shape_cast %get3A_614 : vector<1x1x16xf32> to vector<16xf32>
        %mul3A_616 = arith.constant 8.000000e+00 : f32
        %mul3A_617 = vector.broadcast %mul3A_616 : f32 to vector<16xf32>
        %mul3A_618 = arith.mulf %get3A_615, %mul3A_617 : vector<16xf32>
        %swap3A_619 = arith.constant 1 : i32
        %swap3A_620 = arith.index_cast %swap3A_619 : i32 to index
        %swap3A_621 = arith.index_cast %add3A_609 : i32 to index
        %swap3A_622 = arith.constant 0 : index
        %swap3A_623 = tpu.vector_load %arg7[%swap3A_620, %swap3A_621, %swap3A_622] {strides = array<i32>} : memref<2x800x64xf32, #tpu.memory_space<vmem>>, vector<1x1x16xf32>,
        %swap3A_624 = vector.shape_cast %swap3A_623 : vector<1x1x16xf32> to vector<16xf32>
        %swap3A_625 = vector.shape_cast %mul3A_618 : vector<16xf32> to vector<1x1x16xf32>
        tpu.vector_store %arg7[%swap3A_620, %swap3A_621, %swap3A_622], %swap3A_625 {strides = array<i32>} : memref<2x800x64xf32, #tpu.memory_space<vmem>>, vector<1x1x16xf32>,
        %get3A_626 = arith.constant 1 : i32
        %get3A_627 = arith.index_cast %get3A_626 : i32 to index
        %get3A_628 = arith.index_cast %add3A_609 : i32 to index
        %get3A_629 = arith.constant 16 : index
        %get3A_630 = tpu.vector_load %arg7[%get3A_627, %get3A_628, %get3A_629] {strides = array<i32>} : memref<2x800x64xf32, #tpu.memory_space<vmem>>, vector<1x1x16xf32>,
        %get3A_631 = vector.shape_cast %get3A_630 : vector<1x1x16xf32> to vector<16xf32>
        %mul3A_632 = arith.constant 8.000000e+00 : f32
        %mul3A_633 = vector.broadcast %mul3A_632 : f32 to vector<16xf32>
        %mul3A_634 = arith.mulf %get3A_631, %mul3A_633 : vector<16xf32>
        %swap3A_635 = arith.constant 1 : i32
        %swap3A_636 = arith.index_cast %swap3A_635 : i32 to index
        %swap3A_637 = arith.index_cast %add3A_609 : i32 to index
        %swap3A_638 = arith.constant 16 : index
        %swap3A_639 = tpu.vector_load %arg7[%swap3A_636, %swap3A_637, %swap3A_638] {strides = array<i32>} : memref<2x800x64xf32, #tpu.memory_space<vmem>>, vector<1x1x16xf32>,
        %swap3A_640 = vector.shape_cast %swap3A_639 : vector<1x1x16xf32> to vector<16xf32>
        %swap3A_641 = vector.shape_cast %mul3A_634 : vector<16xf32> to vector<1x1x16xf32>
        tpu.vector_store %arg7[%swap3A_636, %swap3A_637, %swap3A_638], %swap3A_641 {strides = array<i32>} : memref<2x800x64xf32, #tpu.memory_space<vmem>>, vector<1x1x16xf32>,
        %get3A_642 = arith.constant 1 : i32
        %get3A_643 = arith.index_cast %get3A_642 : i32 to index
        %get3A_644 = arith.index_cast %add3A_609 : i32 to index
        %get3A_645 = arith.constant 32 : index
        %get3A_646 = tpu.vector_load %arg7[%get3A_643, %get3A_644, %get3A_645] {strides = array<i32>} : memref<2x800x64xf32, #tpu.memory_space<vmem>>, vector<1x1x16xf32>,
        %get3A_647 = vector.shape_cast %get3A_646 : vector<1x1x16xf32> to vector<16xf32>
        %mul3A_648 = arith.constant 8.000000e+00 : f32
        %mul3A_649 = vector.broadcast %mul3A_648 : f32 to vector<16xf32>
        %mul3A_650 = arith.mulf %get3A_647, %mul3A_649 : vector<16xf32>
        %swap3A_651 = arith.constant 1 : i32
        %swap3A_652 = arith.index_cast %swap3A_651 : i32 to index
        %swap3A_653 = arith.index_cast %add3A_609 : i32 to index
        %swap3A_654 = arith.constant 32 : index
        %swap3A_655 = tpu.vector_load %arg7[%swap3A_652, %swap3A_653, %swap3A_654] {strides = array<i32>} : memref<2x800x64xf32, #tpu.memory_space<vmem>>, vector<1x1x16xf32>,
        %swap3A_656 = vector.shape_cast %swap3A_655 : vector<1x1x16xf32> to vector<16xf32>
        %swap3A_657 = vector.shape_cast %mul3A_650 : vector<16xf32> to vector<1x1x16xf32>
        tpu.vector_store %arg7[%swap3A_652, %swap3A_653, %swap3A_654], %swap3A_657 {strides = array<i32>} : memref<2x800x64xf32, #tpu.memory_space<vmem>>, vector<1x1x16xf32>,
        %get3A_658 = arith.constant 1 : i32
        %get3A_659 = arith.index_cast %get3A_658 : i32 to index
        %get3A_660 = arith.index_cast %add3A_609 : i32 to index
        %get3A_661 = arith.constant 48 : index
        %get3A_662 = tpu.vector_load %arg7[%get3A_659, %get3A_660, %get3A_661] {strides = array<i32>} : memref<2x800x64xf32, #tpu.memory_space<vmem>>, vector<1x1x16xf32>,
        %get3A_663 = vector.shape_cast %get3A_662 : vector<1x1x16xf32> to vector<16xf32>
        %mul3A_664 = arith.constant 8.000000e+00 : f32
        %mul3A_665 = vector.broadcast %mul3A_664 : f32 to vector<16xf32>
        %mul3A_666 = arith.mulf %get3A_663, %mul3A_665 : vector<16xf32>
        %swap3A_667 = arith.constant 1 : i32
        %swap3A_668 = arith.index_cast %swap3A_667 : i32 to index
        %swap3A_669 = arith.index_cast %add3A_609 : i32 to index
        %swap3A_670 = arith.constant 48 : index
        %swap3A_671 = tpu.vector_load %arg7[%swap3A_668, %swap3A_669, %swap3A_670] {strides = array<i32>} : memref<2x800x64xf32, #tpu.memory_space<vmem>>, vector<1x1x16xf32>,
        %swap3A_672 = vector.shape_cast %swap3A_671 : vector<1x1x16xf32> to vector<16xf32>
        %swap3A_673 = vector.shape_cast %mul3A_666 : vector<16xf32> to vector<1x1x16xf32>
        tpu.vector_store %arg7[%swap3A_668, %swap3A_669, %swap3A_670], %swap3A_673 {strides = array<i32>} : memref<2x800x64xf32, #tpu.memory_space<vmem>>, vector<1x1x16xf32>,
        %mul3A_674 = arith.constant 8 : i32
        %mul3A_675 = arith.muli %scan3A_471, %mul3A_674 : i32
        %add3A_676 = arith.constant 3 : i32
        %add3A_677 = arith.addi %mul3A_675, %add3A_676 : i32
        %get3A_678 = arith.constant 1 : i32
        %get3A_679 = arith.index_cast %get3A_678 : i32 to index
        %get3A_680 = arith.index_cast %add3A_677 : i32 to index
        %get3A_681 = arith.constant 0 : index
        %get3A_682 = tpu.vector_load %arg7[%get3A_679, %get3A_680, %get3A_681] {strides = array<i32>} : memref<2x800x64xf32, #tpu.memory_space<vmem>>, vector<1x1x16xf32>,
        %get3A_683 = vector.shape_cast %get3A_682 : vector<1x1x16xf32> to vector<16xf32>
        %mul3A_684 = arith.constant 8.000000e+00 : f32
        %mul3A_685 = vector.broadcast %mul3A_684 : f32 to vector<16xf32>
        %mul3A_686 = arith.mulf %get3A_683, %mul3A_685 : vector<16xf32>
        %swap3A_687 = arith.constant 1 : i32
        %swap3A_688 = arith.index_cast %swap3A_687 : i32 to index
        %swap3A_689 = arith.index_cast %add3A_677 : i32 to index
        %swap3A_690 = arith.constant 0 : index
        %swap3A_691 = tpu.vector_load %arg7[%swap3A_688, %swap3A_689, %swap3A_690] {strides = array<i32>} : memref<2x800x64xf32, #tpu.memory_space<vmem>>, vector<1x1x16xf32>,
        %swap3A_692 = vector.shape_cast %swap3A_691 : vector<1x1x16xf32> to vector<16xf32>
        %swap3A_693 = vector.shape_cast %mul3A_686 : vector<16xf32> to vector<1x1x16xf32>
        tpu.vector_store %arg7[%swap3A_688, %swap3A_689, %swap3A_690], %swap3A_693 {strides = array<i32>} : memref<2x800x64xf32, #tpu.memory_space<vmem>>, vector<1x1x16xf32>,
        %get3A_694 = arith.constant 1 : i32
        %get3A_695 = arith.index_cast %get3A_694 : i32 to index
        %get3A_696 = arith.index_cast %add3A_677 : i32 to index
        %get3A_697 = arith.constant 16 : index
        %get3A_698 = tpu.vector_load %arg7[%get3A_695, %get3A_696, %get3A_697] {strides = array<i32>} : memref<2x800x64xf32, #tpu.memory_space<vmem>>, vector<1x1x16xf32>,
        %get3A_699 = vector.shape_cast %get3A_698 : vector<1x1x16xf32> to vector<16xf32>
        %mul3A_700 = arith.constant 8.000000e+00 : f32
        %mul3A_701 = vector.broadcast %mul3A_700 : f32 to vector<16xf32>
        %mul3A_702 = arith.mulf %get3A_699, %mul3A_701 : vector<16xf32>
        %swap3A_703 = arith.constant 1 : i32
        %swap3A_704 = arith.index_cast %swap3A_703 : i32 to index
        %swap3A_705 = arith.index_cast %add3A_677 : i32 to index
        %swap3A_706 = arith.constant 16 : index
        %swap3A_707 = tpu.vector_load %arg7[%swap3A_704, %swap3A_705, %swap3A_706] {strides = array<i32>} : memref<2x800x64xf32, #tpu.memory_space<vmem>>, vector<1x1x16xf32>,
        %swap3A_708 = vector.shape_cast %swap3A_707 : vector<1x1x16xf32> to vector<16xf32>
        %swap3A_709 = vector.shape_cast %mul3A_702 : vector<16xf32> to vector<1x1x16xf32>
        tpu.vector_store %arg7[%swap3A_704, %swap3A_705, %swap3A_706], %swap3A_709 {strides = array<i32>} : memref<2x800x64xf32, #tpu.memory_space<vmem>>, vector<1x1x16xf32>,
        %get3A_710 = arith.constant 1 : i32
        %get3A_711 = arith.index_cast %get3A_710 : i32 to index
        %get3A_712 = arith.index_cast %add3A_677 : i32 to index
        %get3A_713 = arith.constant 32 : index
        %get3A_714 = tpu.vector_load %arg7[%get3A_711, %get3A_712, %get3A_713] {strides = array<i32>} : memref<2x800x64xf32, #tpu.memory_space<vmem>>, vector<1x1x16xf32>,
        %get3A_715 = vector.shape_cast %get3A_714 : vector<1x1x16xf32> to vector<16xf32>
        %mul3A_716 = arith.constant 8.000000e+00 : f32
        %mul3A_717 = vector.broadcast %mul3A_716 : f32 to vector<16xf32>
        %mul3A_718 = arith.mulf %get3A_715, %mul3A_717 : vector<16xf32>
        %swap3A_719 = arith.constant 1 : i32
        %swap3A_720 = arith.index_cast %swap3A_719 : i32 to index
        %swap3A_721 = arith.index_cast %add3A_677 : i32 to index
        %swap3A_722 = arith.constant 32 : index
        %swap3A_723 = tpu.vector_load %arg7[%swap3A_720, %swap3A_721, %swap3A_722] {strides = array<i32>} : memref<2x800x64xf32, #tpu.memory_space<vmem>>, vector<1x1x16xf32>,
        %swap3A_724 = vector.shape_cast %swap3A_723 : vector<1x1x16xf32> to vector<16xf32>
        %swap3A_725 = vector.shape_cast %mul3A_718 : vector<16xf32> to vector<1x1x16xf32>
        tpu.vector_store %arg7[%swap3A_720, %swap3A_721, %swap3A_722], %swap3A_725 {strides = array<i32>} : memref<2x800x64xf32, #tpu.memory_space<vmem>>, vector<1x1x16xf32>,
        %get3A_726 = arith.constant 1 : i32
        %get3A_727 = arith.index_cast %get3A_726 : i32 to index
        %get3A_728 = arith.index_cast %add3A_677 : i32 to index
        %get3A_729 = arith.constant 48 : index
        %get3A_730 = tpu.vector_load %arg7[%get3A_727, %get3A_728, %get3A_729] {strides = array<i32>} : memref<2x800x64xf32, #tpu.memory_space<vmem>>, vector<1x1x16xf32>,
        %get3A_731 = vector.shape_cast %get3A_730 : vector<1x1x16xf32> to vector<16xf32>
        %mul3A_732 = arith.constant 8.000000e+00 : f32
        %mul3A_733 = vector.broadcast %mul3A_732 : f32 to vector<16xf32>
        %mul3A_734 = arith.mulf %get3A_731, %mul3A_733 : vector<16xf32>
        %swap3A_735 = arith.constant 1 : i32
        %swap3A_736 = arith.index_cast %swap3A_735 : i32 to index
        %swap3A_737 = arith.index_cast %add3A_677 : i32 to index
        %swap3A_738 = arith.constant 48 : index
        %swap3A_739 = tpu.vector_load %arg7[%swap3A_736, %swap3A_737, %swap3A_738] {strides = array<i32>} : memref<2x800x64xf32, #tpu.memory_space<vmem>>, vector<1x1x16xf32>,
        %swap3A_740 = vector.shape_cast %swap3A_739 : vector<1x1x16xf32> to vector<16xf32>
        %swap3A_741 = vector.shape_cast %mul3A_734 : vector<16xf32> to vector<1x1x16xf32>
        tpu.vector_store %arg7[%swap3A_736, %swap3A_737, %swap3A_738], %swap3A_741 {strides = array<i32>} : memref<2x800x64xf32, #tpu.memory_space<vmem>>, vector<1x1x16xf32>,
        %mul3A_742 = arith.constant 8 : i32
        %mul3A_743 = arith.muli %scan3A_471, %mul3A_742 : i32
        %add3A_744 = arith.constant 4 : i32
        %add3A_745 = arith.addi %mul3A_743, %add3A_744 : i32
        %get3A_746 = arith.constant 1 : i32
        %get3A_747 = arith.index_cast %get3A_746 : i32 to index
        %get3A_748 = arith.index_cast %add3A_745 : i32 to index
        %get3A_749 = arith.constant 0 : index
        %get3A_750 = tpu.vector_load %arg7[%get3A_747, %get3A_748, %get3A_749] {strides = array<i32>} : memref<2x800x64xf32, #tpu.memory_space<vmem>>, vector<1x1x16xf32>,
        %get3A_751 = vector.shape_cast %get3A_750 : vector<1x1x16xf32> to vector<16xf32>
        %mul3A_752 = arith.constant 8.000000e+00 : f32
        %mul3A_753 = vector.broadcast %mul3A_752 : f32 to vector<16xf32>
        %mul3A_754 = arith.mulf %get3A_751, %mul3A_753 : vector<16xf32>
        %swap3A_755 = arith.constant 1 : i32
        %swap3A_756 = arith.index_cast %swap3A_755 : i32 to index
        %swap3A_757 = arith.index_cast %add3A_745 : i32 to index
        %swap3A_758 = arith.constant 0 : index
        %swap3A_759 = tpu.vector_load %arg7[%swap3A_756, %swap3A_757, %swap3A_758] {strides = array<i32>} : memref<2x800x64xf32, #tpu.memory_space<vmem>>, vector<1x1x16xf32>,
        %swap3A_760 = vector.shape_cast %swap3A_759 : vector<1x1x16xf32> to vector<16xf32>
        %swap3A_761 = vector.shape_cast %mul3A_754 : vector<16xf32> to vector<1x1x16xf32>
        tpu.vector_store %arg7[%swap3A_756, %swap3A_757, %swap3A_758], %swap3A_761 {strides = array<i32>} : memref<2x800x64xf32, #tpu.memory_space<vmem>>, vector<1x1x16xf32>,
        %get3A_762 = arith.constant 1 : i32
        %get3A_763 = arith.index_cast %get3A_762 : i32 to index
        %get3A_764 = arith.index_cast %add3A_745 : i32 to index
        %get3A_765 = arith.constant 16 : index
        %get3A_766 = tpu.vector_load %arg7[%get3A_763, %get3A_764, %get3A_765] {strides = array<i32>} : memref<2x800x64xf32, #tpu.memory_space<vmem>>, vector<1x1x16xf32>,
        %get3A_767 = vector.shape_cast %get3A_766 : vector<1x1x16xf32> to vector<16xf32>
        %mul3A_768 = arith.constant 8.000000e+00 : f32
        %mul3A_769 = vector.broadcast %mul3A_768 : f32 to vector<16xf32>
        %mul3A_770 = arith.mulf %get3A_767, %mul3A_769 : vector<16xf32>
        %swap3A_771 = arith.constant 1 : i32
        %swap3A_772 = arith.index_cast %swap3A_771 : i32 to index
        %swap3A_773 = arith.index_cast %add3A_745 : i32 to index
        %swap3A_774 = arith.constant 16 : index
        %swap3A_775 = tpu.vector_load %arg7[%swap3A_772, %swap3A_773, %swap3A_774] {strides = array<i32>} : memref<2x800x64xf32, #tpu.memory_space<vmem>>, vector<1x1x16xf32>,
        %swap3A_776 = vector.shape_cast %swap3A_775 : vector<1x1x16xf32> to vector<16xf32>
        %swap3A_777 = vector.shape_cast %mul3A_770 : vector<16xf32> to vector<1x1x16xf32>
        tpu.vector_store %arg7[%swap3A_772, %swap3A_773, %swap3A_774], %swap3A_777 {strides = array<i32>} : memref<2x800x64xf32, #tpu.memory_space<vmem>>, vector<1x1x16xf32>,
        %get3A_778 = arith.constant 1 : i32
        %get3A_779 = arith.index_cast %get3A_778 : i32 to index
        %get3A_780 = arith.index_cast %add3A_745 : i32 to index
        %get3A_781 = arith.constant 32 : index
        %get3A_782 = tpu.vector_load %arg7[%get3A_779, %get3A_780, %get3A_781] {strides = array<i32>} : memref<2x800x64xf32, #tpu.memory_space<vmem>>, vector<1x1x16xf32>,
        %get3A_783 = vector.shape_cast %get3A_782 : vector<1x1x16xf32> to vector<16xf32>
        %mul3A_784 = arith.constant 8.000000e+00 : f32
        %mul3A_785 = vector.broadcast %mul3A_784 : f32 to vector<16xf32>
        %mul3A_786 = arith.mulf %get3A_783, %mul3A_785 : vector<16xf32>
        %swap3A_787 = arith.constant 1 : i32
        %swap3A_788 = arith.index_cast %swap3A_787 : i32 to index
        %swap3A_789 = arith.index_cast %add3A_745 : i32 to index
        %swap3A_790 = arith.constant 32 : index
        %swap3A_791 = tpu.vector_load %arg7[%swap3A_788, %swap3A_789, %swap3A_790] {strides = array<i32>} : memref<2x800x64xf32, #tpu.memory_space<vmem>>, vector<1x1x16xf32>,
        %swap3A_792 = vector.shape_cast %swap3A_791 : vector<1x1x16xf32> to vector<16xf32>
        %swap3A_793 = vector.shape_cast %mul3A_786 : vector<16xf32> to vector<1x1x16xf32>
        tpu.vector_store %arg7[%swap3A_788, %swap3A_789, %swap3A_790], %swap3A_793 {strides = array<i32>} : memref<2x800x64xf32, #tpu.memory_space<vmem>>, vector<1x1x16xf32>,
        %get3A_794 = arith.constant 1 : i32
        %get3A_795 = arith.index_cast %get3A_794 : i32 to index
        %get3A_796 = arith.index_cast %add3A_745 : i32 to index
        %get3A_797 = arith.constant 48 : index
        %get3A_798 = tpu.vector_load %arg7[%get3A_795, %get3A_796, %get3A_797] {strides = array<i32>} : memref<2x800x64xf32, #tpu.memory_space<vmem>>, vector<1x1x16xf32>,
        %get3A_799 = vector.shape_cast %get3A_798 : vector<1x1x16xf32> to vector<16xf32>
        %mul3A_800 = arith.constant 8.000000e+00 : f32
        %mul3A_801 = vector.broadcast %mul3A_800 : f32 to vector<16xf32>
        %mul3A_802 = arith.mulf %get3A_799, %mul3A_801 : vector<16xf32>
        %swap3A_803 = arith.constant 1 : i32
        %swap3A_804 = arith.index_cast %swap3A_803 : i32 to index
        %swap3A_805 = arith.index_cast %add3A_745 : i32 to index
        %swap3A_806 = arith.constant 48 : index
        %swap3A_807 = tpu.vector_load %arg7[%swap3A_804, %swap3A_805, %swap3A_806] {strides = array<i32>} : memref<2x800x64xf32, #tpu.memory_space<vmem>>, vector<1x1x16xf32>,
        %swap3A_808 = vector.shape_cast %swap3A_807 : vector<1x1x16xf32> to vector<16xf32>
        %swap3A_809 = vector.shape_cast %mul3A_802 : vector<16xf32> to vector<1x1x16xf32>
        tpu.vector_store %arg7[%swap3A_804, %swap3A_805, %swap3A_806], %swap3A_809 {strides = array<i32>} : memref<2x800x64xf32, #tpu.memory_space<vmem>>, vector<1x1x16xf32>,
        %mul3A_810 = arith.constant 8 : i32
        %mul3A_811 = arith.muli %scan3A_471, %mul3A_810 : i32
        %add3A_812 = arith.constant 5 : i32
        %add3A_813 = arith.addi %mul3A_811, %add3A_812 : i32
        %get3A_814 = arith.constant 1 : i32
        %get3A_815 = arith.index_cast %get3A_814 : i32 to index
        %get3A_816 = arith.index_cast %add3A_813 : i32 to index
        %get3A_817 = arith.constant 0 : index
        %get3A_818 = tpu.vector_load %arg7[%get3A_815, %get3A_816, %get3A_817] {strides = array<i32>} : memref<2x800x64xf32, #tpu.memory_space<vmem>>, vector<1x1x16xf32>,
        %get3A_819 = vector.shape_cast %get3A_818 : vector<1x1x16xf32> to vector<16xf32>
        %mul3A_820 = arith.constant 8.000000e+00 : f32
        %mul3A_821 = vector.broadcast %mul3A_820 : f32 to vector<16xf32>
        %mul3A_822 = arith.mulf %get3A_819, %mul3A_821 : vector<16xf32>
        %swap3A_823 = arith.constant 1 : i32
        %swap3A_824 = arith.index_cast %swap3A_823 : i32 to index
        %swap3A_825 = arith.index_cast %add3A_813 : i32 to index
        %swap3A_826 = arith.constant 0 : index
        %swap3A_827 = tpu.vector_load %arg7[%swap3A_824, %swap3A_825, %swap3A_826] {strides = array<i32>} : memref<2x800x64xf32, #tpu.memory_space<vmem>>, vector<1x1x16xf32>,
        %swap3A_828 = vector.shape_cast %swap3A_827 : vector<1x1x16xf32> to vector<16xf32>
        %swap3A_829 = vector.shape_cast %mul3A_822 : vector<16xf32> to vector<1x1x16xf32>
        tpu.vector_store %arg7[%swap3A_824, %swap3A_825, %swap3A_826], %swap3A_829 {strides = array<i32>} : memref<2x800x64xf32, #tpu.memory_space<vmem>>, vector<1x1x16xf32>,
        %get3A_830 = arith.constant 1 : i32
        %get3A_831 = arith.index_cast %get3A_830 : i32 to index
        %get3A_832 = arith.index_cast %add3A_813 : i32 to index
        %get3A_833 = arith.constant 16 : index
        %get3A_834 = tpu.vector_load %arg7[%get3A_831, %get3A_832, %get3A_833] {strides = array<i32>} : memref<2x800x64xf32, #tpu.memory_space<vmem>>, vector<1x1x16xf32>,
        %get3A_835 = vector.shape_cast %get3A_834 : vector<1x1x16xf32> to vector<16xf32>
        %mul3A_836 = arith.constant 8.000000e+00 : f32
        %mul3A_837 = vector.broadcast %mul3A_836 : f32 to vector<16xf32>
        %mul3A_838 = arith.mulf %get3A_835, %mul3A_837 : vector<16xf32>
        %swap3A_839 = arith.constant 1 : i32
        %swap3A_840 = arith.index_cast %swap3A_839 : i32 to index
        %swap3A_841 = arith.index_cast %add3A_813 : i32 to index
        %swap3A_842 = arith.constant 16 : index
        %swap3A_843 = tpu.vector_load %arg7[%swap3A_840, %swap3A_841, %swap3A_842] {strides = array<i32>} : memref<2x800x64xf32, #tpu.memory_space<vmem>>, vector<1x1x16xf32>,
        %swap3A_844 = vector.shape_cast %swap3A_843 : vector<1x1x16xf32> to vector<16xf32>
        %swap3A_845 = vector.shape_cast %mul3A_838 : vector<16xf32> to vector<1x1x16xf32>
        tpu.vector_store %arg7[%swap3A_840, %swap3A_841, %swap3A_842], %swap3A_845 {strides = array<i32>} : memref<2x800x64xf32, #tpu.memory_space<vmem>>, vector<1x1x16xf32>,
        %get3A_846 = arith.constant 1 : i32
        %get3A_847 = arith.index_cast %get3A_846 : i32 to index
        %get3A_848 = arith.index_cast %add3A_813 : i32 to index
        %get3A_849 = arith.constant 32 : index
        %get3A_850 = tpu.vector_load %arg7[%get3A_847, %get3A_848, %get3A_849] {strides = array<i32>} : memref<2x800x64xf32, #tpu.memory_space<vmem>>, vector<1x1x16xf32>,
        %get3A_851 = vector.shape_cast %get3A_850 : vector<1x1x16xf32> to vector<16xf32>
        %mul3A_852 = arith.constant 8.000000e+00 : f32
        %mul3A_853 = vector.broadcast %mul3A_852 : f32 to vector<16xf32>
        %mul3A_854 = arith.mulf %get3A_851, %mul3A_853 : vector<16xf32>
        %swap3A_855 = arith.constant 1 : i32
        %swap3A_856 = arith.index_cast %swap3A_855 : i32 to index
        %swap3A_857 = arith.index_cast %add3A_813 : i32 to index
        %swap3A_858 = arith.constant 32 : index
        %swap3A_859 = tpu.vector_load %arg7[%swap3A_856, %swap3A_857, %swap3A_858] {strides = array<i32>} : memref<2x800x64xf32, #tpu.memory_space<vmem>>, vector<1x1x16xf32>,
        %swap3A_860 = vector.shape_cast %swap3A_859 : vector<1x1x16xf32> to vector<16xf32>
        %swap3A_861 = vector.shape_cast %mul3A_854 : vector<16xf32> to vector<1x1x16xf32>
        tpu.vector_store %arg7[%swap3A_856, %swap3A_857, %swap3A_858], %swap3A_861 {strides = array<i32>} : memref<2x800x64xf32, #tpu.memory_space<vmem>>, vector<1x1x16xf32>,
        %get3A_862 = arith.constant 1 : i32
        %get3A_863 = arith.index_cast %get3A_862 : i32 to index
        %get3A_864 = arith.index_cast %add3A_813 : i32 to index
        %get3A_865 = arith.constant 48 : index
        %get3A_866 = tpu.vector_load %arg7[%get3A_863, %get3A_864, %get3A_865] {strides = array<i32>} : memref<2x800x64xf32, #tpu.memory_space<vmem>>, vector<1x1x16xf32>,
        %get3A_867 = vector.shape_cast %get3A_866 : vector<1x1x16xf32> to vector<16xf32>
        %mul3A_868 = arith.constant 8.000000e+00 : f32
        %mul3A_869 = vector.broadcast %mul3A_868 : f32 to vector<16xf32>
        %mul3A_870 = arith.mulf %get3A_867, %mul3A_869 : vector<16xf32>
        %swap3A_871 = arith.constant 1 : i32
        %swap3A_872 = arith.index_cast %swap3A_871 : i32 to index
        %swap3A_873 = arith.index_cast %add3A_813 : i32 to index
        %swap3A_874 = arith.constant 48 : index
        %swap3A_875 = tpu.vector_load %arg7[%swap3A_872, %swap3A_873, %swap3A_874] {strides = array<i32>} : memref<2x800x64xf32, #tpu.memory_space<vmem>>, vector<1x1x16xf32>,
        %swap3A_876 = vector.shape_cast %swap3A_875 : vector<1x1x16xf32> to vector<16xf32>
        %swap3A_877 = vector.shape_cast %mul3A_870 : vector<16xf32> to vector<1x1x16xf32>
        tpu.vector_store %arg7[%swap3A_872, %swap3A_873, %swap3A_874], %swap3A_877 {strides = array<i32>} : memref<2x800x64xf32, #tpu.memory_space<vmem>>, vector<1x1x16xf32>,
        %mul3A_878 = arith.constant 8 : i32
        %mul3A_879 = arith.muli %scan3A_471, %mul3A_878 : i32
        %add3A_880 = arith.constant 6 : i32
        %add3A_881 = arith.addi %mul3A_879, %add3A_880 : i32
        %get3A_882 = arith.constant 1 : i32
        %get3A_883 = arith.index_cast %get3A_882 : i32 to index
        %get3A_884 = arith.index_cast %add3A_881 : i32 to index
        %get3A_885 = arith.constant 0 : index
        %get3A_886 = tpu.vector_load %arg7[%get3A_883, %get3A_884, %get3A_885] {strides = array<i32>} : memref<2x800x64xf32, #tpu.memory_space<vmem>>, vector<1x1x16xf32>,
        %get3A_887 = vector.shape_cast %get3A_886 : vector<1x1x16xf32> to vector<16xf32>
        %mul3A_888 = arith.constant 8.000000e+00 : f32
        %mul3A_889 = vector.broadcast %mul3A_888 : f32 to vector<16xf32>
        %mul3A_890 = arith.mulf %get3A_887, %mul3A_889 : vector<16xf32>
        %swap3A_891 = arith.constant 1 : i32
        %swap3A_892 = arith.index_cast %swap3A_891 : i32 to index
        %swap3A_893 = arith.index_cast %add3A_881 : i32 to index
        %swap3A_894 = arith.constant 0 : index
        %swap3A_895 = tpu.vector_load %arg7[%swap3A_892, %swap3A_893, %swap3A_894] {strides = array<i32>} : memref<2x800x64xf32, #tpu.memory_space<vmem>>, vector<1x1x16xf32>,
        %swap3A_896 = vector.shape_cast %swap3A_895 : vector<1x1x16xf32> to vector<16xf32>
        %swap3A_897 = vector.shape_cast %mul3A_890 : vector<16xf32> to vector<1x1x16xf32>
        tpu.vector_store %arg7[%swap3A_892, %swap3A_893, %swap3A_894], %swap3A_897 {strides = array<i32>} : memref<2x800x64xf32, #tpu.memory_space<vmem>>, vector<1x1x16xf32>,
        %get3A_898 = arith.constant 1 : i32
        %get3A_899 = arith.index_cast %get3A_898 : i32 to index
        %get3A_900 = arith.index_cast %add3A_881 : i32 to index
        %get3A_901 = arith.constant 16 : index
        %get3A_902 = tpu.vector_load %arg7[%get3A_899, %get3A_900, %get3A_901] {strides = array<i32>} : memref<2x800x64xf32, #tpu.memory_space<vmem>>, vector<1x1x16xf32>,
        %get3A_903 = vector.shape_cast %get3A_902 : vector<1x1x16xf32> to vector<16xf32>
        %mul3A_904 = arith.constant 8.000000e+00 : f32
        %mul3A_905 = vector.broadcast %mul3A_904 : f32 to vector<16xf32>
        %mul3A_906 = arith.mulf %get3A_903, %mul3A_905 : vector<16xf32>
        %swap3A_907 = arith.constant 1 : i32
        %swap3A_908 = arith.index_cast %swap3A_907 : i32 to index
        %swap3A_909 = arith.index_cast %add3A_881 : i32 to index
        %swap3A_910 = arith.constant 16 : index
        %swap3A_911 = tpu.vector_load %arg7[%swap3A_908, %swap3A_909, %swap3A_910] {strides = array<i32>} : memref<2x800x64xf32, #tpu.memory_space<vmem>>, vector<1x1x16xf32>,
        %swap3A_912 = vector.shape_cast %swap3A_911 : vector<1x1x16xf32> to vector<16xf32>
        %swap3A_913 = vector.shape_cast %mul3A_906 : vector<16xf32> to vector<1x1x16xf32>
        tpu.vector_store %arg7[%swap3A_908, %swap3A_909, %swap3A_910], %swap3A_913 {strides = array<i32>} : memref<2x800x64xf32, #tpu.memory_space<vmem>>, vector<1x1x16xf32>,
        %get3A_914 = arith.constant 1 : i32
        %get3A_915 = arith.index_cast %get3A_914 : i32 to index
        %get3A_916 = arith.index_cast %add3A_881 : i32 to index
        %get3A_917 = arith.constant 32 : index
        %get3A_918 = tpu.vector_load %arg7[%get3A_915, %get3A_916, %get3A_917] {strides = array<i32>} : memref<2x800x64xf32, #tpu.memory_space<vmem>>, vector<1x1x16xf32>,
        %get3A_919 = vector.shape_cast %get3A_918 : vector<1x1x16xf32> to vector<16xf32>
        %mul3A_920 = arith.constant 8.000000e+00 : f32
        %mul3A_921 = vector.broadcast %mul3A_920 : f32 to vector<16xf32>
        %mul3A_922 = arith.mulf %get3A_919, %mul3A_921 : vector<16xf32>
        %swap3A_923 = arith.constant 1 : i32
        %swap3A_924 = arith.index_cast %swap3A_923 : i32 to index
        %swap3A_925 = arith.index_cast %add3A_881 : i32 to index
        %swap3A_926 = arith.constant 32 : index
        %swap3A_927 = tpu.vector_load %arg7[%swap3A_924, %swap3A_925, %swap3A_926] {strides = array<i32>} : memref<2x800x64xf32, #tpu.memory_space<vmem>>, vector<1x1x16xf32>,
        %swap3A_928 = vector.shape_cast %swap3A_927 : vector<1x1x16xf32> to vector<16xf32>
        %swap3A_929 = vector.shape_cast %mul3A_922 : vector<16xf32> to vector<1x1x16xf32>
        tpu.vector_store %arg7[%swap3A_924, %swap3A_925, %swap3A_926], %swap3A_929 {strides = array<i32>} : memref<2x800x64xf32, #tpu.memory_space<vmem>>, vector<1x1x16xf32>,
        %get3A_930 = arith.constant 1 : i32
        %get3A_931 = arith.index_cast %get3A_930 : i32 to index
        %get3A_932 = arith.index_cast %add3A_881 : i32 to index
        %get3A_933 = arith.constant 48 : index
        %get3A_934 = tpu.vector_load %arg7[%get3A_931, %get3A_932, %get3A_933] {strides = array<i32>} : memref<2x800x64xf32, #tpu.memory_space<vmem>>, vector<1x1x16xf32>,
        %get3A_935 = vector.shape_cast %get3A_934 : vector<1x1x16xf32> to vector<16xf32>
        %mul3A_936 = arith.constant 8.000000e+00 : f32
        %mul3A_937 = vector.broadcast %mul3A_936 : f32 to vector<16xf32>
        %mul3A_938 = arith.mulf %get3A_935, %mul3A_937 : vector<16xf32>
        %swap3A_939 = arith.constant 1 : i32
        %swap3A_940 = arith.index_cast %swap3A_939 : i32 to index
        %swap3A_941 = arith.index_cast %add3A_881 : i32 to index
        %swap3A_942 = arith.constant 48 : index
        %swap3A_943 = tpu.vector_load %arg7[%swap3A_940, %swap3A_941, %swap3A_942] {strides = array<i32>} : memref<2x800x64xf32, #tpu.memory_space<vmem>>, vector<1x1x16xf32>,
        %swap3A_944 = vector.shape_cast %swap3A_943 : vector<1x1x16xf32> to vector<16xf32>
        %swap3A_945 = vector.shape_cast %mul3A_938 : vector<16xf32> to vector<1x1x16xf32>
        tpu.vector_store %arg7[%swap3A_940, %swap3A_941, %swap3A_942], %swap3A_945 {strides = array<i32>} : memref<2x800x64xf32, #tpu.memory_space<vmem>>, vector<1x1x16xf32>,
        %mul3A_946 = arith.constant 8 : i32
        %mul3A_947 = arith.muli %scan3A_471, %mul3A_946 : i32
        %add3A_948 = arith.constant 7 : i32
        %add3A_949 = arith.addi %mul3A_947, %add3A_948 : i32
        %get3A_950 = arith.constant 1 : i32
        %get3A_951 = arith.index_cast %get3A_950 : i32 to index
        %get3A_952 = arith.index_cast %add3A_949 : i32 to index
        %get3A_953 = arith.constant 0 : index
        %get3A_954 = tpu.vector_load %arg7[%get3A_951, %get3A_952, %get3A_953] {strides = array<i32>} : memref<2x800x64xf32, #tpu.memory_space<vmem>>, vector<1x1x16xf32>,
        %get3A_955 = vector.shape_cast %get3A_954 : vector<1x1x16xf32> to vector<16xf32>
        %mul3A_956 = arith.constant 8.000000e+00 : f32
        %mul3A_957 = vector.broadcast %mul3A_956 : f32 to vector<16xf32>
        %mul3A_958 = arith.mulf %get3A_955, %mul3A_957 : vector<16xf32>
        %swap3A_959 = arith.constant 1 : i32
        %swap3A_960 = arith.index_cast %swap3A_959 : i32 to index
        %swap3A_961 = arith.index_cast %add3A_949 : i32 to index
        %swap3A_962 = arith.constant 0 : index
        %swap3A_963 = tpu.vector_load %arg7[%swap3A_960, %swap3A_961, %swap3A_962] {strides = array<i32>} : memref<2x800x64xf32, #tpu.memory_space<vmem>>, vector<1x1x16xf32>,
        %swap3A_964 = vector.shape_cast %swap3A_963 : vector<1x1x16xf32> to vector<16xf32>
        %swap3A_965 = vector.shape_cast %mul3A_958 : vector<16xf32> to vector<1x1x16xf32>
        tpu.vector_store %arg7[%swap3A_960, %swap3A_961, %swap3A_962], %swap3A_965 {strides = array<i32>} : memref<2x800x64xf32, #tpu.memory_space<vmem>>, vector<1x1x16xf32>,
        %get3A_966 = arith.constant 1 : i32
        %get3A_967 = arith.index_cast %get3A_966 : i32 to index
        %get3A_968 = arith.index_cast %add3A_949 : i32 to index
        %get3A_969 = arith.constant 16 : index
        %get3A_970 = tpu.vector_load %arg7[%get3A_967, %get3A_968, %get3A_969] {strides = array<i32>} : memref<2x800x64xf32, #tpu.memory_space<vmem>>, vector<1x1x16xf32>,
        %get3A_971 = vector.shape_cast %get3A_970 : vector<1x1x16xf32> to vector<16xf32>
        %mul3A_972 = arith.constant 8.000000e+00 : f32
        %mul3A_973 = vector.broadcast %mul3A_972 : f32 to vector<16xf32>
        %mul3A_974 = arith.mulf %get3A_971, %mul3A_973 : vector<16xf32>
        %swap3A_975 = arith.constant 1 : i32
        %swap3A_976 = arith.index_cast %swap3A_975 : i32 to index
        %swap3A_977 = arith.index_cast %add3A_949 : i32 to index
        %swap3A_978 = arith.constant 16 : index
        %swap3A_979 = tpu.vector_load %arg7[%swap3A_976, %swap3A_977, %swap3A_978] {strides = array<i32>} : memref<2x800x64xf32, #tpu.memory_space<vmem>>, vector<1x1x16xf32>,
        %swap3A_980 = vector.shape_cast %swap3A_979 : vector<1x1x16xf32> to vector<16xf32>
        %swap3A_981 = vector.shape_cast %mul3A_974 : vector<16xf32> to vector<1x1x16xf32>
        tpu.vector_store %arg7[%swap3A_976, %swap3A_977, %swap3A_978], %swap3A_981 {strides = array<i32>} : memref<2x800x64xf32, #tpu.memory_space<vmem>>, vector<1x1x16xf32>,
        %get3A_982 = arith.constant 1 : i32
        %get3A_983 = arith.index_cast %get3A_982 : i32 to index
        %get3A_984 = arith.index_cast %add3A_949 : i32 to index
        %get3A_985 = arith.constant 32 : index
        %get3A_986 = tpu.vector_load %arg7[%get3A_983, %get3A_984, %get3A_985] {strides = array<i32>} : memref<2x800x64xf32, #tpu.memory_space<vmem>>, vector<1x1x16xf32>,
        %get3A_987 = vector.shape_cast %get3A_986 : vector<1x1x16xf32> to vector<16xf32>
        %mul3A_988 = arith.constant 8.000000e+00 : f32
        %mul3A_989 = vector.broadcast %mul3A_988 : f32 to vector<16xf32>
        %mul3A_990 = arith.mulf %get3A_987, %mul3A_989 : vector<16xf32>
        %swap3A_991 = arith.constant 1 : i32
        %swap3A_992 = arith.index_cast %swap3A_991 : i32 to index
        %swap3A_993 = arith.index_cast %add3A_949 : i32 to index
        %swap3A_994 = arith.constant 32 : index
        %swap3A_995 = tpu.vector_load %arg7[%swap3A_992, %swap3A_993, %swap3A_994] {strides = array<i32>} : memref<2x800x64xf32, #tpu.memory_space<vmem>>, vector<1x1x16xf32>,
        %swap3A_996 = vector.shape_cast %swap3A_995 : vector<1x1x16xf32> to vector<16xf32>
        %swap3A_997 = vector.shape_cast %mul3A_990 : vector<16xf32> to vector<1x1x16xf32>
        tpu.vector_store %arg7[%swap3A_992, %swap3A_993, %swap3A_994], %swap3A_997 {strides = array<i32>} : memref<2x800x64xf32, #tpu.memory_space<vmem>>, vector<1x1x16xf32>,
        %get3A_998 = arith.constant 1 : i32
        %get3A_999 = arith.index_cast %get3A_998 : i32 to index
        %get3A_1000 = arith.index_cast %add3A_949 : i32 to index
        %get3A_1001 = arith.constant 48 : index
        %get3A_1002 = tpu.vector_load %arg7[%get3A_999, %get3A_1000, %get3A_1001] {strides = array<i32>} : memref<2x800x64xf32, #tpu.memory_space<vmem>>, vector<1x1x16xf32>,
        %get3A_1003 = vector.shape_cast %get3A_1002 : vector<1x1x16xf32> to vector<16xf32>
        %mul3A_1004 = arith.constant 8.000000e+00 : f32
        %mul3A_1005 = vector.broadcast %mul3A_1004 : f32 to vector<16xf32>
        %mul3A_1006 = arith.mulf %get3A_1003, %mul3A_1005 : vector<16xf32>
        %swap3A_1007 = arith.constant 1 : i32
        %swap3A_1008 = arith.index_cast %swap3A_1007 : i32 to index
        %swap3A_1009 = arith.index_cast %add3A_949 : i32 to index
        %swap3A_1010 = arith.constant 48 : index
        %swap3A_1011 = tpu.vector_load %arg7[%swap3A_1008, %swap3A_1009, %swap3A_1010] {strides = array<i32>} : memref<2x800x64xf32, #tpu.memory_space<vmem>>, vector<1x1x16xf32>,
        %swap3A_1012 = vector.shape_cast %swap3A_1011 : vector<1x1x16xf32> to vector<16xf32>
        %swap3A_1013 = vector.shape_cast %mul3A_1006 : vector<16xf32> to vector<1x1x16xf32>
        tpu.vector_store %arg7[%swap3A_1008, %swap3A_1009, %swap3A_1010], %swap3A_1013 {strides = array<i32>} : memref<2x800x64xf32, #tpu.memory_space<vmem>>, vector<1x1x16xf32>,
      }
      %scan3A_391 = arith.constant 100 : i32
      %mul3A_392 = arith.constant 4 : i32
      %mul3A_393 = arith.muli %add3A_358, %mul3A_392 : i32
      %add3A_394 = arith.addi %mul3A_2, %mul3A_393 : i32
      %add3A_395 = arith.constant 0 : i32
      %add3A_396 = arith.addi %add3A_394, %add3A_395 : i32
      %add3A_397 = arith.constant 1 : i32
      %add3A_398 = arith.addi %add3A_394, %add3A_397 : i32
      %add3A_399 = arith.constant 2 : i32
      %add3A_400 = arith.addi %add3A_394, %add3A_399 : i32
      %add3A_401 = arith.constant 3 : i32
      %add3A_402 = arith.addi %add3A_394, %add3A_401 : i32
      %dma_start3A_403 = arith.constant 1 : i32
      %dma_start3A_404 = arith.constant 0 : i32
      %dma_start3A_405 = arith.constant 0 : i32
      %dma_start3A_406 = tpu.memref_slice %arg7[%dma_start3A_403, %dma_start3A_404, %dma_start3A_405] : memref<2x800x64xf32, #tpu.memory_space<vmem>> -> memref<1x200x64xf32, #tpu.memory_space<vmem>>
      %dma_start3A_407 = tpu.memref_squeeze %dma_start3A_406 : memref<1x200x64xf32, #tpu.memory_space<vmem>> -> memref<200x64xf32, #tpu.memory_space<vmem>>
      %dma_start3A_408 = arith.constant 0 : i32
      %dma_start3A_409 = arith.constant 0 : i32
      %dma_start3A_410 = tpu.memref_slice %arg4[%add3A_396, %dma_start3A_408, %dma_start3A_409] : memref<4096x200x128xf32, #tpu.memory_space<hbm>> -> memref<1x200x64xf32, #tpu.memory_space<hbm>>
      %dma_start3A_411 = tpu.memref_squeeze %dma_start3A_410 : memref<1x200x64xf32, #tpu.memory_space<hbm>> -> memref<200x64xf32, #tpu.memory_space<hbm>>
      %dma_start3A_412 = arith.constant 0 : i32
      %dma_start3A_413 = arith.constant 0 : i32
      %dma_start3A_414 = tpu.memref_slice %arg4[%add3A_396, %dma_start3A_412, %dma_start3A_413] : memref<4096x200x128xf32, #tpu.memory_space<hbm>> -> memref<1x200x64xf32, #tpu.memory_space<hbm>>
      %dma_start3A_415 = tpu.memref_squeeze %dma_start3A_414 : memref<1x200x64xf32, #tpu.memory_space<hbm>> -> memref<200x64xf32, #tpu.memory_space<hbm>>
      %dma_start3A_416 = arith.constant 0 : i32
      %dma_start3A_417 = arith.constant 0 : i32
      %dma_start3A_418 = tpu.memref_slice %arg7[%dma_start3A_403, %dma_start3A_416, %dma_start3A_417] : memref<2x800x64xf32, #tpu.memory_space<vmem>> -> memref<1x200x64xf32, #tpu.memory_space<vmem>>
      %dma_start3A_419 = tpu.memref_squeeze %dma_start3A_418 : memref<1x200x64xf32, #tpu.memory_space<vmem>> -> memref<200x64xf32, #tpu.memory_space<vmem>>
      tpu.enqueue_dma source(%dma_start3A_419 : memref<200x64xf32, #tpu.memory_space<vmem>>) target(%dma_start3A_415 : memref<200x64xf32, #tpu.memory_space<hbm>>) target_semaphore(%arg13 : memref<!tpu.dma_semaphore, #tpu.memory_space<semaphore_mem>>)
      %dma_start3A_420 = arith.constant 1 : i32
      %dma_start3A_421 = arith.constant 200 : i32
      %dma_start3A_422 = arith.constant 0 : i32
      %dma_start3A_423 = tpu.memref_slice %arg7[%dma_start3A_420, %dma_start3A_421, %dma_start3A_422] : memref<2x800x64xf32, #tpu.memory_space<vmem>> -> memref<1x200x64xf32, #tpu.memory_space<vmem>>
      %dma_start3A_424 = tpu.memref_squeeze %dma_start3A_423 : memref<1x200x64xf32, #tpu.memory_space<vmem>> -> memref<200x64xf32, #tpu.memory_space<vmem>>
      %dma_start3A_425 = arith.constant 0 : i32
      %dma_start3A_426 = arith.constant 0 : i32
      %dma_start3A_427 = tpu.memref_slice %arg4[%add3A_398, %dma_start3A_425, %dma_start3A_426] : memref<4096x200x128xf32, #tpu.memory_space<hbm>> -> memref<1x200x64xf32, #tpu.memory_space<hbm>>
      %dma_start3A_428 = tpu.memref_squeeze %dma_start3A_427 : memref<1x200x64xf32, #tpu.memory_space<hbm>> -> memref<200x64xf32, #tpu.memory_space<hbm>>
      %dma_start3A_429 = arith.constant 0 : i32
      %dma_start3A_430 = arith.constant 0 : i32
      %dma_start3A_431 = tpu.memref_slice %arg4[%add3A_398, %dma_start3A_429, %dma_start3A_430] : memref<4096x200x128xf32, #tpu.memory_space<hbm>> -> memref<1x200x64xf32, #tpu.memory_space<hbm>>
      %dma_start3A_432 = tpu.memref_squeeze %dma_start3A_431 : memref<1x200x64xf32, #tpu.memory_space<hbm>> -> memref<200x64xf32, #tpu.memory_space<hbm>>
      %dma_start3A_433 = arith.constant 200 : i32
      %dma_start3A_434 = arith.constant 0 : i32
      %dma_start3A_435 = tpu.memref_slice %arg7[%dma_start3A_420, %dma_start3A_433, %dma_start3A_434] : memref<2x800x64xf32, #tpu.memory_space<vmem>> -> memref<1x200x64xf32, #tpu.memory_space<vmem>>
      %dma_start3A_436 = tpu.memref_squeeze %dma_start3A_435 : memref<1x200x64xf32, #tpu.memory_space<vmem>> -> memref<200x64xf32, #tpu.memory_space<vmem>>
      tpu.enqueue_dma source(%dma_start3A_436 : memref<200x64xf32, #tpu.memory_space<vmem>>) target(%dma_start3A_432 : memref<200x64xf32, #tpu.memory_space<hbm>>) target_semaphore(%arg13 : memref<!tpu.dma_semaphore, #tpu.memory_space<semaphore_mem>>)
      %dma_start3A_437 = arith.constant 1 : i32
      %dma_start3A_438 = arith.constant 400 : i32
      %dma_start3A_439 = arith.constant 0 : i32
      %dma_start3A_440 = tpu.memref_slice %arg7[%dma_start3A_437, %dma_start3A_438, %dma_start3A_439] : memref<2x800x64xf32, #tpu.memory_space<vmem>> -> memref<1x200x64xf32, #tpu.memory_space<vmem>>
      %dma_start3A_441 = tpu.memref_squeeze %dma_start3A_440 : memref<1x200x64xf32, #tpu.memory_space<vmem>> -> memref<200x64xf32, #tpu.memory_space<vmem>>
      %dma_start3A_442 = arith.constant 0 : i32
      %dma_start3A_443 = arith.constant 0 : i32
      %dma_start3A_444 = tpu.memref_slice %arg4[%add3A_400, %dma_start3A_442, %dma_start3A_443] : memref<4096x200x128xf32, #tpu.memory_space<hbm>> -> memref<1x200x64xf32, #tpu.memory_space<hbm>>
      %dma_start3A_445 = tpu.memref_squeeze %dma_start3A_444 : memref<1x200x64xf32, #tpu.memory_space<hbm>> -> memref<200x64xf32, #tpu.memory_space<hbm>>
      %dma_start3A_446 = arith.constant 0 : i32
      %dma_start3A_447 = arith.constant 0 : i32
      %dma_start3A_448 = tpu.memref_slice %arg4[%add3A_400, %dma_start3A_446, %dma_start3A_447] : memref<4096x200x128xf32, #tpu.memory_space<hbm>> -> memref<1x200x64xf32, #tpu.memory_space<hbm>>
      %dma_start3A_449 = tpu.memref_squeeze %dma_start3A_448 : memref<1x200x64xf32, #tpu.memory_space<hbm>> -> memref<200x64xf32, #tpu.memory_space<hbm>>
      %dma_start3A_450 = arith.constant 400 : i32
      %dma_start3A_451 = arith.constant 0 : i32
      %dma_start3A_452 = tpu.memref_slice %arg7[%dma_start3A_437, %dma_start3A_450, %dma_start3A_451] : memref<2x800x64xf32, #tpu.memory_space<vmem>> -> memref<1x200x64xf32, #tpu.memory_space<vmem>>
      %dma_start3A_453 = tpu.memref_squeeze %dma_start3A_452 : memref<1x200x64xf32, #tpu.memory_space<vmem>> -> memref<200x64xf32, #tpu.memory_space<vmem>>
      tpu.enqueue_dma source(%dma_start3A_453 : memref<200x64xf32, #tpu.memory_space<vmem>>) target(%dma_start3A_449 : memref<200x64xf32, #tpu.memory_space<hbm>>) target_semaphore(%arg13 : memref<!tpu.dma_semaphore, #tpu.memory_space<semaphore_mem>>)
      %dma_start3A_454 = arith.constant 1 : i32
      %dma_start3A_455 = arith.constant 600 : i32
      %dma_start3A_456 = arith.constant 0 : i32
      %dma_start3A_457 = tpu.memref_slice %arg7[%dma_start3A_454, %dma_start3A_455, %dma_start3A_456] : memref<2x800x64xf32, #tpu.memory_space<vmem>> -> memref<1x200x64xf32, #tpu.memory_space<vmem>>
      %dma_start3A_458 = tpu.memref_squeeze %dma_start3A_457 : memref<1x200x64xf32, #tpu.memory_space<vmem>> -> memref<200x64xf32, #tpu.memory_space<vmem>>
      %dma_start3A_459 = arith.constant 0 : i32
      %dma_start3A_460 = arith.constant 0 : i32
      %dma_start3A_461 = tpu.memref_slice %arg4[%add3A_402, %dma_start3A_459, %dma_start3A_460] : memref<4096x200x128xf32, #tpu.memory_space<hbm>> -> memref<1x200x64xf32, #tpu.memory_space<hbm>>
      %dma_start3A_462 = tpu.memref_squeeze %dma_start3A_461 : memref<1x200x64xf32, #tpu.memory_space<hbm>> -> memref<200x64xf32, #tpu.memory_space<hbm>>
      %dma_start3A_463 = arith.constant 0 : i32
      %dma_start3A_464 = arith.constant 0 : i32
      %dma_start3A_465 = tpu.memref_slice %arg4[%add3A_402, %dma_start3A_463, %dma_start3A_464] : memref<4096x200x128xf32, #tpu.memory_space<hbm>> -> memref<1x200x64xf32, #tpu.memory_space<hbm>>
      %dma_start3A_466 = tpu.memref_squeeze %dma_start3A_465 : memref<1x200x64xf32, #tpu.memory_space<hbm>> -> memref<200x64xf32, #tpu.memory_space<hbm>>
      %dma_start3A_467 = arith.constant 600 : i32
      %dma_start3A_468 = arith.constant 0 : i32
      %dma_start3A_469 = tpu.memref_slice %arg7[%dma_start3A_454, %dma_start3A_467, %dma_start3A_468] : memref<2x800x64xf32, #tpu.memory_space<vmem>> -> memref<1x200x64xf32, #tpu.memory_space<vmem>>
      %dma_start3A_470 = tpu.memref_squeeze %dma_start3A_469 : memref<1x200x64xf32, #tpu.memory_space<vmem>> -> memref<200x64xf32, #tpu.memory_space<vmem>>
      tpu.enqueue_dma source(%dma_start3A_470 : memref<200x64xf32, #tpu.memory_space<vmem>>) target(%dma_start3A_466 : memref<200x64xf32, #tpu.memory_space<hbm>>) target_semaphore(%arg13 : memref<!tpu.dma_semaphore, #tpu.memory_space<semaphore_mem>>)
    }
    %scan3A_163 = arith.constant 16 : i32
    %add3A_164 = arith.constant 124 : i32
    %add3A_165 = arith.addi %mul3A_2, %add3A_164 : i32
    %add3A_166 = arith.constant 0 : i32
    %add3A_167 = arith.addi %add3A_165, %add3A_166 : i32
    %add3A_168 = arith.constant 1 : i32
    %add3A_169 = arith.addi %add3A_165, %add3A_168 : i32
    %add3A_170 = arith.constant 2 : i32
    %add3A_171 = arith.addi %add3A_165, %add3A_170 : i32
    %add3A_172 = arith.constant 3 : i32
    %add3A_173 = arith.addi %add3A_165, %add3A_172 : i32
    %dma_wait3A_174 = arith.constant 1 : i32
    %dma_wait3A_175 = arith.constant 0 : i32
    %dma_wait3A_176 = arith.constant 0 : i32
    %dma_wait3A_177 = tpu.memref_slice %arg7[%dma_wait3A_174, %dma_wait3A_175, %dma_wait3A_176] : memref<2x800x64xf32, #tpu.memory_space<vmem>> -> memref<1x200x64xf32, #tpu.memory_space<vmem>>
    %dma_wait3A_178 = tpu.memref_squeeze %dma_wait3A_177 : memref<1x200x64xf32, #tpu.memory_space<vmem>> -> memref<200x64xf32, #tpu.memory_space<vmem>>
    %dma_wait3A_179 = arith.constant 0 : i32
    %dma_wait3A_180 = arith.constant 0 : i32
    %dma_wait3A_181 = tpu.memref_slice %arg4[%add3A_167, %dma_wait3A_179, %dma_wait3A_180] : memref<4096x200x128xf32, #tpu.memory_space<hbm>> -> memref<1x200x64xf32, #tpu.memory_space<hbm>>
    %dma_wait3A_182 = tpu.memref_squeeze %dma_wait3A_181 : memref<1x200x64xf32, #tpu.memory_space<hbm>> -> memref<200x64xf32, #tpu.memory_space<hbm>>
    %dma_wait3A_183 = arith.constant 0 : i32
    %dma_wait3A_184 = arith.constant 0 : i32
    %dma_wait3A_185 = tpu.memref_slice %arg4[%add3A_167, %dma_wait3A_183, %dma_wait3A_184] : memref<4096x200x128xf32, #tpu.memory_space<hbm>> -> memref<1x200x64xf32, #tpu.memory_space<hbm>>
    %dma_wait3A_186 = tpu.memref_squeeze %dma_wait3A_185 : memref<1x200x64xf32, #tpu.memory_space<hbm>> -> memref<200x64xf32, #tpu.memory_space<hbm>>
    %dma_wait3A_187 = arith.constant 0 : i32
    %dma_wait3A_188 = arith.constant 0 : i32
    %dma_wait3A_189 = tpu.memref_slice %arg7[%dma_wait3A_174, %dma_wait3A_187, %dma_wait3A_188] : memref<2x800x64xf32, #tpu.memory_space<vmem>> -> memref<1x200x64xf32, #tpu.memory_space<vmem>>
    %dma_wait3A_190 = tpu.memref_squeeze %dma_wait3A_189 : memref<1x200x64xf32, #tpu.memory_space<vmem>> -> memref<200x64xf32, #tpu.memory_space<vmem>>
    tpu.wait_dma2 semaphore(%arg13 : memref<!tpu.dma_semaphore, #tpu.memory_space<semaphore_mem>>) src(%dma_wait3A_190 : memref<200x64xf32, #tpu.memory_space<vmem>>) dst(%dma_wait3A_186 : memref<200x64xf32, #tpu.memory_space<hbm>>)
    %dma_wait3A_191 = arith.constant 1 : i32
    %dma_wait3A_192 = arith.constant 200 : i32
    %dma_wait3A_193 = arith.constant 0 : i32
    %dma_wait3A_194 = tpu.memref_slice %arg7[%dma_wait3A_191, %dma_wait3A_192, %dma_wait3A_193] : memref<2x800x64xf32, #tpu.memory_space<vmem>> -> memref<1x200x64xf32, #tpu.memory_space<vmem>>
    %dma_wait3A_195 = tpu.memref_squeeze %dma_wait3A_194 : memref<1x200x64xf32, #tpu.memory_space<vmem>> -> memref<200x64xf32, #tpu.memory_space<vmem>>
    %dma_wait3A_196 = arith.constant 0 : i32
    %dma_wait3A_197 = arith.constant 0 : i32
    %dma_wait3A_198 = tpu.memref_slice %arg4[%add3A_169, %dma_wait3A_196, %dma_wait3A_197] : memref<4096x200x128xf32, #tpu.memory_space<hbm>> -> memref<1x200x64xf32, #tpu.memory_space<hbm>>
    %dma_wait3A_199 = tpu.memref_squeeze %dma_wait3A_198 : memref<1x200x64xf32, #tpu.memory_space<hbm>> -> memref<200x64xf32, #tpu.memory_space<hbm>>
    %dma_wait3A_200 = arith.constant 0 : i32
    %dma_wait3A_201 = arith.constant 0 : i32
    %dma_wait3A_202 = tpu.memref_slice %arg4[%add3A_169, %dma_wait3A_200, %dma_wait3A_201] : memref<4096x200x128xf32, #tpu.memory_space<hbm>> -> memref<1x200x64xf32, #tpu.memory_space<hbm>>
    %dma_wait3A_203 = tpu.memref_squeeze %dma_wait3A_202 : memref<1x200x64xf32, #tpu.memory_space<hbm>> -> memref<200x64xf32, #tpu.memory_space<hbm>>
    %dma_wait3A_204 = arith.constant 200 : i32
    %dma_wait3A_205 = arith.constant 0 : i32
    %dma_wait3A_206 = tpu.memref_slice %arg7[%dma_wait3A_191, %dma_wait3A_204, %dma_wait3A_205] : memref<2x800x64xf32, #tpu.memory_space<vmem>> -> memref<1x200x64xf32, #tpu.memory_space<vmem>>
    %dma_wait3A_207 = tpu.memref_squeeze %dma_wait3A_206 : memref<1x200x64xf32, #tpu.memory_space<vmem>> -> memref<200x64xf32, #tpu.memory_space<vmem>>
    tpu.wait_dma2 semaphore(%arg13 : memref<!tpu.dma_semaphore, #tpu.memory_space<semaphore_mem>>) src(%dma_wait3A_207 : memref<200x64xf32, #tpu.memory_space<vmem>>) dst(%dma_wait3A_203 : memref<200x64xf32, #tpu.memory_space<hbm>>)
    %dma_wait3A_208 = arith.constant 1 : i32
    %dma_wait3A_209 = arith.constant 400 : i32
    %dma_wait3A_210 = arith.constant 0 : i32
    %dma_wait3A_211 = tpu.memref_slice %arg7[%dma_wait3A_208, %dma_wait3A_209, %dma_wait3A_210] : memref<2x800x64xf32, #tpu.memory_space<vmem>> -> memref<1x200x64xf32, #tpu.memory_space<vmem>>
    %dma_wait3A_212 = tpu.memref_squeeze %dma_wait3A_211 : memref<1x200x64xf32, #tpu.memory_space<vmem>> -> memref<200x64xf32, #tpu.memory_space<vmem>>
    %dma_wait3A_213 = arith.constant 0 : i32
    %dma_wait3A_214 = arith.constant 0 : i32
    %dma_wait3A_215 = tpu.memref_slice %arg4[%add3A_171, %dma_wait3A_213, %dma_wait3A_214] : memref<4096x200x128xf32, #tpu.memory_space<hbm>> -> memref<1x200x64xf32, #tpu.memory_space<hbm>>
    %dma_wait3A_216 = tpu.memref_squeeze %dma_wait3A_215 : memref<1x200x64xf32, #tpu.memory_space<hbm>> -> memref<200x64xf32, #tpu.memory_space<hbm>>
    %dma_wait3A_217 = arith.constant 0 : i32
    %dma_wait3A_218 = arith.constant 0 : i32
    %dma_wait3A_219 = tpu.memref_slice %arg4[%add3A_171, %dma_wait3A_217, %dma_wait3A_218] : memref<4096x200x128xf32, #tpu.memory_space<hbm>> -> memref<1x200x64xf32, #tpu.memory_space<hbm>>
    %dma_wait3A_220 = tpu.memref_squeeze %dma_wait3A_219 : memref<1x200x64xf32, #tpu.memory_space<hbm>> -> memref<200x64xf32, #tpu.memory_space<hbm>>
    %dma_wait3A_221 = arith.constant 400 : i32
    %dma_wait3A_222 = arith.constant 0 : i32
    %dma_wait3A_223 = tpu.memref_slice %arg7[%dma_wait3A_208, %dma_wait3A_221, %dma_wait3A_222] : memref<2x800x64xf32, #tpu.memory_space<vmem>> -> memref<1x200x64xf32, #tpu.memory_space<vmem>>
    %dma_wait3A_224 = tpu.memref_squeeze %dma_wait3A_223 : memref<1x200x64xf32, #tpu.memory_space<vmem>> -> memref<200x64xf32, #tpu.memory_space<vmem>>
    tpu.wait_dma2 semaphore(%arg13 : memref<!tpu.dma_semaphore, #tpu.memory_space<semaphore_mem>>) src(%dma_wait3A_224 : memref<200x64xf32, #tpu.memory_space<vmem>>) dst(%dma_wait3A_220 : memref<200x64xf32, #tpu.memory_space<hbm>>)
    %dma_wait3A_225 = arith.constant 1 : i32
    %dma_wait3A_226 = arith.constant 600 : i32
    %dma_wait3A_227 = arith.constant 0 : i32
    %dma_wait3A_228 = tpu.memref_slice %arg7[%dma_wait3A_225, %dma_wait3A_226, %dma_wait3A_227] : memref<2x800x64xf32, #tpu.memory_space<vmem>> -> memref<1x200x64xf32, #tpu.memory_space<vmem>>
    %dma_wait3A_229 = tpu.memref_squeeze %dma_wait3A_228 : memref<1x200x64xf32, #tpu.memory_space<vmem>> -> memref<200x64xf32, #tpu.memory_space<vmem>>
    %dma_wait3A_230 = arith.constant 0 : i32
    %dma_wait3A_231 = arith.constant 0 : i32
    %dma_wait3A_232 = tpu.memref_slice %arg4[%add3A_173, %dma_wait3A_230, %dma_wait3A_231] : memref<4096x200x128xf32, #tpu.memory_space<hbm>> -> memref<1x200x64xf32, #tpu.memory_space<hbm>>
    %dma_wait3A_233 = tpu.memref_squeeze %dma_wait3A_232 : memref<1x200x64xf32, #tpu.memory_space<hbm>> -> memref<200x64xf32, #tpu.memory_space<hbm>>
    %dma_wait3A_234 = arith.constant 0 : i32
    %dma_wait3A_235 = arith.constant 0 : i32
    %dma_wait3A_236 = tpu.memref_slice %arg4[%add3A_173, %dma_wait3A_234, %dma_wait3A_235] : memref<4096x200x128xf32, #tpu.memory_space<hbm>> -> memref<1x200x64xf32, #tpu.memory_space<hbm>>
    %dma_wait3A_237 = tpu.memref_squeeze %dma_wait3A_236 : memref<1x200x64xf32, #tpu.memory_space<hbm>> -> memref<200x64xf32, #tpu.memory_space<hbm>>
    %dma_wait3A_238 = arith.constant 600 : i32
    %dma_wait3A_239 = arith.constant 0 : i32
    %dma_wait3A_240 = tpu.memref_slice %arg7[%dma_wait3A_225, %dma_wait3A_238, %dma_wait3A_239] : memref<2x800x64xf32, #tpu.memory_space<vmem>> -> memref<1x200x64xf32, #tpu.memory_space<vmem>>
    %dma_wait3A_241 = tpu.memref_squeeze %dma_wait3A_240 : memref<1x200x64xf32, #tpu.memory_space<vmem>> -> memref<200x64xf32, #tpu.memory_space<vmem>>
    tpu.wait_dma2 semaphore(%arg13 : memref<!tpu.dma_semaphore, #tpu.memory_space<semaphore_mem>>) src(%dma_wait3A_241 : memref<200x64xf32, #tpu.memory_space<vmem>>) dst(%dma_wait3A_237 : memref<200x64xf32, #tpu.memory_space<hbm>>)
    return
  }
}

</mosaic_0001>

<sc_bundles>
// kernel: kernel.3.cloned.1.call-start
scs
__scs_entry_jumppad:
0x0: {  	(pc) =	sbr.rel $0x88, $3  }
0x1: {  	(tag) =	ssettag $0x0;
	lr =	simm.s32 $0x1  }
0x2: {  	[smem:$0x3F9F] =	sst lr;
	_ =	strace $0xD0000000  }
0x3: {  	_ = 	snop  }
0x4: {  	_ = 	snop  }
0x5: {  	_ = 	snop  }
0x6: {  	_ = 	snop  }
0x7: {  	_ = 	snop  }
__scs_overlays_trampoline_lowered:
0x8: {  	[smem:$0x3FAE] =	sst s0  }
0x9: {  	[smem:$0x3FAF] =	sst s1  }
0xa: {  	[smem:$0x3FB0] =	sst s2  }
0xb: {  	[smem:$0x3FB1] =	sst s3  }
0xc: {  	[smem:$0x3FB2] =	sst s4  }
0xd: {  	[smem:$0x3FB3] =	sst s5  }
0xe: {  	[smem:$0x3FB4] =	sst s6  }
0xf: {  	[smem:$0x3FB5] =	sst s7  }
0x10: {  	[smem:$0x3FB6] =	sst s8  }
0x11: {  	[smem:$0x3FB7] =	sst s9;
	s0 =	simm.s32 @!p0 $0x0  }
0x12: {  	s1 =	sld [smem:$0x3F9D];
	s0 =	simm.s32 @p0 $0x1  }
0x13: {  	[smem:$0x3FB8] =	sst s0;
	s0 =	simm.s32 @!p1 $0x0  }
0x14: {  	s2 =	sld [smem:$0x3F9C];
	s0 =	simm.s32 @p1 $0x1  }
0x15: {  	[smem:$0x3FB9] =	sst s0;
	s0 =	simm.s32 @!p2 $0x0  }
0x16: {  	s3 =	sld [smem:$0x3FDB];
	s0 =	simm.s32 @p2 $0x1  }
0x17: {  	s4 =	simm.s32 $0x1BF5;
	[smem:$0x3FBB] =	sst s0  }
0x18: {  	s0 =	sld [smem:$0x3F9E];
	_ =	swait.ge [sflag:s4], $0x0  }
0x19: {  	s7 =	sld [smem:$0x3F9F]  }
0x1a: {  	s8 =	sadd.s32 $0xFFFFE003, lr  }
0x1b: {  	s9 =	sadd.s32 $0xFFFFFEF7, lr;
	s5 =	simm.s32 $0xFFFFFFFF;
	p2 =	slt.u32 s8, $0xFFFFF086  }
0x1c: {  	p1 =	slt.u32 s9, $0xF7A;
	s5 =	simm.s32 @!p2 $0x0  }
0x1d: {  	s5 =	simm.s32 @p1 $0x1;
	p0 =	seq.s32 s7, s2  }
0x1e: {  	s7 =	smul.u32 @!p0 $0xF7A, s2;
	p2 =	seq.s32 @!p0 s5, $0x0  }
0x1f: {  	s9 =	smul.u32 $0xF7A, s1;
	s8 =	simm.s32 @!p0 $0x1BF5;
	p2 =	por !p2, p0  }
0x20: {  	[sflag:s8] =	ssyncset.s32 @!p0 $0xFFFFF086;
	s6 =	sadd.s32 @!p0 s3, s7;
	s7 =	simm.s32 @!p0 $0x108  }
0x21: {  	s3 =	sadd.s32 s3, s9;
	s6 =	sadd.s32 @!p0 $0x88, s6;
	s7 =	simm.s32 @p2 $0x1082  }
0x22: {  	[simem:s7], [sflag:s8] =	dma.local @!p0 [hbm:s6], $0xF7A  }
0x23: {  	s9 =	sor.u32 $0xD0000000, s2;
	s6 =	simm.s32 $0x108;
	_ =	swait.ge @!p0 [sflag:s8], $0x0  }
0x24: {  	s3 =	sadd.s32 $0x88, s3;
	s6 =	simm.s32 @!p1 $0x1082;
	[sflag:s4] =	ssyncset.s32 $0xFFFFF086  }
0x25: {  	[simem:s6], [sflag:s4] =	dma.local [hbm:s3], $0xF7A  }
0x26: {  	[smem:$0x3F9F] =	sst s1;
	(tag) =	ssettag s2;
	_ =	strace s9  }
0x27: {  	s1 =	sld [smem:$0x3FAF]  }
0x28: {  	s2 =	sld [smem:$0x3FB0]  }
0x29: {  	s4 =	sld [smem:$0x3FB2]  }
0x2a: {  	p0 =	seq.s32 s5, $0x0;
	s5 =	sld [smem:$0x3FB3]  }
0x2b: {  	s6 =	sld [smem:$0x3FB4]  }
0x2c: {  	s7 =	sld [smem:$0x3FB5]  }
0x2d: {  	s3 =	simm.s32 $0x108;
	s8 =	sld [smem:$0x3FB6]  }
0x2e: {  	s3 =	simm.s32 @!p0 $0x1082;
	s9 =	sld [smem:$0x3FB7]  }
0x2f: {  	lr =	sadd.s32 s0, s3;
	s0 =	sld [smem:$0x3FAE]  }
0x30: {  	s3 =	sld [smem:$0x3FB1]  }
0x31: {  	[smem:$0x3FBA] =	sst s10  }
0x32: {  	s10 =	sld [smem:$0x3FB8];
	_ =	sdelay $0x3  }
0x33: {  	p0 =	seq.s32 s10, $0x1;
	s10 =	sld [smem:$0x3FBA];
	_ =	sdelay $0x3  }
0x34: {  	[smem:$0x3FBA] =	sst s10  }
0x35: {  	s10 =	sld [smem:$0x3FB9];
	_ =	sdelay $0x3  }
0x36: {  	p1 =	seq.s32 s10, $0x1;
	s10 =	sld [smem:$0x3FBA];
	_ =	sdelay $0x3  }
0x37: {  	[smem:$0x3FBA] =	sst s10  }
0x38: {  	s10 =	sld [smem:$0x3FBB]  }
0x39: {  	_ = 	snop;
	(pc) =	sbr.ind lr, $3  }
0x3a: {  	_ = 	snop  }
0x3b: {  	_ = 	snop  }
0x3c: {  	p2 =	seq.s32 s10, $0x1;
	s10 =	sld [smem:$0x3FBA]  }
0x3d: {  	_ =	shalt  }
0x3e: {  	_ =	shalt  }
0x3f: {  	_ =	shalt  }
0x40: {  	_ =	shalt  }
0x41: {  	_ =	shalt  }
0x42: {  	_ =	shalt  }
0x43: {  	_ =	shalt  }
0x44: {  	_ =	shalt  }
0x45: {  	_ =	shalt  }
0x46: {  	_ =	shalt  }
0x47: {  	_ =	shalt  }
0x48: {  	_ =	shalt  }
0x49: {  	_ =	shalt  }
0x4a: {  	_ =	shalt  }
0x4b: {  	_ =	shalt  }
0x4c: {  	_ =	shalt  }
0x4d: {  	_ =	shalt  }
0x4e: {  	_ =	shalt  }
0x4f: {  	_ =	shalt  }
0x50: {  	_ =	shalt  }
0x51: {  	_ =	shalt  }
0x52: {  	_ =	shalt  }
0x53: {  	_ =	shalt  }
0x54: {  	_ =	shalt  }
0x55: {  	_ =	shalt  }
0x56: {  	_ =	shalt  }
0x57: {  	_ =	shalt  }
0x58: {  	_ =	shalt  }
0x59: {  	_ =	shalt  }
0x5a: {  	_ =	shalt  }
0x5b: {  	_ =	shalt  }
0x5c: {  	_ =	shalt  }
0x5d: {  	_ =	shalt  }
0x5e: {  	_ =	shalt  }
0x5f: {  	_ =	shalt  }
0x60: {  	_ =	shalt  }
0x61: {  	_ =	shalt  }
0x62: {  	_ =	shalt  }
0x63: {  	_ =	shalt  }
0x64: {  	_ =	shalt  }
0x65: {  	_ =	shalt  }
0x66: {  	_ =	shalt  }
0x67: {  	_ =	shalt  }
0x68: {  	_ =	shalt  }
0x69: {  	_ =	shalt  }
0x6a: {  	_ =	shalt  }
0x6b: {  	_ =	shalt  }
0x6c: {  	_ =	shalt  }
0x6d: {  	_ =	shalt  }
0x6e: {  	_ =	shalt  }
0x6f: {  	_ =	shalt  }
0x70: {  	_ =	shalt  }
0x71: {  	_ =	shalt  }
0x72: {  	_ =	shalt  }
0x73: {  	_ =	shalt  }
0x74: {  	_ =	shalt  }
0x75: {  	_ =	shalt  }
0x76: {  	_ =	shalt  }
0x77: {  	_ =	shalt  }
0x78: {  	_ =	shalt  }
0x79: {  	_ =	shalt  }
0x7a: {  	_ =	shalt  }
0x7b: {  	_ =	shalt  }
0x7c: {  	_ =	shalt  }
0x7d: {  	_ =	shalt  }
0x7e: {  	_ =	shalt  }
0x7f: {  	_ =	shalt  }
0x80: {  	_ =	shalt  }
0x81: {  	_ =	shalt  }
0x82: {  	_ =	shalt  }
0x83: {  	_ =	shalt  }
0x84: {  	_ =	shalt  }
0x85: {  	_ =	shalt  }
0x86: {  	_ =	shalt  }
0x87: {  	_ =	shalt  }
.Lfunc_end0:
.L_simem_size_0:
called_computation.1_lowered:
.L_overlay_start_0:
0x88: {  	s2 =	sld [smem:$0x3FD9]  }
0x89: {  	s3 =	sld [smem:$0x3FFE];
	_ =	sdelay $0x1  }
0x8a: {  	s1 =	srdreg.scid  }
0x8b: {  	s0 =	sand.u32 $0x1, s1  }
0x8c: {  	s17 =	sshll.u32 s0, $0xA;
	s2 =	sadd.s32 s3, s2  }
0x8d: {  	s2 =	sadd.s32 s2, s17  }
0x8e: {  	[smem:$0x3FC6] =	sst s2  }
0x8f: {  	_ = 	snop  }
0x90: {  	s2 =	sld [smem:$0x3FD0];
	(tm) =	ssettm $0x1  }
0x91: {  	s18 =	sld [smem:$0x3FFB];
	_ =	sdelay $0x3  }
0x92: {  	_ =	strace s18  }
0x93: {  	s3 =	sld [smem:$0x3FFC];
	_ =	sdelay $0x3  }
0x94: {  	_ =	strace s3  }
0x95: {  	s3 =	sld [smem:$0x3FFD];
	_ =	sdelay $0x3  }
0x96: {  	_ =	strace s3  }
0x97: {  	_ =	strace $0x8FFFFFFF  }
0x98: {  	s19 =	sld [smem:$0x3FDB];
	_ =	sdelay $0x1  }
0x99: {  	s4 =	simm.s32 $_scs_section_size  }
0x9a: {  	s5 =	simm.s32 $_size__tile_overlayer_lowered;
	s6 =	simm.s32 $_tile_overlayer_lowered  }
0x9b: {  	s22 =	simm.s32 $0x1BFF;
	s21 =	sshll.u32 s6, $0x1;
	s3 =	sadd.s32 s4, s19  }
0x9c: {  	s7 =	simm.s32 $0x0;
	s20 =	sshll.u32 s5, $0x1;
	s5 =	sadd.s32 s21, s3  }
0x9d: {  	[timem:s7], [sflag:s22] =	dma.local [hbm:s5], s20  }
0x9e: {  	_ =	swait.ge [sflag:s22], s20  }
0x9f: {  	s4 =	ssub.s32 $0x0, s20;
	[sflag:s22] =	ssyncset.done $0x0  }
0xa0: {  	[sflag:s22] =	ssyncadd.s32 s4;
	_ =	sdelay $0x1  }
0xa1: {  	s23 =	simm.s32 $0x1B8B  }
0xa2: {  	_ =	swait.ge [sflag:s23], $0x1  }
0xa3: {  	[sflag:s23] =	ssyncset.done $0x0  }
0xa4: {  	s25 =	simm.s32 $0x1B8E;
	s24 =	sld [smem:$0x3FFE];
	[sflag:s23] =	ssyncadd.s32 $0xFFFFFFFF  }
0xa5: {  	s26 =	simm.s32 $execute0_lowered;
	[smem:$0x3FD2] =	sst s25  }
0xa6: {  	s5 =	sshll.u32 s26, $0x1;
	_ =	strace $0x80000046;
	[dreg:$0x1] =	wrdreg $0xFFFFFFFF  }
0xa7: {  	s28 =	simm.s32 $_size_execute0_lowered;
	s3 =	sadd.s32 s3, s5;
	[dreg:$0x0] =	wrdreg $0x0  }
0xa8: {  	s5 =	sshll.u32 s28, $0x1;
	[dreg:$0x2] =	wrdreg s3  }
0xa9: {  	[dreg:$0x3] =	wrdreg s5  }
0xaa: {  	[dreg:$0x4] =	wrdreg $0xC0  }
0xab: {  	_ =	task [dreg:s7], $0x5FFFF  }
0xac: {  	[dreg:$0x1] =	wrdreg $0xFFFFFFFF  }
0xad: {  	[dreg:$0x0] =	wrdreg $0x60  }
0xae: {  	[dreg:$0x2] =	wrdreg s2  }
0xaf: {  	[dreg:$0x3] =	wrdreg s24  }
0xb0: {  	[dreg:$0x4] =	wrdreg $0x9  }
0xb1: {  	_ =	task.clear_ibuf [dreg:s7], $0x5FFFF;
	_ =	strace $0x90000046  }
0xb2: {  	s29 =	simm.s32 $0x9;
	_ =	strace $0x80000048  }
0xb3: {  	_ =	swait.ge [sflag:s29], $0x1  }
0xb4: {  	[sflag:s29] =	ssyncadd.s32 $0xFFFFFFFF  }
0xb5: {  	_ =	strace $0x90000048  }
0xb6: {  	_ =	sfence  }
0xb7: {  	s30 =	sld [smem:$0x0];
	_ =	sdelay $0x2  }
0xb8: {  	s31 =	sshll.u32 s1, $0xD;
	s1 =	sshrl.u32 s1, $0x2  }
0xb9: {  	s3 =	sand.u32 $0x4000, s31;
	s1 =	sadd.s32 s1, s30  }
0xba: {  	s0 =	sor.u32 s3, s0;
	s1 =	sshll.u32 s1, $0x11  }
0xbb: {  	s0 =	sor.u32 s1, s0  }
0xbc: {  	s0 =	sadd.s32 $0x8F2B, s0  }
0xbd: {  	[sflag:s0] =	ssyncadd.remote.s32 $0x1  }
0xbe: {  	_ =	sfence.sel $0xFFFF  }
0xbf: {  	[dreg:$0x0] =	wrdreg $0xFFFFFFFF;
	(pc) =	sbr.abs _section_cstart, $3  }
0xc0: {  	[dreg:$0x1] =	wrdreg $0xFFFFFFFF  }
0xc1: {  	_ =	task.clear_ibuf [dreg:s7], $0x2FFFF;
	_ =	strace $0x9FFFFFFF  }
0xc2: {  	(tm) =	ssettm $0x7FFFFFFF  }
0xc3: {  	_ =	shalt  }
tec
execute0_lowered:
.L_overlay_start_1:
0x0: {  	(tag) =	ssettag $0x1  }
0x1: {  	s0 =	srdreg.scid;
	s2 =	rddreg [dreg:$0x0]  }
0x2: {  	s3 =	stileid.u32;
	s1 =	rddreg [dreg:$0x1];
	s28 =	simm.s32 $0x2  }
0x3: {  	s29 =	simm.s32 $0xCE40;
	s30 =	simm.s32 $0x3;
	s31 =	simm.s32 $0x40  }
0x4: {  	s18 =	simm.s32 $0x6A40;
	s19 =	simm.s32 $0x9C40;
	s0 =	sand.u32 $0x1, s0  }
0x5: {  	s4 =	sshll.u32 s3, $0x8;
	s3 =	simm.s32 $0x0;
	s5 =	sshll.u32 s0, $0x7  }
0x6: {  	s7 =	sadd.s32 $0xA00, s1;
	[smem:$0x7FF] =	sst s3;
	s4 =	sor.u32 s5, s4  }
0x7: {  	s0 =	ssub.s32 $0x2, s0;
	_ =	strace $0x80000047;
	s6 =	smul.u32 $0x19, s4  }
0x8: {  	s5 =	sadd.s32 $0xF42E00, s1;
	s8 =	sshrl.u32 s0, $0x1;
	s9 =	smul.u32 $0xC8, s4  }
0x9: {  	s0 =	ssub.s32 s0, s8;
	s15 =	sor.u32 $0x8, s4;
	s16 =	sor.u32 $0xC, s4  }
0xa: {  	s8 =	simm.s32 $0x6;
	s0 =	smax.u32 s0, $0x1;
	s6 =	sadd.s32 s2, s6  }
0xb: {  	s23 =	sshrl.u32 s9, $0x3;
	s25 =	sadd.s32 $0x578, s9;
	[dreg:$0xb] =	wrdreg s0  }
0xc: {  	s0 =	simm.s32 $0x3840;
	s20 =	sadd.s32 $0x19, s6;
	[dreg:$0x3] =	wrdreg s6  }
0xd: {  	s9 =	simm.s32 $0x0;
	s21 =	sadd.s32 $0x32, s6;
	[dreg:$0x4] =	wrdreg s20  }
0xe: {  	s22 =	sadd.s32 $0x4B, s6;
	s24 =	sadd.s32 $0x64, s6;
	[dreg:$0x5] =	wrdreg s21  }
0xf: {  	s1 =	sadd.s32 s2, s23;
	s6 =	sadd.s32 $0x7D, s6;
	[dreg:$0x6] =	wrdreg s22  }
0x10: {  	s26 =	sshrl.u32 s25, $0x3;
	s23 =	simm.s32 $0x640;
	[dreg:$0x7] =	wrdreg s24  }
0x11: {  	s25 =	simm.s32 $0x13240;
	[dreg:$0x8] =	wrdreg s6;
	s1 =	sadd.s32 $0x96, s1  }
0x12: {  	s21 =	simm.s32 $0x1;
	s22 =	simm.s32 $0x320;
	s20 =	simm.s32 $0x5  }
0x13: {  	s24 =	simm.s32 $0x10040;
	[dreg:$0x9] =	wrdreg s1;
	s1 =	sadd.s32 s2, s26  }
0x14: {  	s26 =	simm.s32 $0x16440;
	[dreg:$0xa] =	wrdreg s1;
	s1 =	simm.s32 $0x80  }
.LBB2_1:
0x15: {  	s6 =	rddreg [dreg:$0x3]  }
0x16: {  	[tilespmem:s3], [sflag:$0x1] =	stream.linear.gather [hbm4b:s6+s3], $0xC8, $0x38;
	[tilespmem:$0x19640] =	vst v63  }
0x17: {  	s17 =	rddreg [dreg:$0x4];
	s10 =	simm.s32 $0xC8  }
0x18: {  	[tilespmem:s10], [sflag:$0x1] =	stream.linear.gather [hbm4b:s17+s3], $0xC8, $0x38;
	[tilespmem:$0x19640] =	vst v63  }
0x19: {  	s11 =	rddreg [dreg:$0x5];
	s12 =	simm.s32 $0x190  }
0x1a: {  	[tilespmem:s12], [sflag:$0x1] =	stream.linear.gather [hbm4b:s11+s3], $0xC8, $0x38;
	[tilespmem:$0x19640] =	vst v63  }
0x1b: {  	s13 =	rddreg [dreg:$0x6];
	s14 =	simm.s32 $0x258  }
0x1c: {  	[tilespmem:s14], [sflag:$0x1] =	stream.linear.gather [hbm4b:s13+s3], $0xC8, $0x38;
	[tilespmem:$0x19640] =	vst v63  }
0x1d: {  	_ =	swait.ge [sflag:s21], $0xC8  }
0x1e: {  	[sflag:s21] =	ssyncset.done $0x0  }
0x1f: {  	[sflag:s21] =	ssyncadd.s32 $0xFFFFFF38  }
0x20: {  	_ =	swait.ge [sflag:s21], $0xC8  }
0x21: {  	[sflag:s21] =	ssyncset.done $0x0  }
0x22: {  	[sflag:s21] =	ssyncadd.s32 $0xFFFFFF38  }
0x23: {  	_ =	swait.ge [sflag:s21], $0xC8  }
0x24: {  	[sflag:s21] =	ssyncset.done $0x0  }
0x25: {  	[sflag:s21] =	ssyncadd.s32 $0xFFFFFF38  }
0x26: {  	_ =	swait.ge [sflag:s21], $0xC8  }
0x27: {  	[sflag:s21] =	ssyncset.done $0x0  }
0x28: {  	[sflag:s21] =	ssyncadd.s32 $0xFFFFFF38  }
0x29: {  	[tilespmem:s23], [sflag:$0x3] =	stream.indirect.gather [hbm4b:s5+s22], $0x40, s3, s22, $0xb8;
	[tilespmem:$0x19640] =	vst v63  }
0x2a: {  	s17 =	rddreg [dreg:$0x7]  }
0x2b: {  	[tilespmem:s22], [sflag:$0x2] =	stream.linear.gather [hbm4b:s17+s3], $0xC8, $0x38;
	[tilespmem:$0x19640] =	vst v63  }
0x2c: {  	s11 =	simm.s32 $0x3E8;
	s10 =	rddreg [dreg:$0x8]  }
0x2d: {  	[tilespmem:s11], [sflag:$0x2] =	stream.linear.gather [hbm4b:s10+s3], $0xC8, $0x38;
	[tilespmem:$0x19640] =	vst v63  }
0x2e: {  	s13 =	simm.s32 $0x4B0;
	s12 =	rddreg [dreg:$0x9]  }
0x2f: {  	[tilespmem:s13], [sflag:$0x2] =	stream.linear.gather [hbm4b:s12+s3], $0xC8, $0x38;
	[tilespmem:$0x19640] =	vst v63  }
0x30: {  	s14 =	rddreg [dreg:$0xa];
	s17 =	simm.s32 $0x578;
	s10 =	simm.s32 $0x0  }
0x31: {  	[tilespmem:s17], [sflag:$0x2] =	stream.linear.gather [hbm4b:s14+s3], $0xC8, $0x38;
	[tilespmem:$0x19640] =	vst v63  }
.LBB2_2:
0x32: {  	p0 =	seq.s32 s10, $0x0  }
0x33: {  	s11 =	simm.s32 @!p0 $0x6  }
0x34: {  	_ =	swait.ge @!p0 [sflag:s11], $0x3200  }
0x35: {  	[sflag:s11] =	ssyncset.done @!p0 $0x0  }
0x36: {  	[sflag:s11] =	ssyncadd.s32 @!p0 $0xFFFFCE00  }
0x37: {  	_ =	swait.ge @!p0 [sflag:s11], $0x3200  }
0x38: {  	[sflag:s11] =	ssyncset.done @!p0 $0x0  }
0x39: {  	[sflag:s11] =	ssyncadd.s32 @!p0 $0xFFFFCE00  }
0x3a: {  	_ =	swait.ge @!p0 [sflag:s11], $0x3200  }
0x3b: {  	[sflag:s11] =	ssyncset.done @!p0 $0x0  }
0x3c: {  	[sflag:s11] =	ssyncadd.s32 @!p0 $0xFFFFCE00  }
0x3d: {  	_ =	swait.ge @!p0 [sflag:s11], $0x3200  }
0x3e: {  	[sflag:s11] =	ssyncset.done @!p0 $0x0  }
0x3f: {  	[sflag:s11] =	ssyncadd.s32 @!p0 $0xFFFFCE00  }
0x40: {  	_ =	swait.ge [sflag:s28], $0xC8  }
0x41: {  	[sflag:s28] =	ssyncset.done $0x0  }
0x42: {  	[sflag:s28] =	ssyncadd.s32 $0xFFFFFF38  }
0x43: {  	_ =	swait.ge [sflag:s28], $0xC8  }
0x44: {  	[sflag:s28] =	ssyncset.done $0x0  }
0x45: {  	[sflag:s28] =	ssyncadd.s32 $0xFFFFFF38  }
0x46: {  	_ =	swait.ge [sflag:s28], $0xC8  }
0x47: {  	[sflag:s28] =	ssyncset.done $0x0  }
0x48: {  	[sflag:s28] =	ssyncadd.s32 $0xFFFFFF38  }
0x49: {  	_ =	swait.ge [sflag:s28], $0xC8  }
0x4a: {  	s12 =	sshll.u32 s10, $0x3;
	p0 =	seq.s32 s10, $0xF;
	[sflag:s28] =	ssyncset.done $0x0  }
0x4b: {  	s11 =	sadd.s32 @!p0 s12, s15;
	[sflag:s28] =	ssyncadd.s32 $0xFFFFFF38  }
0x4c: {  	[tilespmem:s29], [sflag:$0x4] =	stream.indirect.gather [hbm4b:s5+s22], $0x40, s22, s22, $0xb8;
	[tilespmem:$0x19640] =	vst v63  }
0x4d: {  	s13 =	smul.u32 @!p0 $0x19, s11;
	_ =	swait.ge [sflag:s30], $0xC800  }
0x4e: {  	s14 =	simm.s32 @!p0 $0x0;
	[sflag:s30] =	ssyncset.done $0x0  }
0x4f: {  	s11 =	smul.u32 @!p0 $0xC8, s11;
	s13 =	sadd.s32 @!p0 s2, s13;
	[sflag:s30] =	ssyncadd.s32 $0xFFFF3800  }
0x50: {  	[tilespmem:s14], [sflag:$0x1] =	stream.linear.gather @!p0 [hbm4b:s13+s14], $0xC8, $0x38;
	[tilespmem:$0x19640] =	vst v63  }
0x51: {  	s13 =	sadd.s32 @!p0 $0xC8, s11  }
0x52: {  	s13 =	sshrl.u32 @!p0 s13, $0x3  }
0x53: {  	s17 =	simm.s32 @!p0 $0xC8;
	s13 =	sadd.s32 @!p0 s2, s13  }
0x54: {  	[tilespmem:s17], [sflag:$0x1] =	stream.linear.gather @!p0 [hbm4b:s13+s14], $0xC8, $0x38;
	[tilespmem:$0x19640] =	vst v63  }
0x55: {  	s13 =	sshrl.u32 @!p0 s11, $0x3  }
0x56: {  	s11 =	sadd.s32 @!p0 $0x258, s11;
	s13 =	sadd.s32 @!p0 s2, s13  }
0x57: {  	s17 =	simm.s32 @!p0 $0x190;
	s11 =	sshrl.u32 @!p0 s11, $0x3;
	s13 =	sadd.s32 @!p0 $0x32, s13  }
0x58: {  	[tilespmem:s17], [sflag:$0x1] =	stream.linear.gather @!p0 [hbm4b:s13+s14], $0xC8, $0x38;
	[tilespmem:$0x19640] =	vst v63  }
0x59: {  	s11 =	sadd.s32 @!p0 s2, s11;
	s13 =	simm.s32 @!p0 $0x258  }
0x5a: {  	[tilespmem:s13], [sflag:$0x1] =	stream.linear.gather @!p0 [hbm4b:s11+s14], $0xC8, $0x38;
	[tilespmem:$0x19640] =	vst v63  }
0x5b: {  	s13 =	simm.s32 $0x0  }
0x5c: {  	v0 =	vld [tilespmem:s13+$0x640]  }
0x5d: {  	v1 =	vld [tilespmem:s13+$0x650]  }
0x5e: {  	v2 =	vld [tilespmem:s13+$0x660]  }
0x5f: {  	v3 =	vld [tilespmem:s13+$0x670]  }
0x60: {  	v4 =	vld [tilespmem:s13+$0x680]  }
0x61: {  	v5 =	vld [tilespmem:s13+$0x690];
	v0 =	vmul.f32 $8.000000000e+00, v0  }
0x62: {  	v6 =	vld [tilespmem:s13+$0x6A0];
	v1 =	vmul.f32 $8.000000000e+00, v1  }
0x63: {  	v2 =	vmul.f32 $8.000000000e+00, v2;
	[tilespmem:s13+$0x640] =	vst v0;
	v0 =	vld [tilespmem:s13+$0x6B0]  }
0x64: {  	v3 =	vmul.f32 $8.000000000e+00, v3;
	[tilespmem:s13+$0x650] =	vst v1;
	v1 =	vld [tilespmem:s13+$0x6C0]  }
0x65: {  	v4 =	vmul.f32 $8.000000000e+00, v4;
	[tilespmem:s13+$0x660] =	vst v2;
	v2 =	vld [tilespmem:s13+$0x6D0]  }
0x66: {  	v5 =	vmul.f32 $8.000000000e+00, v5;
	[tilespmem:s13+$0x670] =	vst v3;
	v3 =	vld [tilespmem:s13+$0x6E0]  }
0x67: {  	v6 =	vmul.f32 $8.000000000e+00, v6;
	[tilespmem:s13+$0x680] =	vst v4;
	v4 =	vld [tilespmem:s13+$0x6F0]  }
0x68: {  	[tilespmem:s13+$0x690] =	vst v5;
	v5 =	vld [tilespmem:s13+$0x700];
	v0 =	vmul.f32 $8.000000000e+00, v0  }
0x69: {  	[tilespmem:s13+$0x6A0] =	vst v6;
	v6 =	vld [tilespmem:s13+$0x710];
	v1 =	vmul.f32 $8.000000000e+00, v1  }
0x6a: {  	v2 =	vmul.f32 $8.000000000e+00, v2;
	[tilespmem:s13+$0x6B0] =	vst v0;
	v0 =	vld [tilespmem:s13+$0x720]  }
0x6b: {  	v3 =	vmul.f32 $8.000000000e+00, v3;
	[tilespmem:s13+$0x6C0] =	vst v1;
	v1 =	vld [tilespmem:s13+$0x730]  }
0x6c: {  	v4 =	vmul.f32 $8.000000000e+00, v4;
	[tilespmem:s13+$0x6D0] =	vst v2;
	v2 =	vld [tilespmem:s13+$0x740]  }
0x6d: {  	v5 =	vmul.f32 $8.000000000e+00, v5;
	[tilespmem:s13+$0x6E0] =	vst v3;
	v3 =	vld [tilespmem:s13+$0x750]  }
0x6e: {  	v6 =	vmul.f32 $8.000000000e+00, v6;
	[tilespmem:s13+$0x6F0] =	vst v4;
	v4 =	vld [tilespmem:s13+$0x760]  }
0x6f: {  	[tilespmem:s13+$0x700] =	vst v5;
	v5 =	vld [tilespmem:s13+$0x770];
	v0 =	vmul.f32 $8.000000000e+00, v0  }
0x70: {  	[tilespmem:s13+$0x710] =	vst v6;
	v6 =	vld [tilespmem:s13+$0x780]  }
0x71: {  	v1 =	vmul.f32 $8.000000000e+00, v1;
	[tilespmem:s13+$0x720] =	vst v0;
	v0 =	vld [tilespmem:s13+$0x790]  }
0x72: {  	v2 =	vmul.f32 $8.000000000e+00, v2  }
0x73: {  	[tilespmem:s13+$0x730] =	vst v1;
	v1 =	vmul.f32 $8.000000000e+00, v3;
	v3 =	vld [tilespmem:s13+$0x7B0]  }
0x74: {  	v7 =	vld [tilespmem:s13+$0x7A0];
	[tilespmem:s13+$0x740] =	vst v2;
	v2 =	vmul.f32 $8.000000000e+00, v4  }
0x75: {  	v4 =	vld [tilespmem:s13+$0x7C0];
	[tilespmem:s13+$0x750] =	vst v1;
	v1 =	vmul.f32 $8.000000000e+00, v5  }
0x76: {  	[tilespmem:s13+$0x760] =	vst v2;
	v5 =	vld [tilespmem:s13+$0x7D0];
	v2 =	vmul.f32 $8.000000000e+00, v6;
	v6 =	vmul.f32 $8.000000000e+00, v0  }
0x77: {  	[tilespmem:s13+$0x770] =	vst v1;
	v1 =	vld [tilespmem:s13+$0x7E0]  }
0x78: {  	v0 =	vld [tilespmem:s13+$0x7F0];
	[tilespmem:s13+$0x790] =	vst v6;
	v6 =	vmul.f32 $8.000000000e+00, v3  }
0x79: {  	v7 =	vmul.f32 $8.000000000e+00, v7;
	[tilespmem:s13+$0x780] =	vst v2;
	v2 =	vld [tilespmem:s13+$0x800]  }
0x7a: {  	v3 =	vld [tilespmem:s13+$0x810];
	[tilespmem:s13+$0x7B0] =	vst v6;
	v6 =	vmul.f32 $8.000000000e+00, v4  }
0x7b: {  	s11 =	simm.s32 $0x800;
	[tilespmem:s13+$0x7A0] =	vst v7;
	v5 =	vmul.f32 $8.000000000e+00, v5;
	v4 =	vld [tilespmem:s13+$0x820]  }
.LBB2_3:
0x7c: {  	s14 =	sshra.s32 s11, $0x2;
	p0 =	sne.s32 s11, $0x31800;
	[tilespmem:s13+$0x7C0] =	vst v6;
	v1 =	vmul.f32 $8.000000000e+00, v1;
	v6 =	vld [tilespmem:s13+$0x830]  }
0x7d: {  	v7 =	vld [tilespmem:s14+$0x640];
	[tilespmem:s13+$0x7D0] =	vst v5;
	v0 =	vmul.f32 $8.000000000e+00, v0  }
0x7e: {  	v5 =	vld [tilespmem:s14+$0x650];
	[tilespmem:s13+$0x7E0] =	vst v1;
	v1 =	vmul.f32 $8.000000000e+00, v2  }
0x7f: {  	v2 =	vld [tilespmem:s14+$0x660];
	[tilespmem:s13+$0x7F0] =	vst v0;
	v0 =	vmul.f32 $8.000000000e+00, v3  }
0x80: {  	v3 =	vld [tilespmem:s14+$0x670];
	[tilespmem:s13+$0x800] =	vst v1;
	v1 =	vmul.f32 $8.000000000e+00, v4  }
0x81: {  	v4 =	vld [tilespmem:s14+$0x680];
	[tilespmem:s13+$0x810] =	vst v0;
	v0 =	vmul.f32 $8.000000000e+00, v6  }
0x82: {  	v6 =	vmul.f32 $8.000000000e+00, v7;
	v7 =	vld [tilespmem:s14+$0x690];
	[tilespmem:s13+$0x820] =	vst v1  }
0x83: {  	v1 =	vmul.f32 $8.000000000e+00, v5;
	v5 =	vld [tilespmem:s14+$0x6A0];
	[tilespmem:s13+$0x830] =	vst v0;
	s13 =	smov.u32 s14  }
0x84: {  	[tilespmem:s13+$0x640] =	vst v6;
	v0 =	vmul.f32 $8.000000000e+00, v2;
	v2 =	vld [tilespmem:s13+$0x6B0]  }
0x85: {  	[tilespmem:s13+$0x650] =	vst v1;
	v1 =	vmul.f32 $8.000000000e+00, v3;
	v3 =	vld [tilespmem:s13+$0x6C0]  }
0x86: {  	[tilespmem:s13+$0x660] =	vst v0;
	v0 =	vmul.f32 $8.000000000e+00, v4;
	v4 =	vld [tilespmem:s13+$0x6D0]  }
0x87: {  	[tilespmem:s13+$0x670] =	vst v1;
	v1 =	vmul.f32 $8.000000000e+00, v7;
	v6 =	vld [tilespmem:s13+$0x6E0]  }
0x88: {  	[tilespmem:s13+$0x680] =	vst v0;
	v0 =	vmul.f32 $8.000000000e+00, v5;
	v5 =	vld [tilespmem:s13+$0x6F0]  }
0x89: {  	[tilespmem:s13+$0x690] =	vst v1;
	v1 =	vmul.f32 $8.000000000e+00, v2;
	v2 =	vld [tilespmem:s13+$0x700]  }
0x8a: {  	[tilespmem:s13+$0x6A0] =	vst v0;
	v0 =	vmul.f32 $8.000000000e+00, v3;
	v3 =	vld [tilespmem:s13+$0x710]  }
0x8b: {  	[tilespmem:s13+$0x6B0] =	vst v1;
	v1 =	vmul.f32 $8.000000000e+00, v4;
	v4 =	vld [tilespmem:s13+$0x720]  }
0x8c: {  	[tilespmem:s13+$0x6C0] =	vst v0;
	v0 =	vmul.f32 $8.000000000e+00, v6;
	v6 =	vld [tilespmem:s13+$0x730]  }
0x8d: {  	[tilespmem:s13+$0x6D0] =	vst v1;
	v1 =	vmul.f32 $8.000000000e+00, v5;
	v5 =	vld [tilespmem:s13+$0x740]  }
0x8e: {  	[tilespmem:s13+$0x6E0] =	vst v0;
	v0 =	vmul.f32 $8.000000000e+00, v2;
	v2 =	vld [tilespmem:s13+$0x750]  }
0x8f: {  	[tilespmem:s13+$0x6F0] =	vst v1;
	v1 =	vmul.f32 $8.000000000e+00, v3;
	v3 =	vld [tilespmem:s13+$0x760]  }
0x90: {  	[tilespmem:s13+$0x700] =	vst v0;
	v0 =	vmul.f32 $8.000000000e+00, v4;
	v4 =	vld [tilespmem:s13+$0x770]  }
0x91: {  	[tilespmem:s13+$0x710] =	vst v1;
	v1 =	vmul.f32 $8.000000000e+00, v6;
	v6 =	vld [tilespmem:s13+$0x780]  }
0x92: {  	[tilespmem:s13+$0x720] =	vst v0;
	v0 =	vmul.f32 $8.000000000e+00, v5;
	v5 =	vld [tilespmem:s13+$0x790]  }
0x93: {  	[tilespmem:s13+$0x730] =	vst v1;
	v1 =	vmul.f32 $8.000000000e+00, v2;
	v2 =	vld [tilespmem:s13+$0x7A0]  }
0x94: {  	[tilespmem:s13+$0x740] =	vst v0;
	v0 =	vmul.f32 $8.000000000e+00, v3;
	v3 =	vld [tilespmem:s13+$0x7B0]  }
0x95: {  	[tilespmem:s13+$0x750] =	vst v1;
	v1 =	vmul.f32 $8.000000000e+00, v4;
	v4 =	vld [tilespmem:s13+$0x7C0]  }
0x96: {  	[tilespmem:s13+$0x760] =	vst v0;
	v0 =	vmul.f32 $8.000000000e+00, v6;
	v7 =	vld [tilespmem:s13+$0x7D0]  }
.Ltmp0:
0x97: {  	[tilespmem:s13+$0x770] =	vst v1;
	v5 =	vmul.f32 $8.000000000e+00, v5;
	v1 =	vld [tilespmem:s13+$0x7E0];
	(pc) =	sbr.rel @p0 .LBB2_3-.Ltmp0, $4  }
0x98: {  	[tilespmem:s13+$0x780] =	vst v0;
	v6 =	vmul.f32 $8.000000000e+00, v2;
	v0 =	vld [tilespmem:s13+$0x7F0]  }
0x99: {  	[tilespmem:s13+$0x790] =	vst v5;
	v5 =	vmul.f32 $8.000000000e+00, v3;
	v2 =	vld [tilespmem:s13+$0x800]  }
0x9a: {  	[tilespmem:s13+$0x7A0] =	vst v6;
	v6 =	vmul.f32 $8.000000000e+00, v4;
	v3 =	vld [tilespmem:s13+$0x810]  }
0x9b: {  	s11 =	sadd.s32 $0x800, s11;
	[tilespmem:s13+$0x7B0] =	vst v5;
	v5 =	vmul.f32 $8.000000000e+00, v7;
	v4 =	vld [tilespmem:s13+$0x820]  }
0x9c: {  	[tilespmem:s13+$0x7C0] =	vst v6;
	v1 =	vmul.f32 $8.000000000e+00, v1;
	v6 =	vld [tilespmem:s13+$0x830]  }
0x9d: {  	[tilespmem:s13+$0x7D0] =	vst v5;
	v0 =	vmul.f32 $8.000000000e+00, v0  }
0x9e: {  	[tilespmem:s13+$0x7E0] =	vst v1;
	v1 =	vmul.f32 $8.000000000e+00, v2  }
0x9f: {  	[tilespmem:s13+$0x7F0] =	vst v0;
	v0 =	vmul.f32 $8.000000000e+00, v3  }
0xa0: {  	s11 =	sor.u32 s4, s12;
	[tilespmem:s13+$0x800] =	vst v1;
	v1 =	vmul.f32 $8.000000000e+00, v4  }
0xa1: {  	s14 =	smul.u32 $0xC80, s11;
	[tilespmem:s13+$0x810] =	vst v0;
	v0 =	vmul.f32 $8.000000000e+00, v6  }
0xa2: {  	[tilespmem:s13+$0x820] =	vst v1  }
0xa3: {  	s6 =	smul.u32 $0x6400, s11;
	s17 =	sadd.s32 s7, s14;
	[tilespmem:s13+$0x830] =	vst v0  }
0xa4: {  	[hbm4b:s17+s31] =	stream.strided.scatter [tilespmem:s23], [sflag:$0x5], $0x3200, s1, s31, $0x38;
	[tilespmem:$0x19640] =	vst v63  }
0xa5: {  	s17 =	sshrl.u32 s6, $0x3  }
0xa6: {  	s13 =	sadd.s32 s7, s17  }
0xa7: {  	s6 =	sadd.s32 $0xC80, s13  }
0xa8: {  	[hbm4b:s6+s31] =	stream.strided.scatter [tilespmem:s0], [sflag:$0x5], $0x3200, s1, s31, $0x38;
	[tilespmem:$0x19640] =	vst v63  }
0xa9: {  	s17 =	sadd.s32 $0x1900, s13  }
0xaa: {  	[hbm4b:s17+s31] =	stream.strided.scatter [tilespmem:s18], [sflag:$0x5], $0x3200, s1, s31, $0x38;
	[tilespmem:$0x19640] =	vst v63  }
0xab: {  	s13 =	sadd.s32 $0x2580, s13  }
0xac: {  	[hbm4b:s13+s31] =	stream.strided.scatter [tilespmem:s19], [sflag:$0x5], $0x3200, s1, s31, $0x38;
	[tilespmem:$0x19640] =	vst v63  }
0xad: {  	_ =	swait.ge [sflag:s20], $0x3200  }
0xae: {  	[sflag:s20] =	ssyncset.done $0x0  }
0xaf: {  	[sflag:s20] =	ssyncadd.s32 $0xFFFFCE00  }
0xb0: {  	_ =	swait.ge [sflag:s20], $0x3200  }
0xb1: {  	[sflag:s20] =	ssyncset.done $0x0  }
0xb2: {  	[sflag:s20] =	ssyncadd.s32 $0xFFFFCE00  }
0xb3: {  	_ =	swait.ge [sflag:s20], $0x3200  }
0xb4: {  	[sflag:s20] =	ssyncset.done $0x0  }
0xb5: {  	[sflag:s20] =	ssyncadd.s32 $0xFFFFCE00  }
0xb6: {  	_ =	swait.ge [sflag:s20], $0x3200  }
0xb7: {  	p0 =	sne.s32 s10, $0xF;
	[sflag:s20] =	ssyncset.done $0x0  }
0xb8: {  	s13 =	simm.s32 @p0 $0x1;
	[sflag:s20] =	ssyncadd.s32 $0xFFFFCE00  }
0xb9: {  	_ =	swait.ge @p0 [sflag:s13], $0xC8  }
0xba: {  	[sflag:s13] =	ssyncset.done @p0 $0x0  }
0xbb: {  	[sflag:s13] =	ssyncadd.s32 @p0 $0xFFFFFF38  }
0xbc: {  	_ =	swait.ge @p0 [sflag:s13], $0xC8  }
0xbd: {  	[sflag:s13] =	ssyncset.done @p0 $0x0  }
0xbe: {  	[sflag:s13] =	ssyncadd.s32 @p0 $0xFFFFFF38  }
0xbf: {  	_ =	swait.ge @p0 [sflag:s13], $0xC8  }
0xc0: {  	[sflag:s13] =	ssyncset.done @p0 $0x0  }
0xc1: {  	[sflag:s13] =	ssyncadd.s32 @p0 $0xFFFFFF38  }
0xc2: {  	_ =	swait.ge @p0 [sflag:s13], $0xC8  }
0xc3: {  	s14 =	simm.s32 @p0 $0x0;
	[sflag:s13] =	ssyncset.done @p0 $0x0  }
0xc4: {  	s17 =	simm.s32 @p0 $0x640;
	[sflag:s13] =	ssyncadd.s32 @p0 $0xFFFFFF38;
	s13 =	simm.s32 @p0 $0x320  }
0xc5: {  	[tilespmem:s17], [sflag:$0x3] =	stream.indirect.gather @p0 [hbm4b:s5+s13], $0x40, s14, s13, $0xb8;
	[tilespmem:$0x19640] =	vst v63  }
0xc6: {  	s12 =	sadd.s32 @p0 s12, s16;
	s17 =	simm.s32 @p0 $0x4  }
0xc7: {  	s6 =	smul.u32 @p0 $0x19, s12;
	_ =	swait.ge @p0 [sflag:s17], $0xC800  }
0xc8: {  	[sflag:s17] =	ssyncset.done @p0 $0x0  }
0xc9: {  	s12 =	smul.u32 @p0 $0xC8, s12;
	s6 =	sadd.s32 @p0 s2, s6;
	[sflag:s17] =	ssyncadd.s32 @p0 $0xFFFF3800  }
0xca: {  	[tilespmem:s13], [sflag:$0x2] =	stream.linear.gather @p0 [hbm4b:s6+s14], $0xC8, $0x38;
	[tilespmem:$0x19640] =	vst v63  }
0xcb: {  	s6 =	sadd.s32 @p0 $0xC8, s12  }
0xcc: {  	s6 =	sshrl.u32 @p0 s6, $0x3  }
0xcd: {  	s13 =	simm.s32 @p0 $0x3E8;
	s6 =	sadd.s32 @p0 s2, s6  }
0xce: {  	[tilespmem:s13], [sflag:$0x2] =	stream.linear.gather @p0 [hbm4b:s6+s14], $0xC8, $0x38;
	[tilespmem:$0x19640] =	vst v63  }
0xcf: {  	s6 =	sshrl.u32 @p0 s12, $0x3  }
0xd0: {  	s6 =	sadd.s32 @p0 s2, s6  }
0xd1: {  	s13 =	simm.s32 @p0 $0x4B0;
	s6 =	sadd.s32 @p0 $0x32, s6  }
0xd2: {  	[tilespmem:s13], [sflag:$0x2] =	stream.linear.gather @p0 [hbm4b:s6+s14], $0xC8, $0x38;
	[tilespmem:$0x19640] =	vst v63  }
0xd3: {  	s6 =	sadd.s32 @p0 $0x258, s12  }
0xd4: {  	s6 =	sshrl.u32 @p0 s6, $0x3  }
0xd5: {  	s12 =	simm.s32 @p0 $0x578;
	s6 =	sadd.s32 @p0 s2, s6  }
0xd6: {  	[tilespmem:s12], [sflag:$0x2] =	stream.linear.gather @p0 [hbm4b:s6+s14], $0xC8, $0x38;
	[tilespmem:$0x19640] =	vst v63  }
0xd7: {  	s6 =	simm.s32 @!p0 $0x4  }
0xd8: {  	_ =	swait.ge @!p0 [sflag:s6], $0xC800  }
0xd9: {  	[sflag:s6] =	ssyncset.done @!p0 $0x0  }
0xda: {  	s12 =	simm.s32 $0x0;
	[sflag:s6] =	ssyncadd.s32 @!p0 $0xFFFF3800  }
0xdb: {  	v0 =	vld [tilespmem:s12+$0xCE40]  }
0xdc: {  	v1 =	vld [tilespmem:s12+$0xCE50]  }
0xdd: {  	v2 =	vld [tilespmem:s12+$0xCE60]  }
0xde: {  	v3 =	vld [tilespmem:s12+$0xCE70]  }
0xdf: {  	v4 =	vld [tilespmem:s12+$0xCE80]  }
0xe0: {  	v5 =	vld [tilespmem:s12+$0xCE90];
	v0 =	vmul.f32 $8.000000000e+00, v0  }
0xe1: {  	v6 =	vld [tilespmem:s12+$0xCEA0];
	v1 =	vmul.f32 $8.000000000e+00, v1  }
0xe2: {  	v2 =	vmul.f32 $8.000000000e+00, v2;
	[tilespmem:s12+$0xCE40] =	vst v0;
	v0 =	vld [tilespmem:s12+$0xCEB0]  }
0xe3: {  	v3 =	vmul.f32 $8.000000000e+00, v3;
	[tilespmem:s12+$0xCE50] =	vst v1;
	v1 =	vld [tilespmem:s12+$0xCEC0]  }
0xe4: {  	v4 =	vmul.f32 $8.000000000e+00, v4;
	[tilespmem:s12+$0xCE60] =	vst v2;
	v2 =	vld [tilespmem:s12+$0xCED0]  }
0xe5: {  	v5 =	vmul.f32 $8.000000000e+00, v5;
	[tilespmem:s12+$0xCE70] =	vst v3;
	v3 =	vld [tilespmem:s12+$0xCEE0]  }
0xe6: {  	v6 =	vmul.f32 $8.000000000e+00, v6;
	[tilespmem:s12+$0xCE80] =	vst v4;
	v4 =	vld [tilespmem:s12+$0xCEF0]  }
0xe7: {  	[tilespmem:s12+$0xCE90] =	vst v5;
	v5 =	vld [tilespmem:s12+$0xCF00];
	v0 =	vmul.f32 $8.000000000e+00, v0  }
0xe8: {  	[tilespmem:s12+$0xCEA0] =	vst v6;
	v6 =	vld [tilespmem:s12+$0xCF10];
	v1 =	vmul.f32 $8.000000000e+00, v1  }
0xe9: {  	v2 =	vmul.f32 $8.000000000e+00, v2;
	[tilespmem:s12+$0xCEB0] =	vst v0;
	v0 =	vld [tilespmem:s12+$0xCF20]  }
0xea: {  	v3 =	vmul.f32 $8.000000000e+00, v3;
	[tilespmem:s12+$0xCEC0] =	vst v1;
	v1 =	vld [tilespmem:s12+$0xCF30]  }
0xeb: {  	v4 =	vmul.f32 $8.000000000e+00, v4;
	[tilespmem:s12+$0xCED0] =	vst v2;
	v2 =	vld [tilespmem:s12+$0xCF40]  }
0xec: {  	v5 =	vmul.f32 $8.000000000e+00, v5;
	[tilespmem:s12+$0xCEE0] =	vst v3;
	v3 =	vld [tilespmem:s12+$0xCF50]  }
0xed: {  	v6 =	vmul.f32 $8.000000000e+00, v6;
	[tilespmem:s12+$0xCEF0] =	vst v4;
	v4 =	vld [tilespmem:s12+$0xCF60]  }
0xee: {  	[tilespmem:s12+$0xCF00] =	vst v5;
	v5 =	vld [tilespmem:s12+$0xCF70];
	v0 =	vmul.f32 $8.000000000e+00, v0  }
0xef: {  	[tilespmem:s12+$0xCF10] =	vst v6;
	v6 =	vld [tilespmem:s12+$0xCF80]  }
0xf0: {  	v1 =	vmul.f32 $8.000000000e+00, v1;
	[tilespmem:s12+$0xCF20] =	vst v0;
	v0 =	vld [tilespmem:s12+$0xCF90]  }
0xf1: {  	v2 =	vmul.f32 $8.000000000e+00, v2  }
0xf2: {  	[tilespmem:s12+$0xCF30] =	vst v1;
	v1 =	vmul.f32 $8.000000000e+00, v3;
	v3 =	vld [tilespmem:s12+$0xCFB0]  }
0xf3: {  	v7 =	vld [tilespmem:s12+$0xCFA0];
	[tilespmem:s12+$0xCF40] =	vst v2;
	v2 =	vmul.f32 $8.000000000e+00, v4  }
0xf4: {  	v4 =	vld [tilespmem:s12+$0xCFC0];
	[tilespmem:s12+$0xCF50] =	vst v1;
	v1 =	vmul.f32 $8.000000000e+00, v5  }
0xf5: {  	[tilespmem:s12+$0xCF60] =	vst v2;
	v5 =	vld [tilespmem:s12+$0xCFD0];
	v2 =	vmul.f32 $8.000000000e+00, v6;
	v6 =	vmul.f32 $8.000000000e+00, v0  }
0xf6: {  	[tilespmem:s12+$0xCF70] =	vst v1;
	v1 =	vld [tilespmem:s12+$0xCFE0]  }
0xf7: {  	v0 =	vld [tilespmem:s12+$0xCFF0];
	[tilespmem:s12+$0xCF90] =	vst v6;
	v6 =	vmul.f32 $8.000000000e+00, v3  }
0xf8: {  	v7 =	vmul.f32 $8.000000000e+00, v7;
	[tilespmem:s12+$0xCF80] =	vst v2;
	v2 =	vld [tilespmem:s12+$0xD000]  }
0xf9: {  	v3 =	vld [tilespmem:s12+$0xD010];
	[tilespmem:s12+$0xCFB0] =	vst v6;
	v6 =	vmul.f32 $8.000000000e+00, v4  }
0xfa: {  	s13 =	simm.s32 $0x800;
	[tilespmem:s12+$0xCFA0] =	vst v7;
	v5 =	vmul.f32 $8.000000000e+00, v5;
	v4 =	vld [tilespmem:s12+$0xD020]  }
.LBB2_5:
0xfb: {  	s6 =	sshra.s32 s13, $0x2;
	p0 =	sne.s32 s13, $0x31800;
	[tilespmem:s12+$0xCFC0] =	vst v6;
	v1 =	vmul.f32 $8.000000000e+00, v1;
	v6 =	vld [tilespmem:s12+$0xD030]  }
0xfc: {  	v7 =	vld [tilespmem:s6+$0xCE40];
	[tilespmem:s12+$0xCFD0] =	vst v5;
	v0 =	vmul.f32 $8.000000000e+00, v0  }
0xfd: {  	v5 =	vld [tilespmem:s6+$0xCE50];
	[tilespmem:s12+$0xCFE0] =	vst v1;
	v1 =	vmul.f32 $8.000000000e+00, v2  }
0xfe: {  	v2 =	vld [tilespmem:s6+$0xCE60];
	[tilespmem:s12+$0xCFF0] =	vst v0;
	v0 =	vmul.f32 $8.000000000e+00, v3  }
0xff: {  	v3 =	vld [tilespmem:s6+$0xCE70];
	[tilespmem:s12+$0xD000] =	vst v1;
	v1 =	vmul.f32 $8.000000000e+00, v4  }
0x100: {  	v4 =	vld [tilespmem:s6+$0xCE80];
	[tilespmem:s12+$0xD010] =	vst v0;
	v0 =	vmul.f32 $8.000000000e+00, v6  }
0x101: {  	v6 =	vmul.f32 $8.000000000e+00, v7;
	v7 =	vld [tilespmem:s6+$0xCE90];
	[tilespmem:s12+$0xD020] =	vst v1  }
0x102: {  	v1 =	vmul.f32 $8.000000000e+00, v5;
	v5 =	vld [tilespmem:s6+$0xCEA0];
	[tilespmem:s12+$0xD030] =	vst v0;
	s12 =	smov.u32 s6  }
0x103: {  	[tilespmem:s12+$0xCE40] =	vst v6;
	v0 =	vmul.f32 $8.000000000e+00, v2;
	v2 =	vld [tilespmem:s12+$0xCEB0]  }
0x104: {  	[tilespmem:s12+$0xCE50] =	vst v1;
	v1 =	vmul.f32 $8.000000000e+00, v3;
	v3 =	vld [tilespmem:s12+$0xCEC0]  }
0x105: {  	[tilespmem:s12+$0xCE60] =	vst v0;
	v0 =	vmul.f32 $8.000000000e+00, v4;
	v4 =	vld [tilespmem:s12+$0xCED0]  }
0x106: {  	[tilespmem:s12+$0xCE70] =	vst v1;
	v1 =	vmul.f32 $8.000000000e+00, v7;
	v6 =	vld [tilespmem:s12+$0xCEE0]  }
0x107: {  	[tilespmem:s12+$0xCE80] =	vst v0;
	v0 =	vmul.f32 $8.000000000e+00, v5;
	v5 =	vld [tilespmem:s12+$0xCEF0]  }
0x108: {  	[tilespmem:s12+$0xCE90] =	vst v1;
	v1 =	vmul.f32 $8.000000000e+00, v2;
	v2 =	vld [tilespmem:s12+$0xCF00]  }
0x109: {  	[tilespmem:s12+$0xCEA0] =	vst v0;
	v0 =	vmul.f32 $8.000000000e+00, v3;
	v3 =	vld [tilespmem:s12+$0xCF10]  }
0x10a: {  	[tilespmem:s12+$0xCEB0] =	vst v1;
	v1 =	vmul.f32 $8.000000000e+00, v4;
	v4 =	vld [tilespmem:s12+$0xCF20]  }
0x10b: {  	[tilespmem:s12+$0xCEC0] =	vst v0;
	v0 =	vmul.f32 $8.000000000e+00, v6;
	v6 =	vld [tilespmem:s12+$0xCF30]  }
0x10c: {  	[tilespmem:s12+$0xCED0] =	vst v1;
	v1 =	vmul.f32 $8.000000000e+00, v5;
	v5 =	vld [tilespmem:s12+$0xCF40]  }
0x10d: {  	[tilespmem:s12+$0xCEE0] =	vst v0;
	v0 =	vmul.f32 $8.000000000e+00, v2;
	v2 =	vld [tilespmem:s12+$0xCF50]  }
0x10e: {  	[tilespmem:s12+$0xCEF0] =	vst v1;
	v1 =	vmul.f32 $8.000000000e+00, v3;
	v3 =	vld [tilespmem:s12+$0xCF60]  }
0x10f: {  	[tilespmem:s12+$0xCF00] =	vst v0;
	v0 =	vmul.f32 $8.000000000e+00, v4;
	v4 =	vld [tilespmem:s12+$0xCF70]  }
0x110: {  	[tilespmem:s12+$0xCF10] =	vst v1;
	v1 =	vmul.f32 $8.000000000e+00, v6;
	v6 =	vld [tilespmem:s12+$0xCF80]  }
0x111: {  	[tilespmem:s12+$0xCF20] =	vst v0;
	v0 =	vmul.f32 $8.000000000e+00, v5;
	v5 =	vld [tilespmem:s12+$0xCF90]  }
0x112: {  	[tilespmem:s12+$0xCF30] =	vst v1;
	v1 =	vmul.f32 $8.000000000e+00, v2;
	v2 =	vld [tilespmem:s12+$0xCFA0]  }
0x113: {  	[tilespmem:s12+$0xCF40] =	vst v0;
	v0 =	vmul.f32 $8.000000000e+00, v3;
	v3 =	vld [tilespmem:s12+$0xCFB0]  }
0x114: {  	[tilespmem:s12+$0xCF50] =	vst v1;
	v1 =	vmul.f32 $8.000000000e+00, v4;
	v4 =	vld [tilespmem:s12+$0xCFC0]  }
0x115: {  	[tilespmem:s12+$0xCF60] =	vst v0;
	v0 =	vmul.f32 $8.000000000e+00, v6;
	v7 =	vld [tilespmem:s12+$0xCFD0]  }
.Ltmp1:
0x116: {  	[tilespmem:s12+$0xCF70] =	vst v1;
	v5 =	vmul.f32 $8.000000000e+00, v5;
	v1 =	vld [tilespmem:s12+$0xCFE0];
	(pc) =	sbr.rel @p0 .LBB2_5-.Ltmp1, $4  }
0x117: {  	[tilespmem:s12+$0xCF80] =	vst v0;
	v6 =	vmul.f32 $8.000000000e+00, v2;
	v0 =	vld [tilespmem:s12+$0xCFF0]  }
0x118: {  	[tilespmem:s12+$0xCF90] =	vst v5;
	v5 =	vmul.f32 $8.000000000e+00, v3;
	v2 =	vld [tilespmem:s12+$0xD000]  }
0x119: {  	[tilespmem:s12+$0xCFA0] =	vst v6;
	v6 =	vmul.f32 $8.000000000e+00, v4;
	v3 =	vld [tilespmem:s12+$0xD010]  }
0x11a: {  	s13 =	sadd.s32 $0x800, s13;
	[tilespmem:s12+$0xCFB0] =	vst v5;
	v5 =	vmul.f32 $8.000000000e+00, v7;
	v4 =	vld [tilespmem:s12+$0xD020]  }
0x11b: {  	[tilespmem:s12+$0xCFC0] =	vst v6;
	v1 =	vmul.f32 $8.000000000e+00, v1;
	v59 =	vld [tilespmem:s12+$0xD030]  }
0x11c: {  	[tilespmem:s12+$0xCFD0] =	vst v5;
	v0 =	vmul.f32 $8.000000000e+00, v0  }
0x11d: {  	s6 =	sor.u32 $0x4, s11;
	[tilespmem:s12+$0xCFE0] =	vst v1;
	v60 =	vmul.f32 $8.000000000e+00, v2  }
0x11e: {  	s11 =	smul.u32 $0xC80, s6;
	[tilespmem:s12+$0xCFF0] =	vst v0;
	v61 =	vmul.f32 $8.000000000e+00, v3  }
0x11f: {  	s6 =	smul.u32 $0x6400, s6;
	[tilespmem:s12+$0xD000] =	vst v60;
	v62 =	vmul.f32 $8.000000000e+00, v4  }
0x120: {  	[tilespmem:s12+$0xD010] =	vst v61;
	v63 =	vmul.f32 $8.000000000e+00, v59  }
0x121: {  	s6 =	sshrl.u32 s6, $0x3;
	[tilespmem:s12+$0xD020] =	vst v62  }
0x122: {  	s10 =	sadd.s32 $0x1, s10;
	s11 =	sadd.s32 s7, s11;
	s6 =	sadd.s32 s7, s6;
	[tilespmem:s12+$0xD030] =	vst v63  }
0x123: {  	[hbm4b:s11+s31] =	stream.strided.scatter [tilespmem:s29], [sflag:$0x6], $0x3200, s1, s31, $0x38;
	[tilespmem:$0x19640] =	vst v63  }
0x124: {  	p0 =	sne.s32 s10, $0x10;
	s14 =	sadd.s32 $0xC80, s6  }
0x125: {  	[hbm4b:s14+s31] =	stream.strided.scatter [tilespmem:s24], [sflag:$0x6], $0x3200, s1, s31, $0x38;
	[tilespmem:$0x19640] =	vst v63  }
.Ltmp2:
0x126: {  	_ = 	snop;
	(pc) =	sbr.rel @p0 .LBB2_2-.Ltmp2, $4  }
0x127: {  	s17 =	sadd.s32 $0x1900, s6  }
0x128: {  	[hbm4b:s17+s31] =	stream.strided.scatter [tilespmem:s25], [sflag:$0x6], $0x3200, s1, s31, $0x38;
	[tilespmem:$0x19640] =	vst v63  }
0x129: {  	s6 =	sadd.s32 $0x2580, s6  }
0x12a: {  	[hbm4b:s6+s31] =	stream.strided.scatter [tilespmem:s26], [sflag:$0x6], $0x3200, s1, s31, $0x38;
	[tilespmem:$0x19640] =	vst v63  }
0x12b: {  	_ =	swait.ge [sflag:s8], $0x3200  }
0x12c: {  	[sflag:s8] =	ssyncset.done $0x0  }
0x12d: {  	[sflag:s8] =	ssyncadd.s32 $0xFFFFCE00  }
0x12e: {  	_ =	swait.ge [sflag:s8], $0x3200  }
0x12f: {  	[sflag:s8] =	ssyncset.done $0x0  }
0x130: {  	[sflag:s8] =	ssyncadd.s32 $0xFFFFCE00  }
0x131: {  	_ =	swait.ge [sflag:s8], $0x3200  }
0x132: {  	[sflag:s8] =	ssyncset.done $0x0  }
0x133: {  	[sflag:s8] =	ssyncadd.s32 $0xFFFFCE00  }
0x134: {  	_ =	swait.ge [sflag:s8], $0x3200  }
0x135: {  	s9 =	sadd.s32 $0x1, s9;
	s6 =	rddreg [dreg:$0xb]  }
0x136: {  	p0 =	sne.s32 s9, s6  }
.Ltmp3:
0x137: {  	_ = 	snop;
	(pc) =	sbr.rel @p0 .LBB2_1-.Ltmp3, $3  }
0x138: {  	_ =	sdelay $0x1  }
0x139: {  	[sflag:s8] =	ssyncset.done $0x0  }
0x13a: {  	[sflag:s8] =	ssyncadd.s32 $0xFFFFCE00  }
0x13b: {  	_ =	sfence.sel $0x180000  }
0x13c: {  	[bflag:$0x0] =	sbarrier.arrive $0xFFFF  }
0x13d: {  	_ =	strace $0x90000047  }
0x13e: {  	s0 =	stileid.u32;
	[bflag:$0x2] =	sbarrier.arrive $0xFFFF  }
0x13f: {  	p0 =	sne.s32 s0, $0x0;
	s0 =	rddreg [dreg:$0x2]  }
0x140: {  	s0 =	sadd.s32 @!p0 $0x100000, s0  }
0x141: {  	[sflag:s0] =	ssyncadd.tile.s32 @!p0 $0x1;
	_ =	shalt  }
.Lfunc_end2:
_tile_overlayer_lowered:
.L_overlay_start_2:
0x142: {  	(tag) =	ssettag $0x2  }
0x143: {  	s0 =	rddreg [dreg:$0x0];
	s2 =	stileid.u32  }
0x144: {  	s1 =	rddreg [dreg:$0x1];
	p0 =	sne.s32 s2, $0x0  }
0x145: {  	s3 =	rddreg [dreg:$0x2];
	[bflag:$0x3] =	sbarrier.arrive $0xFFFF;
	s2 =	simm.s32 @!p0 $0x1C07  }
0x146: {  	[timem:s3], [sflag:s2] =	dma.local @!p0 [hbm:s0], s1  }
0x147: {  	s0 =	simm.s32 @!p0 $0x7  }
0x148: {  	_ =	swait.ge @!p0 [sflag:s0], s1  }
0x149: {  	s1 =	ssub.s32 @!p0 $0x0, s1;
	[sflag:s0] =	ssyncset.done @!p0 $0x0  }
0x14a: {  	[sflag:s0] =	ssyncadd.s32 @!p0 s1  }
0x14b: {  	[bflag:$0x3] =	sbarrier.arrive $0xFFFF  }
0x14c: {  	_ =	shalt  }

// kernel: sparse-core-data-format-call.cloned.1.call-start
scs
called_computation_lowered:
.L_overlay_start_0:
0x0: {  	s2 =	sld [smem:$0x3FD9]  }
0x1: {  	s3 =	sld [smem:$0x3FFE];
	_ =	sdelay $0x1  }
0x2: {  	s1 =	srdreg.scid  }
0x3: {  	s0 =	sand.u32 $0x1, s1  }
0x4: {  	s18 =	sshll.u32 s0, $0xA;
	s2 =	sadd.s32 s3, s2  }
0x5: {  	s2 =	sadd.s32 s2, s18  }
0x6: {  	[smem:$0x3FC6] =	sst s2  }
0x7: {  	_ = 	snop  }
0x8: {  	s2 =	sld [smem:$0x3FD0];
	(tm) =	ssettm $0x1  }
0x9: {  	s19 =	sld [smem:$0x3FFB];
	_ =	sdelay $0x3  }
0xa: {  	_ =	strace s19  }
0xb: {  	s3 =	sld [smem:$0x3FFC];
	_ =	sdelay $0x3  }
0xc: {  	_ =	strace s3  }
0xd: {  	s3 =	sld [smem:$0x3FFD];
	_ =	sdelay $0x3  }
0xe: {  	_ =	strace s3  }
0xf: {  	_ =	strace $0x8FFFFFFF  }
0x10: {  	s20 =	sld [smem:$0x3FDB];
	_ =	sdelay $0x1  }
0x11: {  	s4 =	simm.s32 $_scs_section_size  }
0x12: {  	s5 =	simm.s32 $_size__tile_overlayer_lowered;
	s6 =	simm.s32 $_tile_overlayer_lowered  }
0x13: {  	s23 =	simm.s32 $0x1BFF;
	s22 =	sshll.u32 s6, $0x1;
	s3 =	sadd.s32 s4, s20  }
0x14: {  	s7 =	simm.s32 $0x0;
	s21 =	sshll.u32 s5, $0x1;
	s5 =	sadd.s32 s22, s3  }
0x15: {  	[timem:s7], [sflag:s23] =	dma.local [hbm:s5], s21  }
0x16: {  	_ =	swait.ge [sflag:s23], s21  }
0x17: {  	s4 =	ssub.s32 $0x0, s21;
	[sflag:s23] =	ssyncset.done $0x0  }
0x18: {  	[sflag:s23] =	ssyncadd.s32 s4;
	_ =	sdelay $0x1  }
0x19: {  	s24 =	simm.s32 $0x1B8B  }
0x1a: {  	_ =	swait.ge [sflag:s24], $0x1  }
0x1b: {  	[sflag:s24] =	ssyncset.done $0x0  }
0x1c: {  	s26 =	simm.s32 $0x1B8E;
	s25 =	sld [smem:$0x3FFE];
	[sflag:s24] =	ssyncadd.s32 $0xFFFFFFFF  }
0x1d: {  	s27 =	simm.s32 $execute0_lowered;
	[smem:$0x3FD2] =	sst s26  }
0x1e: {  	s5 =	sshll.u32 s27, $0x1;
	_ =	strace $0x80000049;
	[dreg:$0x1] =	wrdreg $0xFFFFFFFF  }
0x1f: {  	s28 =	simm.s32 $_size_execute0_lowered;
	s3 =	sadd.s32 s3, s5;
	[dreg:$0x0] =	wrdreg $0x0  }
0x20: {  	s5 =	sshll.u32 s28, $0x1;
	[dreg:$0x2] =	wrdreg s3  }
0x21: {  	[dreg:$0x3] =	wrdreg s5  }
0x22: {  	[dreg:$0x4] =	wrdreg $0xC0  }
0x23: {  	_ =	task [dreg:s7], $0x5FFFF  }
0x24: {  	[dreg:$0x1] =	wrdreg $0xFFFFFFFF  }
0x25: {  	[dreg:$0x0] =	wrdreg $0x60  }
0x26: {  	[dreg:$0x2] =	wrdreg s25  }
0x27: {  	[dreg:$0x3] =	wrdreg s2  }
0x28: {  	[dreg:$0x4] =	wrdreg $0x9  }
0x29: {  	_ =	task.clear_ibuf [dreg:s7], $0x5FFFF;
	_ =	strace $0x90000049  }
0x2a: {  	s29 =	simm.s32 $0x9;
	_ =	strace $0x8000004B  }
0x2b: {  	_ =	swait.ge [sflag:s29], $0x1  }
0x2c: {  	[sflag:s29] =	ssyncadd.s32 $0xFFFFFFFF  }
0x2d: {  	_ =	strace $0x9000004B  }
0x2e: {  	_ =	sfence  }
0x2f: {  	s30 =	sld [smem:$0x0];
	_ =	sdelay $0x2  }
0x30: {  	s31 =	sshll.u32 s1, $0xD;
	s1 =	sshrl.u32 s1, $0x2  }
0x31: {  	s3 =	sand.u32 $0x4000, s31;
	s1 =	sadd.s32 s1, s30  }
0x32: {  	s0 =	sor.u32 s3, s0;
	s1 =	sshll.u32 s1, $0x11  }
0x33: {  	s0 =	sor.u32 s1, s0  }
0x34: {  	s0 =	sadd.s32 $0x8F2B, s0  }
0x35: {  	[sflag:s0] =	ssyncadd.remote.s32 $0x1  }
0x36: {  	_ =	sfence.sel $0xFFFF  }
0x37: {  	[dreg:$0x0] =	wrdreg $0xFFFFFFFF;
	(pc) =	sbr.abs _section_cstart, $3  }
0x38: {  	[dreg:$0x1] =	wrdreg $0xFFFFFFFF  }
0x39: {  	_ =	task.clear_ibuf [dreg:s7], $0x2FFFF;
	_ =	strace $0x9FFFFFFF  }
0x3a: {  	(tm) =	ssettm $0x7FFFFFFF  }
0x3b: {  	_ =	shalt  }
tec
execute0_lowered:
.L_overlay_start_1:
0x0: {  	(tag) =	ssettag $0x1  }
0x1: {  	s0 =	srdreg.scid  }
0x2: {  	s1 =	sshll.u32 s0, $0x4  }
0x3: {  	s0 =	stileid.u32;
	s1 =	sand.u32 $0x10, s1  }
0x4: {  	s1 =	sor.u32 s0, s1  }
0x5: {  	s6 =	rddreg [dreg:$0x0];
	s4 =	simm.s32 $0x1;
	s2 =	sshll.u32 s1, $0x7  }
0x6: {  	s7 =	simm.s32 $0x2;
	s12 =	simm.s32 $0x0;
	s1 =	ssub.s32 $0x1000, s2  }
0x7: {  	s8 =	simm.s32 $0x8000;
	s13 =	simm.s32 $0x0;
	s3 =	sand.u32 $0xF80, s1  }
0x8: {  	s9 =	simm.s32 $0x0;
	s5 =	sshrl.u32 s1, $0xC;
	p0 =	sne.s32 s3, $0x0  }
.Ltmp0:
0x9: {  	s1 =	rddreg [dreg:$0x2];
	s4 =	simm.s32 @!p0 $0x0;
	(pc) =	sbr.rel .LBB1_1-.Ltmp0, $4  }
0xa: {  	s11 =	simm.s32 $0x0;
	s3 =	rddreg [dreg:$0x1];
	s5 =	sadd.s32 s4, s5  }
0xb: {  	_ =	strace $0x8000004A;
	s4 =	simm.s32 $0x1;
	s5 =	smul.u32 $0xC8, s5  }
0xc: {  	s6 =	sadd.s32 $0xA00, s6;
	s10 =	smov.u32 s2;
	[sflag:s4] =	ssyncpa.u1 $0x0  }
0xd: {  	p0 =	por $0x0, $0x0;
	[sflag:s7] =	ssyncpa.u1 $0x0;
	s7 =	sor.u32 $0x1, s5  }
.LBB1_4:
0xe: {  	s16 =	sshll.u32 s13, $0x3;
	s17 =	sand.u32 $0x78, s13  }
0xf: {  	s30 =	sand.u32 $0x7E00, s13;
	s12 =	sshll.u32 s12, $0xF;
	s16 =	sand.u32 $0xC00, s16  }
0x10: {  	[tilespmem:s15+$0x810 ss:$0x81] =	vst.msk $0xffff, v2;
	s31 =	sand.u32 $0x7, s13;
	s16 =	sor.u32 s17, s16;
	s17 =	sadd.s32 s3, s30  }
0x11: {  	[tilespmem:s15+$0x1020 ss:$0x81] =	vst.msk $0xffff, v0;
	s13 =	sshll.u32 s31, $0x12;
	s12 =	sadd.s32 s12, s17;
	s16 =	sshrl.u32 s16, $0x3  }
0x12: {  	[tilespmem:s15+$0x0 ss:$0x81] =	vst.msk $0xffff, v1;
	s13 =	sor.u32 $0x400, s13;
	s12 =	sadd.s32 s16, s12  }
0x13: {  	[hbm4b:s12+s13] =	stream.strided.scatter [tilespmem:s14], [sflag:$0x2], $0x2000, s8, s13, $0x20;
	[tilespmem:$0x8080] =	vst v63  }
.LBB1_5:
0x14: {  	s14 =	sadd.s32 $0x1, s9  }
0x15: {  	s12 =	sadd.s32 $0x1000, s10;
	s16 =	smov.u32 s10;
	p2 =	sgt.s32 s14, $0xC7  }
0x16: {  	s16 =	smov.u32 @p2 s12  }
0x17: {  	s14 =	simm.s32 @p2 $0x0;
	p2 =	sgt.s32 s16, $0xFFF  }
0x18: {  	s16 =	smov.u32 @p2 s2;
	p2 =	sne.s32 s11, s7  }
.Ltmp1:
0x19: {  	p1 =	slt.u32 s11, $0x2;
	(pc) =	sbr.rel @!p2 .LBB1_6-.Ltmp1, $4  }
0x1a: {  	s15 =	simm.s32 @!p1 $0x2  }
0x1b: {  	s13 =	smov.u32 s10;
	p0 =	por !p0, !p0;
	_ =	swait.ge @!p1 [sflag:s15], $0x2000  }
0x1c: {  	s12 =	smov.u32 s9;
	[sflag:s15] =	ssyncset.done @!p1 $0x0;
	s9 =	smov.u32 s14  }
0x1d: {  	s11 =	sadd.s32 $0x1, s11;
	[sflag:s15] =	ssyncadd.s32 @!p1 $0xFFFFE000;
	s10 =	smov.u32 s16  }
.LBB1_1:
0x1e: {  	p1 =	sge.u32 s11, s5  }
0x1f: {  	s14 =	sand.u32 @!p1 $0x1FFFFFF, s9  }
0x20: {  	s15 =	smulhi.u32 @!p1 $0x147AE15, s14;
	_ =	sdelay $0x1  }
0x21: {  	s15 =	smul.u32 @!p1 $0xC8, s15  }
0x22: {  	s16 =	sxor.u32 @!p1 $0xFFFFFFFF, s11;
	s17 =	smul.u32 @!p1 $0xC80, s10  }
0x23: {  	s31 =	sadd.s32 $0xFFFFFFFF, s11;
	s16 =	sshll.u32 @!p1 s16, $0xD;
	s14 =	ssub.s32 @!p1 s14, s15  }
0x24: {  	s15 =	sand.u32 @!p1 $0x2000, s16;
	s16 =	sadd.s32 @!p1 s6, s17;
	s14 =	sshll.u32 @!p1 s14, $0x4  }
0x25: {  	s17 =	simm.s32 @!p1 $0x6400;
	s14 =	sadd.s32 @!p1 s14, s16;
	s16 =	simm.s32 @!p1 $0x40  }
0x26: {  	[tilespmem:s15], [sflag:$0x1] =	stream.strided.gather @!p1 [hbm4b:s14+s16], $0x2000, s17, s16, $0x38;
	[tilespmem:$0x8080] =	vst v63  }
0x27: {  	p1 =	sge.u32 s31, s5  }
.Ltmp2:
0x28: {  	_ = 	snop;
	(pc) =	sbr.rel @p1 .LBB1_5-.Ltmp2, $1  }
0x29: {  	_ =	sdelay $0x3  }
0x2a: {  	s14 =	simm.s32 $0x1  }
0x2b: {  	_ =	swait.ge [sflag:s4], $0x2000;
	s14 =	simm.s32 @!p0 $0x0  }
0x2c: {  	[sflag:s4] =	ssyncset.done $0x0;
	s15 =	sshll.u32 s14, $0xD  }
0x2d: {  	[sflag:s4] =	ssyncadd.s32 $0xFFFFE000;
	s18 =	sor.u32 $0x20, s15  }
0x2e: {  	s14 =	smul.u32 $0x8100, s14;
	v3 =	vld [tilespmem:s18+$0x10]  }
0x2f: {  	s30 =	sand.u32 $0x1, s11;
	v2 =	vld [tilespmem:s18+$0xFFFFFFF0]  }
0x30: {  	s15 =	smul.u32 $0x8100, s30;
	s14 =	sshrl.u32 s14, $0x2;
	v0 =	vld [tilespmem:s18+$0x0]  }
0x31: {  	v1 =	vld [tilespmem:s18+$0xFFFFFFE0];
	s16 =	sor.u32 $0x4000, s14  }
0x32: {  	s31 =	sshrl.u32 s15, $0x2;
	s15 =	sadd.s32 $0x0, s16  }
0x33: {  	s17 =	simm.s32 $0x4;
	s18 =	sadd.s32 $0x40, s18;
	s14 =	sor.u32 $0x4000, s31;
	[tilespmem:s15+$0x1830 ss:$0x81] =	vst.msk $0xffff, v3  }
.LBB1_3:
0x34: {  	v3 =	vld [tilespmem:s18+$0x10];
	p1 =	sne.s32 s17, $0x1FC;
	[tilespmem:s15+$0x810 ss:$0x81] =	vst.msk $0xffff, v2;
	s19 =	smov.u32 s17;
	s17 =	sadd.s32 $0x4, s17  }
.Ltmp3:
0x35: {  	v2 =	vld [tilespmem:s18+$0xFFFFFFF0];
	[tilespmem:s15+$0x1020 ss:$0x81] =	vst.msk $0xffff, v0;
	(pc) =	sbr.rel @p1 .LBB1_3-.Ltmp3, $4  }
0x36: {  	v0 =	vld [tilespmem:s18+$0x0];
	[tilespmem:s15+$0x0 ss:$0x81] =	vst.msk $0xffff, v1  }
0x37: {  	s15 =	sshra.s32 s19, $0x2;
	v1 =	vld [tilespmem:s18+$0xFFFFFFE0]  }
0x38: {  	s15 =	sadd.s32 s15, s16  }
0x39: {  	s18 =	sadd.s32 $0x40, s18;
	[tilespmem:s15+$0x1830 ss:$0x81] =	vst.msk $0xffff, v3  }
.Ltmp4:
0x3a: {  	_ = 	snop;
	(pc) =	sbr.rel .LBB1_4-.Ltmp4, $1  }
0x3b: {  	_ =	sdelay $0x3  }
.LBB1_6:
0x3c: {  	_ =	sfence.sel $0x180000  }
0x3d: {  	s2 =	simm.s32 $0x1;
	[bflag:$0x0] =	sbarrier.arrive $0xFFFF  }
0x3e: {  	s31 =	simm.s32 $0x2;
	[sflag:s2] =	ssyncpa.u1 $0x1  }
0x3f: {  	[sflag:s31] =	ssyncpa.u1 $0x1  }
0x40: {  	p0 =	sne.s32 s0, $0x0;
	_ =	strace $0x9000004A  }
0x41: {  	s0 =	sadd.s32 @!p0 $0x100000, s1;
	[bflag:$0x2] =	sbarrier.arrive $0xFFFF  }
0x42: {  	[sflag:s0] =	ssyncadd.tile.s32 @!p0 $0x1;
	_ =	shalt  }
.Lfunc_end1:
_tile_overlayer_lowered:
.L_overlay_start_2:
0x43: {  	(tag) =	ssettag $0x2  }
0x44: {  	s0 =	rddreg [dreg:$0x0];
	s2 =	stileid.u32  }
0x45: {  	s1 =	rddreg [dreg:$0x1];
	p0 =	sne.s32 s2, $0x0  }
0x46: {  	s3 =	rddreg [dreg:$0x2];
	[bflag:$0x3] =	sbarrier.arrive $0xFFFF;
	s2 =	simm.s32 @!p0 $0x1C01  }
0x47: {  	[timem:s3], [sflag:s2] =	dma.local @!p0 [hbm:s0], s1  }
0x48: {  	s0 =	simm.s32 @!p0 $0x1  }
0x49: {  	_ =	swait.ge @!p0 [sflag:s0], s1  }
0x4a: {  	s1 =	ssub.s32 @!p0 $0x0, s1;
	[sflag:s0] =	ssyncset.done @!p0 $0x0  }
0x4b: {  	[sflag:s0] =	ssyncadd.s32 @!p0 s1  }
0x4c: {  	[bflag:$0x3] =	sbarrier.arrive $0xFFFF  }
0x4d: {  	_ =	shalt  }

</sc_bundles>
